<compile_context>
chip_gen: v7x
topology: tpu7x:2x2x1
jax: 0.10.2.dev20260603
libtpu: 0.0.44.dev20260713+nightly
codegen_flags: <defaults>
</compile_context>

<pallas_src>
import functools

import jax
import jax.numpy as jnp
from jax import lax
from jax.experimental import pallas as pl
from jax.experimental.pallas import tpu as pltpu
from jax.experimental.pallas import tpu_sc as plsc

BATCH = 8
VOCAB = 100000
D = 64
K = 10
L = 16

NC = 2
NS = 16

CHUNK_STRIDE = 25008
PROC = 24976
UNROLL = 7
NGROUP = 223
GAP_OFFS = (24976, 49984, 74992)
GAP_LEN = 32

RBLK = 8192
NBLK = 98
SROWS = NBLK * 64

NEG_INF = float("-inf")


def _merge_top16(tv, ti, sv_desc, si_desc):
    take = sv_desc > tv
    nv = jnp.where(take, sv_desc, tv)
    ni = jnp.where(take, si_desc, ti)
    return plsc.sort_key_val(nv, ni, descending=False)


def _scores_tc(af2, W):
    def body(x_ref, w_ref, o_ref):
        y = lax.dot_general(
            x_ref[...],
            w_ref[...],
            (((1,), (0,)), ((), ())),
            preferred_element_type=jnp.float32,
        )
        o_ref[...] = y.reshape(64, 128)

    out = pl.pallas_call(
        body,
        grid=(NBLK,),
        in_specs=[
            pl.BlockSpec((RBLK, D), lambda i: (i, 0)),
            pl.BlockSpec((D, 1), lambda i: (0, 0)),
        ],
        out_specs=pl.BlockSpec((64, 128), lambda i: (i, 0)),
        out_shape=jax.ShapeDtypeStruct((SROWS, 128), jnp.float32),
    )(af2, W)
    return out.reshape(SROWS * 128)


def _topk_sc(scores):
    mesh = plsc.VectorSubcoreMesh(
        core_axis_name="c", subcore_axis_name="s", num_cores=NC, num_subcores=NS
    )

    @functools.partial(
        pl.kernel,
        out_type=jax.ShapeDtypeStruct((BATCH * L,), jnp.int32),
        mesh=mesh,
        compiler_params=pltpu.CompilerParams(
            needs_layout_passes=False, use_tc_tiling_on_sc=False
        ),
        scratch_types=[
            pltpu.VMEM((PROC,), jnp.float32),
            pltpu.VMEM((6 * L,), jnp.float32),
            pltpu.VMEM((L,), jnp.float32),
            pltpu.VMEM((L,), jnp.int32),
            pltpu.VMEM((4, L), jnp.float32),
            pltpu.VMEM((4, L), jnp.int32),
            pltpu.VMEM((L,), jnp.int32),
            pltpu.VMEM_SHARED((NS, L), jnp.float32),
            pltpu.VMEM_SHARED((NS, L), jnp.int32),
        ],
    )
    def k(sc_hbm, out_hbm, buf, gapbuf, pubv, pubi, cv, ci, outi, shv, shi):
        core = lax.axis_index("c")
        sub = lax.axis_index("s")
        wid = core * NS + sub
        b = wid // 4
        c = wid % 4
        boff = b * VOCAB
        start = boff + c * CHUNK_STRIDE

        pltpu.sync_copy(sc_hbm.at[pl.ds(start, PROC)], buf)

        lane = lax.iota(jnp.int32, L)
        tv0 = jnp.full((L,), NEG_INF, jnp.float32)
        ti0 = jnp.zeros((L,), jnp.int32)

        def group_body(g, carry):
            base = g * (UNROLL * L)
            vs = [buf[pl.ds(base + j * L, L)] for j in range(UNROLL)]
            m = vs[0]
            for j in range(1, UNROLL):
                m = jnp.maximum(m, vs[j])

            def hit(carry):
                tv, ti, thr = carry
                for j in range(UNROLL):
                    v = vs[j]

                    def do_merge(cr, v=v, j=j):
                        tv, ti, _ = cr
                        gidx = start + base + j * L + lane
                        sv, si = plsc.sort_key_val(v, gidx, descending=True)
                        tv2, ti2 = _merge_top16(tv, ti, sv, si)
                        return tv2, ti2, jnp.min(tv2)

                    tv, ti, thr = lax.cond(
                        jnp.any(v > thr), do_merge, lambda cr: cr, (tv, ti, thr)
                    )
                return tv, ti, thr

            return lax.cond(jnp.any(m > carry[2]), hit, lambda cr: cr, carry)

        tv, ti, _ = lax.fori_loop(
            0, NGROUP, group_body, (tv0, ti0, jnp.float32(NEG_INF))
        )
        pubv[...] = tv
        pubi[...] = ti

        @pl.when(c == 0)
        def _():
            for g, off in enumerate(GAP_OFFS):
                pltpu.sync_copy(
                    sc_hbm.at[pl.ds(boff + off, GAP_LEN)],
                    gapbuf.at[pl.ds(g * GAP_LEN, GAP_LEN)],
                )
            gv = pubv[...]
            gi = pubi[...]
            for j in range(6):
                v = gapbuf[pl.ds(j * L, L)]
                gidx = boff + GAP_OFFS[j // 2] + (j % 2) * L + lane
                sv, si = plsc.sort_key_val(v, gidx, descending=True)
                gv, gi = _merge_top16(gv, gi, sv, si)
            pubv[...] = gv
            pubi[...] = gi

        pltpu.sync_copy(pubv, shv.at[sub])
        pltpu.sync_copy(pubi, shi.at[sub])
        plsc.subcore_barrier()

        @pl.when(c == 0)
        def _():
            pltpu.sync_copy(shv.at[pl.ds(sub, 4)], cv)
            pltpu.sync_copy(shi.at[pl.ds(sub, 4)], ci)
            mv = cv[0]
            mi = ci[0]
            for j in range(1, 4):
                rv = lax.rev(cv[j], (0,))
                ri = lax.rev(ci[j], (0,))
                mv, mi = _merge_top16(mv, mi, rv, ri)
            outi[...] = lax.rev(mi, (0,))
            pltpu.sync_copy(outi, out_hbm.at[pl.ds(b * L, L)])

    return k(scores)


def _gather_tc(af2, idx):
    def body(idx_sref, *refs):
        o_ref = refs[L]
        bb = pl.program_id(0)
        rows = []
        for j in range(L):
            h = idx_sref[bb * L + j] % 8
            x = refs[j][...]
            acc = jnp.where(h == 0, x[0:1, :], 0.0)
            for hh in range(1, 8):
                acc = acc + jnp.where(h == hh, x[hh : hh + 1, :], 0.0)
            rows.append(acc)
        o_ref[...] = jnp.concatenate(rows, axis=0)[None]

    def mk_spec(j):
        return pl.BlockSpec(
            (8, D), lambda bb, idx_ref, j=j: (idx_ref[bb * L + j] // 8, 0)
        )

    out = pl.pallas_call(
        body,
        grid_spec=pltpu.PrefetchScalarGridSpec(
            num_scalar_prefetch=1,
            grid=(BATCH,),
            in_specs=[mk_spec(j) for j in range(L)],
            out_specs=pl.BlockSpec((1, L, D), lambda bb, idx_ref: (bb, 0, 0)),
        ),
        out_shape=jax.ShapeDtypeStruct((BATCH, L, D), jnp.float32),
    )(idx, *([af2] * L))
    return out


def kernel(activation_field, W, b):
    af2 = activation_field.reshape(BATCH * VOCAB, D)
    scores = _scores_tc(af2, W)
    idx = _topk_sc(scores)
    gathered = _gather_tc(af2, idx)
    return gathered[:, :K, :]

# --- scband reference (transcript-rebuilt; emitter-appended) ---
"""Pipeline reference for scband-peak-detector-77438260347440 (READ-ONLY COPY).

The authoritative reference and input builder live on the scoring server;
editing this copy changes nothing except your own understanding.
"""

import jax, jax.numpy as jnp
import numpy as np

BATCH = 8
VOCAB = 100000
NOISE_DIM = 64
NUM_PEAKS = 10


def setup_inputs(seed: int = 0) -> dict:
    key = jax.random.key(seed)
    k1, k2, k3 = jax.random.split(key, 3)
    activation_field = jax.random.normal(k1, (BATCH, VOCAB, NOISE_DIM), dtype=jnp.float32)
    # nn.Linear(noise_dim, 1) parameters
    bound = 1.0 / np.sqrt(NOISE_DIM)
    W = jax.random.uniform(k2, (NOISE_DIM, 1), minval=-bound, maxval=bound, dtype=jnp.float32)
    b = jax.random.uniform(k3, (1,), minval=-bound, maxval=bound, dtype=jnp.float32)
    return {"activation_field": activation_field, "W": W, "b": b}


def reference(activation_field, W, b):
    # scores = self.attention(activation_field).squeeze(-1)
    scores = (activation_field @ W + b)[..., 0]  # [batch, vocab]
    num_peaks = min(NUM_PEAKS, scores.shape[-1])
    # top_k = torch.topk(scores, k=num_peaks, dim=-1)
    _, peak_indices = jax.lax.top_k(scores, num_peaks)  # [batch, num_peaks]
    # exploration branch skipped: exploration_rate=0.0 (random.random() < 0.0 is never true)
    # selected = torch.gather(activation_field, 1, peak_indices_expanded)
    selected = jnp.take_along_axis(activation_field, peak_indices[:, :, None], axis=1)
    return selected  # [batch, num_peaks, noise_dim]

if __name__ == "__main__":
    import jax
    _d = setup_inputs()
    print(jax.jit(kernel)(*tuple(_d.values())))

</pallas_src>

<mosaic_0001>
#map = affine_map<(d0, d1) -> (0)>
module attributes {stable_mosaic.version = 14 : i64} {
  func.func @k(%arg0: i32, %arg1: i32, %arg2: memref<802816xf32, #tpu.memory_space<hbm>>, %arg3: memref<128xi32, #tpu.memory_space<hbm>>, %arg4: memref<24976xf32, #tpu.memory_space<vmem>>, %arg5: memref<96xf32, #tpu.memory_space<vmem>>, %arg6: memref<16xf32, #tpu.memory_space<vmem>>, %arg7: memref<16xi32, #tpu.memory_space<vmem>>, %arg8: memref<4x16xf32, #tpu.memory_space<vmem>>, %arg9: memref<4x16xi32, #tpu.memory_space<vmem>>, %arg10: memref<16xi32, #tpu.memory_space<vmem>>, %arg11: memref<16x16xf32, #tpu.memory_space<vmem_shared>>, %arg12: memref<16x16xi32, #tpu.memory_space<vmem_shared>>) attributes {dimension_semantics = [#tpu.dimension_semantics<core_parallel>, #tpu.dimension_semantics<subcore_parallel>], iteration_bounds = array<i64: 2, 16>, scalar_prefetch = 0 : i64, scratch_operands = 9 : i64, tpu.core_type = #tpu.core_type<sc_vector_subcore>, window_params = [{transform_indices = #map}, {transform_indices = #map}]} {
    %mul3A = arith.constant 16 : i32
    %mul3A_0 = arith.muli %arg0, %mul3A : i32
    %add3A = arith.addi %mul3A_0, %arg1 : i32
    %jit3A = arith.constant 4 : i32
    %div3A = arith.divsi %add3A, %jit3A : i32
    %sign3A = arith.constant 0 : i32
    %sign3A_1 = arith.cmpi sgt, %add3A, %sign3A : i32
    %sign3A_2 = arith.extui %sign3A_1 : i1 to i32
    %sign3A_3 = arith.constant 0 : i32
    %sign3A_4 = arith.cmpi slt, %add3A, %sign3A_3 : i32
    %sign3A_5 = arith.extui %sign3A_4 : i1 to i32
    %sign3A_6 = arith.subi %sign3A_2, %sign3A_5 : i32
    %sign3A_7 = arith.constant 0 : i32
    %sign3A_8 = arith.cmpi sgt, %jit3A, %sign3A_7 : i32
    %sign3A_9 = arith.extui %sign3A_8 : i1 to i32
    %sign3A_10 = arith.constant 0 : i32
    %sign3A_11 = arith.cmpi slt, %jit3A, %sign3A_10 : i32
    %sign3A_12 = arith.extui %sign3A_11 : i1 to i32
    %sign3A_13 = arith.subi %sign3A_9, %sign3A_12 : i32
    %ne3A = arith.cmpi ne, %sign3A_6, %sign3A_13 : i32
    %rem3A = arith.remsi %add3A, %jit3A : i32
    %ne3A_14 = arith.constant 0 : i32
    %ne3A_15 = arith.cmpi ne, %rem3A, %ne3A_14 : i32
    %and3A = arith.andi %ne3A, %ne3A_15 : i1
    %sub3A = arith.constant 1 : i32
    %sub3A_16 = arith.subi %div3A, %sub3A : i32
    %select_n3A = arith.select %and3A, %sub3A_16, %div3A : i32
    %jit3A_17 = arith.constant 4 : i32
    %eq3A = arith.constant 0 : i32
    %eq3A_18 = arith.cmpi eq, %jit3A_17, %eq3A : i32
    %jit3A_19 = arith.constant 1 : i32
    %select_n3A_20 = arith.select %eq3A_18, %jit3A_19, %jit3A_17 : i32
    %rem3A_21 = arith.remsi %add3A, %select_n3A_20 : i32
    %ne3A_22 = arith.constant 0 : i32
    %ne3A_23 = arith.cmpi ne, %rem3A_21, %ne3A_22 : i32
    %lt3A = arith.constant 0 : i32
    %lt3A_24 = arith.cmpi slt, %rem3A_21, %lt3A : i32
    %lt3A_25 = arith.constant 0 : i32
    %lt3A_26 = arith.cmpi slt, %select_n3A_20, %lt3A_25 : i32
    %ne3A_27 = arith.xori %lt3A_24, %lt3A_26 : i1
    %and3A_28 = arith.andi %ne3A_27, %ne3A_23 : i1
    %add3A_29 = arith.addi %rem3A_21, %select_n3A_20 : i32
    %select_n3A_30 = arith.select %and3A_28, %add3A_29, %rem3A_21 : i32
    %mul3A_31 = arith.constant 100000 : i32
    %mul3A_32 = arith.muli %select_n3A, %mul3A_31 : i32
    %mul3A_33 = arith.constant 25008 : i32
    %mul3A_34 = arith.muli %select_n3A_30, %mul3A_33 : i32
    %add3A_35 = arith.addi %mul3A_32, %mul3A_34 : i32
    "tpu.region"() ({
      %run_scoped3A = tpu.sem_alloc : memref<!tpu.dma_semaphore, #tpu.memory_space<semaphore_mem>>
      %dma_start3A = tpu.memref_slice %arg2[%add3A_35] : memref<802816xf32, #tpu.memory_space<hbm>> -> memref<24976xf32, #tpu.memory_space<hbm>>
      %dma_start3A_56 = tpu.memref_slice %arg2[%add3A_35] : memref<802816xf32, #tpu.memory_space<hbm>> -> memref<24976xf32, #tpu.memory_space<hbm>>
      tpu.enqueue_dma source(%dma_start3A_56 : memref<24976xf32, #tpu.memory_space<hbm>>) target(%arg4 : memref<24976xf32, #tpu.memory_space<vmem>>) target_semaphore(%run_scoped3A : memref<!tpu.dma_semaphore, #tpu.memory_space<semaphore_mem>>)
      %dma_wait3A = tpu.memref_slice %arg2[%add3A_35] : memref<802816xf32, #tpu.memory_space<hbm>> -> memref<24976xf32, #tpu.memory_space<hbm>>
      %dma_wait3A_57 = tpu.memref_slice %arg2[%add3A_35] : memref<802816xf32, #tpu.memory_space<hbm>> -> memref<24976xf32, #tpu.memory_space<hbm>>
      tpu.wait_dma2 semaphore(%run_scoped3A : memref<!tpu.dma_semaphore, #tpu.memory_space<semaphore_mem>>) src(%dma_wait3A_57 : memref<24976xf32, #tpu.memory_space<hbm>>) dst(%arg4 : memref<24976xf32, #tpu.memory_space<vmem>>)
      tpu.yield
    }) : () -> ()
    %iota3A = tpu.iota {dimensions = array<i32: 0>} : vector<16xi32>
    %broadcast_in_dim3A = arith.constant 0xFF800000 : f32
    %broadcast_in_dim3A_36 = vector.broadcast %broadcast_in_dim3A : f32 to vector<16xf32>
    %broadcast_in_dim3A_37 = arith.constant 0 : i32
    %broadcast_in_dim3A_38 = vector.broadcast %broadcast_in_dim3A_37 : i32 to vector<16xi32>
    %scan3A = arith.constant 0xFF800000 : f32
    %scan3A_39 = arith.constant 0 : i32
    %scan3A_40 = arith.constant 223 : i32
    %scan3A_41 = arith.addi %scan3A_39, %scan3A_40 : i32
    %scan3A_42 = arith.constant 1 : i32
    %scan3A_43:3 = scf.for %scan3A_56 = %scan3A_39 to %scan3A_41 step %scan3A_42 iter_args(%scan3A_57 = %broadcast_in_dim3A_36, %scan3A_58 = %broadcast_in_dim3A_38, %scan3A_59 = %scan3A) -> (vector<16xf32>, vector<16xi32>, f32)  : i32 {
      %mul3A_60 = arith.constant 112 : i32
      %mul3A_61 = arith.muli %scan3A_56, %mul3A_60 : i32
      %add3A_62 = arith.constant 0 : i32
      %add3A_63 = arith.addi %mul3A_61, %add3A_62 : i32
      %get3A = arith.index_cast %add3A_63 : i32 to index
      %get3A_64 = tpu.vector_load %arg4[%get3A] {strides = array<i32>} : memref<24976xf32, #tpu.memory_space<vmem>>, vector<16xf32>,
      %add3A_65 = arith.constant 16 : i32
      %add3A_66 = arith.addi %mul3A_61, %add3A_65 : i32
      %get3A_67 = arith.index_cast %add3A_66 : i32 to index
      %get3A_68 = tpu.vector_load %arg4[%get3A_67] {strides = array<i32>} : memref<24976xf32, #tpu.memory_space<vmem>>, vector<16xf32>,
      %add3A_69 = arith.constant 32 : i32
      %add3A_70 = arith.addi %mul3A_61, %add3A_69 : i32
      %get3A_71 = arith.index_cast %add3A_70 : i32 to index
      %get3A_72 = tpu.vector_load %arg4[%get3A_71] {strides = array<i32>} : memref<24976xf32, #tpu.memory_space<vmem>>, vector<16xf32>,
      %add3A_73 = arith.constant 48 : i32
      %add3A_74 = arith.addi %mul3A_61, %add3A_73 : i32
      %get3A_75 = arith.index_cast %add3A_74 : i32 to index
      %get3A_76 = tpu.vector_load %arg4[%get3A_75] {strides = array<i32>} : memref<24976xf32, #tpu.memory_space<vmem>>, vector<16xf32>,
      %add3A_77 = arith.constant 64 : i32
      %add3A_78 = arith.addi %mul3A_61, %add3A_77 : i32
      %get3A_79 = arith.index_cast %add3A_78 : i32 to index
      %get3A_80 = tpu.vector_load %arg4[%get3A_79] {strides = array<i32>} : memref<24976xf32, #tpu.memory_space<vmem>>, vector<16xf32>,
      %add3A_81 = arith.constant 80 : i32
      %add3A_82 = arith.addi %mul3A_61, %add3A_81 : i32
      %get3A_83 = arith.index_cast %add3A_82 : i32 to index
      %get3A_84 = tpu.vector_load %arg4[%get3A_83] {strides = array<i32>} : memref<24976xf32, #tpu.memory_space<vmem>>, vector<16xf32>,
      %add3A_85 = arith.constant 96 : i32
      %add3A_86 = arith.addi %mul3A_61, %add3A_85 : i32
      %get3A_87 = arith.index_cast %add3A_86 : i32 to index
      %get3A_88 = tpu.vector_load %arg4[%get3A_87] {strides = array<i32>} : memref<24976xf32, #tpu.memory_space<vmem>>, vector<16xf32>,
      %max3A = arith.maximumf %get3A_64, %get3A_68 : vector<16xf32>
      %max3A_89 = arith.maximumf %max3A, %get3A_72 : vector<16xf32>
      %max3A_90 = arith.maximumf %max3A_89, %get3A_76 : vector<16xf32>
      %max3A_91 = arith.maximumf %max3A_90, %get3A_80 : vector<16xf32>
      %max3A_92 = arith.maximumf %max3A_91, %get3A_84 : vector<16xf32>
      %max3A_93 = arith.maximumf %max3A_92, %get3A_88 : vector<16xf32>
      %gt3A = vector.broadcast %scan3A_59 : f32 to vector<16xf32>
      %gt3A_94 = arith.cmpf ogt, %max3A_93, %gt3A : vector<16xf32>
      %reduce_or3A = arith.constant 1.000000e+00 : f32
      %reduce_or3A_95 = arith.constant 0.000000e+00 : f32
      %reduce_or3A_96 = vector.broadcast %reduce_or3A : f32 to vector<16xf32>
      %reduce_or3A_97 = vector.broadcast %reduce_or3A_95 : f32 to vector<16xf32>
      %reduce_or3A_98 = arith.select %gt3A_94, %reduce_or3A_96, %reduce_or3A_97 : vector<16xi1>, vector<16xf32>
      %reduce_or3A_99 = arith.constant true
      %reduce_or3A_100 = vector.broadcast %reduce_or3A_99 : i1 to vector<16xi1>
      %reduce_or3A_101 = tpu.scan <max>, %reduce_or3A_98 masked %reduce_or3A_100 : vector<16xf32>, vector<16xi1> -> vector<16xf32>
      %reduce_or3A_102 = vector.extract %reduce_or3A_101[15] : f32 from vector<16xf32>
      %reduce_or3A_103 = arith.constant 0.000000e+00 : f32
      %reduce_or3A_104 = arith.cmpf ogt, %reduce_or3A_102, %reduce_or3A_103 : f32
      %convert_element_type3A_105 = arith.extui %reduce_or3A_104 : i1 to i32
      %cond3A_106 = arith.constant 0 : i32
      %cond3A_107 = arith.cmpi ne, %convert_element_type3A_105, %cond3A_106 : i32
      %cond3A_108:3 = scf.if %cond3A_107 -> (vector<16xf32>, vector<16xi32>, f32) {
        %gt3A_109 = vector.broadcast %scan3A_59 : f32 to vector<16xf32>
        %gt3A_110 = arith.cmpf ogt, %get3A_64, %gt3A_109 : vector<16xf32>
        %reduce_or3A_111 = arith.constant 1.000000e+00 : f32
        %reduce_or3A_112 = arith.constant 0.000000e+00 : f32
        %reduce_or3A_113 = vector.broadcast %reduce_or3A_111 : f32 to vector<16xf32>
        %reduce_or3A_114 = vector.broadcast %reduce_or3A_112 : f32 to vector<16xf32>
        %reduce_or3A_115 = arith.select %gt3A_110, %reduce_or3A_113, %reduce_or3A_114 : vector<16xi1>, vector<16xf32>
        %reduce_or3A_116 = arith.constant true
        %reduce_or3A_117 = vector.broadcast %reduce_or3A_116 : i1 to vector<16xi1>
        %reduce_or3A_118 = tpu.scan <max>, %reduce_or3A_115 masked %reduce_or3A_117 : vector<16xf32>, vector<16xi1> -> vector<16xf32>
        %reduce_or3A_119 = vector.extract %reduce_or3A_118[15] : f32 from vector<16xf32>
        %reduce_or3A_120 = arith.constant 0.000000e+00 : f32
        %reduce_or3A_121 = arith.cmpf ogt, %reduce_or3A_119, %reduce_or3A_120 : f32
        %convert_element_type3A_122 = arith.extui %reduce_or3A_121 : i1 to i32
        %cond3A_123 = arith.constant 0 : i32
        %cond3A_124 = arith.cmpi ne, %convert_element_type3A_122, %cond3A_123 : i32
        %cond3A_125:3 = scf.if %cond3A_124 -> (vector<16xf32>, vector<16xi32>, f32) {
          %add3A_228 = arith.addi %add3A_35, %mul3A_61 : i32
          %add3A_229 = arith.constant 0 : i32
          %add3A_230 = arith.addi %add3A_228, %add3A_229 : i32
          %add3A_231 = vector.broadcast %add3A_230 : i32 to vector<16xi32>
          %add3A_232 = arith.addi %add3A_231, %iota3A : vector<16xi32>
          %masked_sort3A = arith.constant dense<true> : vector<16xi1>
          %masked_sort3A_233, %masked_sort3A_234, %masked_sort3A_235 = tpu.sort %get3A_64, %add3A_232 masked %masked_sort3A {descending = true} : (vector<16xf32>, vector<16xi32>, vector<16xi1>) -> (vector<16xi1>, vector<16xf32>, vector<16xi32>)
          %gt3A_236 = arith.cmpf ogt, %masked_sort3A_234, %scan3A_57 : vector<16xf32>
          %select_n3A_237 = arith.select %gt3A_236, %masked_sort3A_234, %scan3A_57 : vector<16xi1>, vector<16xf32>
          %select_n3A_238 = arith.select %gt3A_236, %masked_sort3A_235, %scan3A_58 : vector<16xi1>, vector<16xi32>
          %masked_sort3A_239 = arith.constant dense<true> : vector<16xi1>
          %masked_sort3A_240, %masked_sort3A_241, %masked_sort3A_242 = tpu.sort %select_n3A_237, %select_n3A_238 masked %masked_sort3A_239 : (vector<16xf32>, vector<16xi32>, vector<16xi1>) -> (vector<16xi1>, vector<16xf32>, vector<16xi32>)
          %reduce_min3A = arith.constant true
          %reduce_min3A_243 = vector.broadcast %reduce_min3A : i1 to vector<16xi1>
          %reduce_min3A_244 = tpu.scan <min>, %masked_sort3A_241 masked %reduce_min3A_243 : vector<16xf32>, vector<16xi1> -> vector<16xf32>
          %reduce_min3A_245 = vector.extract %reduce_min3A_244[15] : f32 from vector<16xf32>
          scf.yield %masked_sort3A_241, %masked_sort3A_242, %reduce_min3A_245 : vector<16xf32>, vector<16xi32>, f32
        } else {
          scf.yield %scan3A_57, %scan3A_58, %scan3A_59 : vector<16xf32>, vector<16xi32>, f32
        }
        %gt3A_126 = vector.broadcast %cond3A_125#2 : f32 to vector<16xf32>
        %gt3A_127 = arith.cmpf ogt, %get3A_68, %gt3A_126 : vector<16xf32>
        %reduce_or3A_128 = arith.constant 1.000000e+00 : f32
        %reduce_or3A_129 = arith.constant 0.000000e+00 : f32
        %reduce_or3A_130 = vector.broadcast %reduce_or3A_128 : f32 to vector<16xf32>
        %reduce_or3A_131 = vector.broadcast %reduce_or3A_129 : f32 to vector<16xf32>
        %reduce_or3A_132 = arith.select %gt3A_127, %reduce_or3A_130, %reduce_or3A_131 : vector<16xi1>, vector<16xf32>
        %reduce_or3A_133 = arith.constant true
        %reduce_or3A_134 = vector.broadcast %reduce_or3A_133 : i1 to vector<16xi1>
        %reduce_or3A_135 = tpu.scan <max>, %reduce_or3A_132 masked %reduce_or3A_134 : vector<16xf32>, vector<16xi1> -> vector<16xf32>
        %reduce_or3A_136 = vector.extract %reduce_or3A_135[15] : f32 from vector<16xf32>
        %reduce_or3A_137 = arith.constant 0.000000e+00 : f32
        %reduce_or3A_138 = arith.cmpf ogt, %reduce_or3A_136, %reduce_or3A_137 : f32
        %convert_element_type3A_139 = arith.extui %reduce_or3A_138 : i1 to i32
        %cond3A_140 = arith.constant 0 : i32
        %cond3A_141 = arith.cmpi ne, %convert_element_type3A_139, %cond3A_140 : i32
        %cond3A_142:3 = scf.if %cond3A_141 -> (vector<16xf32>, vector<16xi32>, f32) {
          %add3A_228 = arith.addi %add3A_35, %mul3A_61 : i32
          %add3A_229 = arith.constant 16 : i32
          %add3A_230 = arith.addi %add3A_228, %add3A_229 : i32
          %add3A_231 = vector.broadcast %add3A_230 : i32 to vector<16xi32>
          %add3A_232 = arith.addi %add3A_231, %iota3A : vector<16xi32>
          %masked_sort3A = arith.constant dense<true> : vector<16xi1>
          %masked_sort3A_233, %masked_sort3A_234, %masked_sort3A_235 = tpu.sort %get3A_68, %add3A_232 masked %masked_sort3A {descending = true} : (vector<16xf32>, vector<16xi32>, vector<16xi1>) -> (vector<16xi1>, vector<16xf32>, vector<16xi32>)
          %gt3A_236 = arith.cmpf ogt, %masked_sort3A_234, %cond3A_125#0 : vector<16xf32>
          %select_n3A_237 = arith.select %gt3A_236, %masked_sort3A_234, %cond3A_125#0 : vector<16xi1>, vector<16xf32>
          %select_n3A_238 = arith.select %gt3A_236, %masked_sort3A_235, %cond3A_125#1 : vector<16xi1>, vector<16xi32>
          %masked_sort3A_239 = arith.constant dense<true> : vector<16xi1>
          %masked_sort3A_240, %masked_sort3A_241, %masked_sort3A_242 = tpu.sort %select_n3A_237, %select_n3A_238 masked %masked_sort3A_239 : (vector<16xf32>, vector<16xi32>, vector<16xi1>) -> (vector<16xi1>, vector<16xf32>, vector<16xi32>)
          %reduce_min3A = arith.constant true
          %reduce_min3A_243 = vector.broadcast %reduce_min3A : i1 to vector<16xi1>
          %reduce_min3A_244 = tpu.scan <min>, %masked_sort3A_241 masked %reduce_min3A_243 : vector<16xf32>, vector<16xi1> -> vector<16xf32>
          %reduce_min3A_245 = vector.extract %reduce_min3A_244[15] : f32 from vector<16xf32>
          scf.yield %masked_sort3A_241, %masked_sort3A_242, %reduce_min3A_245 : vector<16xf32>, vector<16xi32>, f32
        } else {
          scf.yield %cond3A_125#0, %cond3A_125#1, %cond3A_125#2 : vector<16xf32>, vector<16xi32>, f32
        }
        %gt3A_143 = vector.broadcast %cond3A_142#2 : f32 to vector<16xf32>
        %gt3A_144 = arith.cmpf ogt, %get3A_72, %gt3A_143 : vector<16xf32>
        %reduce_or3A_145 = arith.constant 1.000000e+00 : f32
        %reduce_or3A_146 = arith.constant 0.000000e+00 : f32
        %reduce_or3A_147 = vector.broadcast %reduce_or3A_145 : f32 to vector<16xf32>
        %reduce_or3A_148 = vector.broadcast %reduce_or3A_146 : f32 to vector<16xf32>
        %reduce_or3A_149 = arith.select %gt3A_144, %reduce_or3A_147, %reduce_or3A_148 : vector<16xi1>, vector<16xf32>
        %reduce_or3A_150 = arith.constant true
        %reduce_or3A_151 = vector.broadcast %reduce_or3A_150 : i1 to vector<16xi1>
        %reduce_or3A_152 = tpu.scan <max>, %reduce_or3A_149 masked %reduce_or3A_151 : vector<16xf32>, vector<16xi1> -> vector<16xf32>
        %reduce_or3A_153 = vector.extract %reduce_or3A_152[15] : f32 from vector<16xf32>
        %reduce_or3A_154 = arith.constant 0.000000e+00 : f32
        %reduce_or3A_155 = arith.cmpf ogt, %reduce_or3A_153, %reduce_or3A_154 : f32
        %convert_element_type3A_156 = arith.extui %reduce_or3A_155 : i1 to i32
        %cond3A_157 = arith.constant 0 : i32
        %cond3A_158 = arith.cmpi ne, %convert_element_type3A_156, %cond3A_157 : i32
        %cond3A_159:3 = scf.if %cond3A_158 -> (vector<16xf32>, vector<16xi32>, f32) {
          %add3A_228 = arith.addi %add3A_35, %mul3A_61 : i32
          %add3A_229 = arith.constant 32 : i32
          %add3A_230 = arith.addi %add3A_228, %add3A_229 : i32
          %add3A_231 = vector.broadcast %add3A_230 : i32 to vector<16xi32>
          %add3A_232 = arith.addi %add3A_231, %iota3A : vector<16xi32>
          %masked_sort3A = arith.constant dense<true> : vector<16xi1>
          %masked_sort3A_233, %masked_sort3A_234, %masked_sort3A_235 = tpu.sort %get3A_72, %add3A_232 masked %masked_sort3A {descending = true} : (vector<16xf32>, vector<16xi32>, vector<16xi1>) -> (vector<16xi1>, vector<16xf32>, vector<16xi32>)
          %gt3A_236 = arith.cmpf ogt, %masked_sort3A_234, %cond3A_142#0 : vector<16xf32>
          %select_n3A_237 = arith.select %gt3A_236, %masked_sort3A_234, %cond3A_142#0 : vector<16xi1>, vector<16xf32>
          %select_n3A_238 = arith.select %gt3A_236, %masked_sort3A_235, %cond3A_142#1 : vector<16xi1>, vector<16xi32>
          %masked_sort3A_239 = arith.constant dense<true> : vector<16xi1>
          %masked_sort3A_240, %masked_sort3A_241, %masked_sort3A_242 = tpu.sort %select_n3A_237, %select_n3A_238 masked %masked_sort3A_239 : (vector<16xf32>, vector<16xi32>, vector<16xi1>) -> (vector<16xi1>, vector<16xf32>, vector<16xi32>)
          %reduce_min3A = arith.constant true
          %reduce_min3A_243 = vector.broadcast %reduce_min3A : i1 to vector<16xi1>
          %reduce_min3A_244 = tpu.scan <min>, %masked_sort3A_241 masked %reduce_min3A_243 : vector<16xf32>, vector<16xi1> -> vector<16xf32>
          %reduce_min3A_245 = vector.extract %reduce_min3A_244[15] : f32 from vector<16xf32>
          scf.yield %masked_sort3A_241, %masked_sort3A_242, %reduce_min3A_245 : vector<16xf32>, vector<16xi32>, f32
        } else {
          scf.yield %cond3A_142#0, %cond3A_142#1, %cond3A_142#2 : vector<16xf32>, vector<16xi32>, f32
        }
        %gt3A_160 = vector.broadcast %cond3A_159#2 : f32 to vector<16xf32>
        %gt3A_161 = arith.cmpf ogt, %get3A_76, %gt3A_160 : vector<16xf32>
        %reduce_or3A_162 = arith.constant 1.000000e+00 : f32
        %reduce_or3A_163 = arith.constant 0.000000e+00 : f32
        %reduce_or3A_164 = vector.broadcast %reduce_or3A_162 : f32 to vector<16xf32>
        %reduce_or3A_165 = vector.broadcast %reduce_or3A_163 : f32 to vector<16xf32>
        %reduce_or3A_166 = arith.select %gt3A_161, %reduce_or3A_164, %reduce_or3A_165 : vector<16xi1>, vector<16xf32>
        %reduce_or3A_167 = arith.constant true
        %reduce_or3A_168 = vector.broadcast %reduce_or3A_167 : i1 to vector<16xi1>
        %reduce_or3A_169 = tpu.scan <max>, %reduce_or3A_166 masked %reduce_or3A_168 : vector<16xf32>, vector<16xi1> -> vector<16xf32>
        %reduce_or3A_170 = vector.extract %reduce_or3A_169[15] : f32 from vector<16xf32>
        %reduce_or3A_171 = arith.constant 0.000000e+00 : f32
        %reduce_or3A_172 = arith.cmpf ogt, %reduce_or3A_170, %reduce_or3A_171 : f32
        %convert_element_type3A_173 = arith.extui %reduce_or3A_172 : i1 to i32
        %cond3A_174 = arith.constant 0 : i32
        %cond3A_175 = arith.cmpi ne, %convert_element_type3A_173, %cond3A_174 : i32
        %cond3A_176:3 = scf.if %cond3A_175 -> (vector<16xf32>, vector<16xi32>, f32) {
          %add3A_228 = arith.addi %add3A_35, %mul3A_61 : i32
          %add3A_229 = arith.constant 48 : i32
          %add3A_230 = arith.addi %add3A_228, %add3A_229 : i32
          %add3A_231 = vector.broadcast %add3A_230 : i32 to vector<16xi32>
          %add3A_232 = arith.addi %add3A_231, %iota3A : vector<16xi32>
          %masked_sort3A = arith.constant dense<true> : vector<16xi1>
          %masked_sort3A_233, %masked_sort3A_234, %masked_sort3A_235 = tpu.sort %get3A_76, %add3A_232 masked %masked_sort3A {descending = true} : (vector<16xf32>, vector<16xi32>, vector<16xi1>) -> (vector<16xi1>, vector<16xf32>, vector<16xi32>)
          %gt3A_236 = arith.cmpf ogt, %masked_sort3A_234, %cond3A_159#0 : vector<16xf32>
          %select_n3A_237 = arith.select %gt3A_236, %masked_sort3A_234, %cond3A_159#0 : vector<16xi1>, vector<16xf32>
          %select_n3A_238 = arith.select %gt3A_236, %masked_sort3A_235, %cond3A_159#1 : vector<16xi1>, vector<16xi32>
          %masked_sort3A_239 = arith.constant dense<true> : vector<16xi1>
          %masked_sort3A_240, %masked_sort3A_241, %masked_sort3A_242 = tpu.sort %select_n3A_237, %select_n3A_238 masked %masked_sort3A_239 : (vector<16xf32>, vector<16xi32>, vector<16xi1>) -> (vector<16xi1>, vector<16xf32>, vector<16xi32>)
          %reduce_min3A = arith.constant true
          %reduce_min3A_243 = vector.broadcast %reduce_min3A : i1 to vector<16xi1>
          %reduce_min3A_244 = tpu.scan <min>, %masked_sort3A_241 masked %reduce_min3A_243 : vector<16xf32>, vector<16xi1> -> vector<16xf32>
          %reduce_min3A_245 = vector.extract %reduce_min3A_244[15] : f32 from vector<16xf32>
          scf.yield %masked_sort3A_241, %masked_sort3A_242, %reduce_min3A_245 : vector<16xf32>, vector<16xi32>, f32
        } else {
          scf.yield %cond3A_159#0, %cond3A_159#1, %cond3A_159#2 : vector<16xf32>, vector<16xi32>, f32
        }
        %gt3A_177 = vector.broadcast %cond3A_176#2 : f32 to vector<16xf32>
        %gt3A_178 = arith.cmpf ogt, %get3A_80, %gt3A_177 : vector<16xf32>
        %reduce_or3A_179 = arith.constant 1.000000e+00 : f32
        %reduce_or3A_180 = arith.constant 0.000000e+00 : f32
        %reduce_or3A_181 = vector.broadcast %reduce_or3A_179 : f32 to vector<16xf32>
        %reduce_or3A_182 = vector.broadcast %reduce_or3A_180 : f32 to vector<16xf32>
        %reduce_or3A_183 = arith.select %gt3A_178, %reduce_or3A_181, %reduce_or3A_182 : vector<16xi1>, vector<16xf32>
        %reduce_or3A_184 = arith.constant true
        %reduce_or3A_185 = vector.broadcast %reduce_or3A_184 : i1 to vector<16xi1>
        %reduce_or3A_186 = tpu.scan <max>, %reduce_or3A_183 masked %reduce_or3A_185 : vector<16xf32>, vector<16xi1> -> vector<16xf32>
        %reduce_or3A_187 = vector.extract %reduce_or3A_186[15] : f32 from vector<16xf32>
        %reduce_or3A_188 = arith.constant 0.000000e+00 : f32
        %reduce_or3A_189 = arith.cmpf ogt, %reduce_or3A_187, %reduce_or3A_188 : f32
        %convert_element_type3A_190 = arith.extui %reduce_or3A_189 : i1 to i32
        %cond3A_191 = arith.constant 0 : i32
        %cond3A_192 = arith.cmpi ne, %convert_element_type3A_190, %cond3A_191 : i32
        %cond3A_193:3 = scf.if %cond3A_192 -> (vector<16xf32>, vector<16xi32>, f32) {
          %add3A_228 = arith.addi %add3A_35, %mul3A_61 : i32
          %add3A_229 = arith.constant 64 : i32
          %add3A_230 = arith.addi %add3A_228, %add3A_229 : i32
          %add3A_231 = vector.broadcast %add3A_230 : i32 to vector<16xi32>
          %add3A_232 = arith.addi %add3A_231, %iota3A : vector<16xi32>
          %masked_sort3A = arith.constant dense<true> : vector<16xi1>
          %masked_sort3A_233, %masked_sort3A_234, %masked_sort3A_235 = tpu.sort %get3A_80, %add3A_232 masked %masked_sort3A {descending = true} : (vector<16xf32>, vector<16xi32>, vector<16xi1>) -> (vector<16xi1>, vector<16xf32>, vector<16xi32>)
          %gt3A_236 = arith.cmpf ogt, %masked_sort3A_234, %cond3A_176#0 : vector<16xf32>
          %select_n3A_237 = arith.select %gt3A_236, %masked_sort3A_234, %cond3A_176#0 : vector<16xi1>, vector<16xf32>
          %select_n3A_238 = arith.select %gt3A_236, %masked_sort3A_235, %cond3A_176#1 : vector<16xi1>, vector<16xi32>
          %masked_sort3A_239 = arith.constant dense<true> : vector<16xi1>
          %masked_sort3A_240, %masked_sort3A_241, %masked_sort3A_242 = tpu.sort %select_n3A_237, %select_n3A_238 masked %masked_sort3A_239 : (vector<16xf32>, vector<16xi32>, vector<16xi1>) -> (vector<16xi1>, vector<16xf32>, vector<16xi32>)
          %reduce_min3A = arith.constant true
          %reduce_min3A_243 = vector.broadcast %reduce_min3A : i1 to vector<16xi1>
          %reduce_min3A_244 = tpu.scan <min>, %masked_sort3A_241 masked %reduce_min3A_243 : vector<16xf32>, vector<16xi1> -> vector<16xf32>
          %reduce_min3A_245 = vector.extract %reduce_min3A_244[15] : f32 from vector<16xf32>
          scf.yield %masked_sort3A_241, %masked_sort3A_242, %reduce_min3A_245 : vector<16xf32>, vector<16xi32>, f32
        } else {
          scf.yield %cond3A_176#0, %cond3A_176#1, %cond3A_176#2 : vector<16xf32>, vector<16xi32>, f32
        }
        %gt3A_194 = vector.broadcast %cond3A_193#2 : f32 to vector<16xf32>
        %gt3A_195 = arith.cmpf ogt, %get3A_84, %gt3A_194 : vector<16xf32>
        %reduce_or3A_196 = arith.constant 1.000000e+00 : f32
        %reduce_or3A_197 = arith.constant 0.000000e+00 : f32
        %reduce_or3A_198 = vector.broadcast %reduce_or3A_196 : f32 to vector<16xf32>
        %reduce_or3A_199 = vector.broadcast %reduce_or3A_197 : f32 to vector<16xf32>
        %reduce_or3A_200 = arith.select %gt3A_195, %reduce_or3A_198, %reduce_or3A_199 : vector<16xi1>, vector<16xf32>
        %reduce_or3A_201 = arith.constant true
        %reduce_or3A_202 = vector.broadcast %reduce_or3A_201 : i1 to vector<16xi1>
        %reduce_or3A_203 = tpu.scan <max>, %reduce_or3A_200 masked %reduce_or3A_202 : vector<16xf32>, vector<16xi1> -> vector<16xf32>
        %reduce_or3A_204 = vector.extract %reduce_or3A_203[15] : f32 from vector<16xf32>
        %reduce_or3A_205 = arith.constant 0.000000e+00 : f32
        %reduce_or3A_206 = arith.cmpf ogt, %reduce_or3A_204, %reduce_or3A_205 : f32
        %convert_element_type3A_207 = arith.extui %reduce_or3A_206 : i1 to i32
        %cond3A_208 = arith.constant 0 : i32
        %cond3A_209 = arith.cmpi ne, %convert_element_type3A_207, %cond3A_208 : i32
        %cond3A_210:3 = scf.if %cond3A_209 -> (vector<16xf32>, vector<16xi32>, f32) {
          %add3A_228 = arith.addi %add3A_35, %mul3A_61 : i32
          %add3A_229 = arith.constant 80 : i32
          %add3A_230 = arith.addi %add3A_228, %add3A_229 : i32
          %add3A_231 = vector.broadcast %add3A_230 : i32 to vector<16xi32>
          %add3A_232 = arith.addi %add3A_231, %iota3A : vector<16xi32>
          %masked_sort3A = arith.constant dense<true> : vector<16xi1>
          %masked_sort3A_233, %masked_sort3A_234, %masked_sort3A_235 = tpu.sort %get3A_84, %add3A_232 masked %masked_sort3A {descending = true} : (vector<16xf32>, vector<16xi32>, vector<16xi1>) -> (vector<16xi1>, vector<16xf32>, vector<16xi32>)
          %gt3A_236 = arith.cmpf ogt, %masked_sort3A_234, %cond3A_193#0 : vector<16xf32>
          %select_n3A_237 = arith.select %gt3A_236, %masked_sort3A_234, %cond3A_193#0 : vector<16xi1>, vector<16xf32>
          %select_n3A_238 = arith.select %gt3A_236, %masked_sort3A_235, %cond3A_193#1 : vector<16xi1>, vector<16xi32>
          %masked_sort3A_239 = arith.constant dense<true> : vector<16xi1>
          %masked_sort3A_240, %masked_sort3A_241, %masked_sort3A_242 = tpu.sort %select_n3A_237, %select_n3A_238 masked %masked_sort3A_239 : (vector<16xf32>, vector<16xi32>, vector<16xi1>) -> (vector<16xi1>, vector<16xf32>, vector<16xi32>)
          %reduce_min3A = arith.constant true
          %reduce_min3A_243 = vector.broadcast %reduce_min3A : i1 to vector<16xi1>
          %reduce_min3A_244 = tpu.scan <min>, %masked_sort3A_241 masked %reduce_min3A_243 : vector<16xf32>, vector<16xi1> -> vector<16xf32>
          %reduce_min3A_245 = vector.extract %reduce_min3A_244[15] : f32 from vector<16xf32>
          scf.yield %masked_sort3A_241, %masked_sort3A_242, %reduce_min3A_245 : vector<16xf32>, vector<16xi32>, f32
        } else {
          scf.yield %cond3A_193#0, %cond3A_193#1, %cond3A_193#2 : vector<16xf32>, vector<16xi32>, f32
        }
        %gt3A_211 = vector.broadcast %cond3A_210#2 : f32 to vector<16xf32>
        %gt3A_212 = arith.cmpf ogt, %get3A_88, %gt3A_211 : vector<16xf32>
        %reduce_or3A_213 = arith.constant 1.000000e+00 : f32
        %reduce_or3A_214 = arith.constant 0.000000e+00 : f32
        %reduce_or3A_215 = vector.broadcast %reduce_or3A_213 : f32 to vector<16xf32>
        %reduce_or3A_216 = vector.broadcast %reduce_or3A_214 : f32 to vector<16xf32>
        %reduce_or3A_217 = arith.select %gt3A_212, %reduce_or3A_215, %reduce_or3A_216 : vector<16xi1>, vector<16xf32>
        %reduce_or3A_218 = arith.constant true
        %reduce_or3A_219 = vector.broadcast %reduce_or3A_218 : i1 to vector<16xi1>
        %reduce_or3A_220 = tpu.scan <max>, %reduce_or3A_217 masked %reduce_or3A_219 : vector<16xf32>, vector<16xi1> -> vector<16xf32>
        %reduce_or3A_221 = vector.extract %reduce_or3A_220[15] : f32 from vector<16xf32>
        %reduce_or3A_222 = arith.constant 0.000000e+00 : f32
        %reduce_or3A_223 = arith.cmpf ogt, %reduce_or3A_221, %reduce_or3A_222 : f32
        %convert_element_type3A_224 = arith.extui %reduce_or3A_223 : i1 to i32
        %cond3A_225 = arith.constant 0 : i32
        %cond3A_226 = arith.cmpi ne, %convert_element_type3A_224, %cond3A_225 : i32
        %cond3A_227:3 = scf.if %cond3A_226 -> (vector<16xf32>, vector<16xi32>, f32) {
          %add3A_228 = arith.addi %add3A_35, %mul3A_61 : i32
          %add3A_229 = arith.constant 96 : i32
          %add3A_230 = arith.addi %add3A_228, %add3A_229 : i32
          %add3A_231 = vector.broadcast %add3A_230 : i32 to vector<16xi32>
          %add3A_232 = arith.addi %add3A_231, %iota3A : vector<16xi32>
          %masked_sort3A = arith.constant dense<true> : vector<16xi1>
          %masked_sort3A_233, %masked_sort3A_234, %masked_sort3A_235 = tpu.sort %get3A_88, %add3A_232 masked %masked_sort3A {descending = true} : (vector<16xf32>, vector<16xi32>, vector<16xi1>) -> (vector<16xi1>, vector<16xf32>, vector<16xi32>)
          %gt3A_236 = arith.cmpf ogt, %masked_sort3A_234, %cond3A_210#0 : vector<16xf32>
          %select_n3A_237 = arith.select %gt3A_236, %masked_sort3A_234, %cond3A_210#0 : vector<16xi1>, vector<16xf32>
          %select_n3A_238 = arith.select %gt3A_236, %masked_sort3A_235, %cond3A_210#1 : vector<16xi1>, vector<16xi32>
          %masked_sort3A_239 = arith.constant dense<true> : vector<16xi1>
          %masked_sort3A_240, %masked_sort3A_241, %masked_sort3A_242 = tpu.sort %select_n3A_237, %select_n3A_238 masked %masked_sort3A_239 : (vector<16xf32>, vector<16xi32>, vector<16xi1>) -> (vector<16xi1>, vector<16xf32>, vector<16xi32>)
          %reduce_min3A = arith.constant true
          %reduce_min3A_243 = vector.broadcast %reduce_min3A : i1 to vector<16xi1>
          %reduce_min3A_244 = tpu.scan <min>, %masked_sort3A_241 masked %reduce_min3A_243 : vector<16xf32>, vector<16xi1> -> vector<16xf32>
          %reduce_min3A_245 = vector.extract %reduce_min3A_244[15] : f32 from vector<16xf32>
          scf.yield %masked_sort3A_241, %masked_sort3A_242, %reduce_min3A_245 : vector<16xf32>, vector<16xi32>, f32
        } else {
          scf.yield %cond3A_210#0, %cond3A_210#1, %cond3A_210#2 : vector<16xf32>, vector<16xi32>, f32
        }
        scf.yield %cond3A_227#0, %cond3A_227#1, %cond3A_227#2 : vector<16xf32>, vector<16xi32>, f32
      } else {
        scf.yield %scan3A_57, %scan3A_58, %scan3A_59 : vector<16xf32>, vector<16xi32>, f32
      }
      scf.yield %cond3A_108#0, %cond3A_108#1, %cond3A_108#2 : vector<16xf32>, vector<16xi32>, f32
    }
    %scan3A_44 = arith.constant 223 : i32
    %swap3A = arith.constant 0 : index
    %swap3A_45 = tpu.vector_load %arg6[%swap3A] {strides = array<i32>} : memref<16xf32, #tpu.memory_space<vmem>>, vector<16xf32>,
    tpu.vector_store %arg6[%swap3A], %scan3A_43#0 {strides = array<i32>} : memref<16xf32, #tpu.memory_space<vmem>>, vector<16xf32>,
    %swap3A_46 = arith.constant 0 : index
    %swap3A_47 = tpu.vector_load %arg7[%swap3A_46] {strides = array<i32>} : memref<16xi32, #tpu.memory_space<vmem>>, vector<16xi32>,
    tpu.vector_store %arg7[%swap3A_46], %scan3A_43#1 {strides = array<i32>} : memref<16xi32, #tpu.memory_space<vmem>>, vector<16xi32>,
    %eq3A_48 = arith.constant 0 : i32
    %eq3A_49 = arith.cmpi eq, %select_n3A_30, %eq3A_48 : i32
    %convert_element_type3A = arith.extui %eq3A_49 : i1 to i32
    %cond3A = arith.constant 0 : i32
    %cond3A_50 = arith.cmpi ne, %convert_element_type3A, %cond3A : i32
    scf.if %cond3A_50 {
      %add3A_56 = arith.constant 24976 : i32
      %add3A_57 = arith.addi %mul3A_32, %add3A_56 : i32
      "tpu.region"() ({
        %run_scoped3A = tpu.sem_alloc : memref<!tpu.dma_semaphore, #tpu.memory_space<semaphore_mem>>
        %dma_start3A = arith.constant 0 : i32
        %dma_start3A_181 = tpu.memref_slice %arg5[%dma_start3A] : memref<96xf32, #tpu.memory_space<vmem>> -> memref<32xf32, #tpu.memory_space<vmem>>
        %dma_start3A_182 = tpu.memref_slice %arg2[%add3A_57] : memref<802816xf32, #tpu.memory_space<hbm>> -> memref<32xf32, #tpu.memory_space<hbm>>
        %dma_start3A_183 = arith.constant 0 : i32
        %dma_start3A_184 = tpu.memref_slice %arg5[%dma_start3A_183] : memref<96xf32, #tpu.memory_space<vmem>> -> memref<32xf32, #tpu.memory_space<vmem>>
        %dma_start3A_185 = tpu.memref_slice %arg2[%add3A_57] : memref<802816xf32, #tpu.memory_space<hbm>> -> memref<32xf32, #tpu.memory_space<hbm>>
        tpu.enqueue_dma source(%dma_start3A_185 : memref<32xf32, #tpu.memory_space<hbm>>) target(%dma_start3A_184 : memref<32xf32, #tpu.memory_space<vmem>>) target_semaphore(%run_scoped3A : memref<!tpu.dma_semaphore, #tpu.memory_space<semaphore_mem>>)
        %dma_wait3A = arith.constant 0 : i32
        %dma_wait3A_186 = tpu.memref_slice %arg5[%dma_wait3A] : memref<96xf32, #tpu.memory_space<vmem>> -> memref<32xf32, #tpu.memory_space<vmem>>
        %dma_wait3A_187 = tpu.memref_slice %arg2[%add3A_57] : memref<802816xf32, #tpu.memory_space<hbm>> -> memref<32xf32, #tpu.memory_space<hbm>>
        %dma_wait3A_188 = arith.constant 0 : i32
        %dma_wait3A_189 = tpu.memref_slice %arg5[%dma_wait3A_188] : memref<96xf32, #tpu.memory_space<vmem>> -> memref<32xf32, #tpu.memory_space<vmem>>
        %dma_wait3A_190 = tpu.memref_slice %arg2[%add3A_57] : memref<802816xf32, #tpu.memory_space<hbm>> -> memref<32xf32, #tpu.memory_space<hbm>>
        tpu.wait_dma2 semaphore(%run_scoped3A : memref<!tpu.dma_semaphore, #tpu.memory_space<semaphore_mem>>) src(%dma_wait3A_190 : memref<32xf32, #tpu.memory_space<hbm>>) dst(%dma_wait3A_189 : memref<32xf32, #tpu.memory_space<vmem>>)
        tpu.yield
      }) : () -> ()
      %add3A_58 = arith.constant 49984 : i32
      %add3A_59 = arith.addi %mul3A_32, %add3A_58 : i32
      "tpu.region"() ({
        %run_scoped3A = tpu.sem_alloc : memref<!tpu.dma_semaphore, #tpu.memory_space<semaphore_mem>>
        %dma_start3A = arith.constant 32 : i32
        %dma_start3A_181 = tpu.memref_slice %arg5[%dma_start3A] : memref<96xf32, #tpu.memory_space<vmem>> -> memref<32xf32, #tpu.memory_space<vmem>>
        %dma_start3A_182 = tpu.memref_slice %arg2[%add3A_59] : memref<802816xf32, #tpu.memory_space<hbm>> -> memref<32xf32, #tpu.memory_space<hbm>>
        %dma_start3A_183 = arith.constant 32 : i32
        %dma_start3A_184 = tpu.memref_slice %arg5[%dma_start3A_183] : memref<96xf32, #tpu.memory_space<vmem>> -> memref<32xf32, #tpu.memory_space<vmem>>
        %dma_start3A_185 = tpu.memref_slice %arg2[%add3A_59] : memref<802816xf32, #tpu.memory_space<hbm>> -> memref<32xf32, #tpu.memory_space<hbm>>
        tpu.enqueue_dma source(%dma_start3A_185 : memref<32xf32, #tpu.memory_space<hbm>>) target(%dma_start3A_184 : memref<32xf32, #tpu.memory_space<vmem>>) target_semaphore(%run_scoped3A : memref<!tpu.dma_semaphore, #tpu.memory_space<semaphore_mem>>)
        %dma_wait3A = arith.constant 32 : i32
        %dma_wait3A_186 = tpu.memref_slice %arg5[%dma_wait3A] : memref<96xf32, #tpu.memory_space<vmem>> -> memref<32xf32, #tpu.memory_space<vmem>>
        %dma_wait3A_187 = tpu.memref_slice %arg2[%add3A_59] : memref<802816xf32, #tpu.memory_space<hbm>> -> memref<32xf32, #tpu.memory_space<hbm>>
        %dma_wait3A_188 = arith.constant 32 : i32
        %dma_wait3A_189 = tpu.memref_slice %arg5[%dma_wait3A_188] : memref<96xf32, #tpu.memory_space<vmem>> -> memref<32xf32, #tpu.memory_space<vmem>>
        %dma_wait3A_190 = tpu.memref_slice %arg2[%add3A_59] : memref<802816xf32, #tpu.memory_space<hbm>> -> memref<32xf32, #tpu.memory_space<hbm>>
        tpu.wait_dma2 semaphore(%run_scoped3A : memref<!tpu.dma_semaphore, #tpu.memory_space<semaphore_mem>>) src(%dma_wait3A_190 : memref<32xf32, #tpu.memory_space<hbm>>) dst(%dma_wait3A_189 : memref<32xf32, #tpu.memory_space<vmem>>)
        tpu.yield
      }) : () -> ()
      %add3A_60 = arith.constant 74992 : i32
      %add3A_61 = arith.addi %mul3A_32, %add3A_60 : i32
      "tpu.region"() ({
        %run_scoped3A = tpu.sem_alloc : memref<!tpu.dma_semaphore, #tpu.memory_space<semaphore_mem>>
        %dma_start3A = arith.constant 64 : i32
        %dma_start3A_181 = tpu.memref_slice %arg5[%dma_start3A] : memref<96xf32, #tpu.memory_space<vmem>> -> memref<32xf32, #tpu.memory_space<vmem>>
        %dma_start3A_182 = tpu.memref_slice %arg2[%add3A_61] : memref<802816xf32, #tpu.memory_space<hbm>> -> memref<32xf32, #tpu.memory_space<hbm>>
        %dma_start3A_183 = arith.constant 64 : i32
        %dma_start3A_184 = tpu.memref_slice %arg5[%dma_start3A_183] : memref<96xf32, #tpu.memory_space<vmem>> -> memref<32xf32, #tpu.memory_space<vmem>>
        %dma_start3A_185 = tpu.memref_slice %arg2[%add3A_61] : memref<802816xf32, #tpu.memory_space<hbm>> -> memref<32xf32, #tpu.memory_space<hbm>>
        tpu.enqueue_dma source(%dma_start3A_185 : memref<32xf32, #tpu.memory_space<hbm>>) target(%dma_start3A_184 : memref<32xf32, #tpu.memory_space<vmem>>) target_semaphore(%run_scoped3A : memref<!tpu.dma_semaphore, #tpu.memory_space<semaphore_mem>>)
        %dma_wait3A = arith.constant 64 : i32
        %dma_wait3A_186 = tpu.memref_slice %arg5[%dma_wait3A] : memref<96xf32, #tpu.memory_space<vmem>> -> memref<32xf32, #tpu.memory_space<vmem>>
        %dma_wait3A_187 = tpu.memref_slice %arg2[%add3A_61] : memref<802816xf32, #tpu.memory_space<hbm>> -> memref<32xf32, #tpu.memory_space<hbm>>
        %dma_wait3A_188 = arith.constant 64 : i32
        %dma_wait3A_189 = tpu.memref_slice %arg5[%dma_wait3A_188] : memref<96xf32, #tpu.memory_space<vmem>> -> memref<32xf32, #tpu.memory_space<vmem>>
        %dma_wait3A_190 = tpu.memref_slice %arg2[%add3A_61] : memref<802816xf32, #tpu.memory_space<hbm>> -> memref<32xf32, #tpu.memory_space<hbm>>
        tpu.wait_dma2 semaphore(%run_scoped3A : memref<!tpu.dma_semaphore, #tpu.memory_space<semaphore_mem>>) src(%dma_wait3A_190 : memref<32xf32, #tpu.memory_space<hbm>>) dst(%dma_wait3A_189 : memref<32xf32, #tpu.memory_space<vmem>>)
        tpu.yield
      }) : () -> ()
      %get3A = arith.constant 0 : index
      %get3A_62 = tpu.vector_load %arg6[%get3A] {strides = array<i32>} : memref<16xf32, #tpu.memory_space<vmem>>, vector<16xf32>,
      %get3A_63 = arith.constant 0 : index
      %get3A_64 = tpu.vector_load %arg7[%get3A_63] {strides = array<i32>} : memref<16xi32, #tpu.memory_space<vmem>>, vector<16xi32>,
      %get3A_65 = arith.constant 0 : index
      %get3A_66 = tpu.vector_load %arg5[%get3A_65] {strides = array<i32>} : memref<96xf32, #tpu.memory_space<vmem>>, vector<16xf32>,
      %add3A_67 = arith.constant 24976 : i32
      %add3A_68 = arith.addi %mul3A_32, %add3A_67 : i32
      %add3A_69 = arith.constant 0 : i32
      %add3A_70 = arith.addi %add3A_68, %add3A_69 : i32
      %add3A_71 = vector.broadcast %add3A_70 : i32 to vector<16xi32>
      %add3A_72 = arith.addi %add3A_71, %iota3A : vector<16xi32>
      %masked_sort3A = arith.constant dense<true> : vector<16xi1>
      %masked_sort3A_73, %masked_sort3A_74, %masked_sort3A_75 = tpu.sort %get3A_66, %add3A_72 masked %masked_sort3A {descending = true} : (vector<16xf32>, vector<16xi32>, vector<16xi1>) -> (vector<16xi1>, vector<16xf32>, vector<16xi32>)
      %gt3A = arith.cmpf ogt, %masked_sort3A_74, %get3A_62 : vector<16xf32>
      %select_n3A_76 = arith.select %gt3A, %masked_sort3A_74, %get3A_62 : vector<16xi1>, vector<16xf32>
      %select_n3A_77 = arith.select %gt3A, %masked_sort3A_75, %get3A_64 : vector<16xi1>, vector<16xi32>
      %masked_sort3A_78 = arith.constant dense<true> : vector<16xi1>
      %masked_sort3A_79, %masked_sort3A_80, %masked_sort3A_81 = tpu.sort %select_n3A_76, %select_n3A_77 masked %masked_sort3A_78 : (vector<16xf32>, vector<16xi32>, vector<16xi1>) -> (vector<16xi1>, vector<16xf32>, vector<16xi32>)
      %get3A_82 = arith.constant 16 : index
      %get3A_83 = tpu.vector_load %arg5[%get3A_82] {strides = array<i32>} : memref<96xf32, #tpu.memory_space<vmem>>, vector<16xf32>,
      %add3A_84 = arith.constant 24976 : i32
      %add3A_85 = arith.addi %mul3A_32, %add3A_84 : i32
      %add3A_86 = arith.constant 16 : i32
      %add3A_87 = arith.addi %add3A_85, %add3A_86 : i32
      %add3A_88 = vector.broadcast %add3A_87 : i32 to vector<16xi32>
      %add3A_89 = arith.addi %add3A_88, %iota3A : vector<16xi32>
      %masked_sort3A_90 = arith.constant dense<true> : vector<16xi1>
      %masked_sort3A_91, %masked_sort3A_92, %masked_sort3A_93 = tpu.sort %get3A_83, %add3A_89 masked %masked_sort3A_90 {descending = true} : (vector<16xf32>, vector<16xi32>, vector<16xi1>) -> (vector<16xi1>, vector<16xf32>, vector<16xi32>)
      %gt3A_94 = arith.cmpf ogt, %masked_sort3A_92, %masked_sort3A_80 : vector<16xf32>
      %select_n3A_95 = arith.select %gt3A_94, %masked_sort3A_92, %masked_sort3A_80 : vector<16xi1>, vector<16xf32>
      %select_n3A_96 = arith.select %gt3A_94, %masked_sort3A_93, %masked_sort3A_81 : vector<16xi1>, vector<16xi32>
      %masked_sort3A_97 = arith.constant dense<true> : vector<16xi1>
      %masked_sort3A_98, %masked_sort3A_99, %masked_sort3A_100 = tpu.sort %select_n3A_95, %select_n3A_96 masked %masked_sort3A_97 : (vector<16xf32>, vector<16xi32>, vector<16xi1>) -> (vector<16xi1>, vector<16xf32>, vector<16xi32>)
      %get3A_101 = arith.constant 32 : index
      %get3A_102 = tpu.vector_load %arg5[%get3A_101] {strides = array<i32>} : memref<96xf32, #tpu.memory_space<vmem>>, vector<16xf32>,
      %add3A_103 = arith.constant 49984 : i32
      %add3A_104 = arith.addi %mul3A_32, %add3A_103 : i32
      %add3A_105 = arith.constant 0 : i32
      %add3A_106 = arith.addi %add3A_104, %add3A_105 : i32
      %add3A_107 = vector.broadcast %add3A_106 : i32 to vector<16xi32>
      %add3A_108 = arith.addi %add3A_107, %iota3A : vector<16xi32>
      %masked_sort3A_109 = arith.constant dense<true> : vector<16xi1>
      %masked_sort3A_110, %masked_sort3A_111, %masked_sort3A_112 = tpu.sort %get3A_102, %add3A_108 masked %masked_sort3A_109 {descending = true} : (vector<16xf32>, vector<16xi32>, vector<16xi1>) -> (vector<16xi1>, vector<16xf32>, vector<16xi32>)
      %gt3A_113 = arith.cmpf ogt, %masked_sort3A_111, %masked_sort3A_99 : vector<16xf32>
      %select_n3A_114 = arith.select %gt3A_113, %masked_sort3A_111, %masked_sort3A_99 : vector<16xi1>, vector<16xf32>
      %select_n3A_115 = arith.select %gt3A_113, %masked_sort3A_112, %masked_sort3A_100 : vector<16xi1>, vector<16xi32>
      %masked_sort3A_116 = arith.constant dense<true> : vector<16xi1>
      %masked_sort3A_117, %masked_sort3A_118, %masked_sort3A_119 = tpu.sort %select_n3A_114, %select_n3A_115 masked %masked_sort3A_116 : (vector<16xf32>, vector<16xi32>, vector<16xi1>) -> (vector<16xi1>, vector<16xf32>, vector<16xi32>)
      %get3A_120 = arith.constant 48 : index
      %get3A_121 = tpu.vector_load %arg5[%get3A_120] {strides = array<i32>} : memref<96xf32, #tpu.memory_space<vmem>>, vector<16xf32>,
      %add3A_122 = arith.constant 49984 : i32
      %add3A_123 = arith.addi %mul3A_32, %add3A_122 : i32
      %add3A_124 = arith.constant 16 : i32
      %add3A_125 = arith.addi %add3A_123, %add3A_124 : i32
      %add3A_126 = vector.broadcast %add3A_125 : i32 to vector<16xi32>
      %add3A_127 = arith.addi %add3A_126, %iota3A : vector<16xi32>
      %masked_sort3A_128 = arith.constant dense<true> : vector<16xi1>
      %masked_sort3A_129, %masked_sort3A_130, %masked_sort3A_131 = tpu.sort %get3A_121, %add3A_127 masked %masked_sort3A_128 {descending = true} : (vector<16xf32>, vector<16xi32>, vector<16xi1>) -> (vector<16xi1>, vector<16xf32>, vector<16xi32>)
      %gt3A_132 = arith.cmpf ogt, %masked_sort3A_130, %masked_sort3A_118 : vector<16xf32>
      %select_n3A_133 = arith.select %gt3A_132, %masked_sort3A_130, %masked_sort3A_118 : vector<16xi1>, vector<16xf32>
      %select_n3A_134 = arith.select %gt3A_132, %masked_sort3A_131, %masked_sort3A_119 : vector<16xi1>, vector<16xi32>
      %masked_sort3A_135 = arith.constant dense<true> : vector<16xi1>
      %masked_sort3A_136, %masked_sort3A_137, %masked_sort3A_138 = tpu.sort %select_n3A_133, %select_n3A_134 masked %masked_sort3A_135 : (vector<16xf32>, vector<16xi32>, vector<16xi1>) -> (vector<16xi1>, vector<16xf32>, vector<16xi32>)
      %get3A_139 = arith.constant 64 : index
      %get3A_140 = tpu.vector_load %arg5[%get3A_139] {strides = array<i32>} : memref<96xf32, #tpu.memory_space<vmem>>, vector<16xf32>,
      %add3A_141 = arith.constant 74992 : i32
      %add3A_142 = arith.addi %mul3A_32, %add3A_141 : i32
      %add3A_143 = arith.constant 0 : i32
      %add3A_144 = arith.addi %add3A_142, %add3A_143 : i32
      %add3A_145 = vector.broadcast %add3A_144 : i32 to vector<16xi32>
      %add3A_146 = arith.addi %add3A_145, %iota3A : vector<16xi32>
      %masked_sort3A_147 = arith.constant dense<true> : vector<16xi1>
      %masked_sort3A_148, %masked_sort3A_149, %masked_sort3A_150 = tpu.sort %get3A_140, %add3A_146 masked %masked_sort3A_147 {descending = true} : (vector<16xf32>, vector<16xi32>, vector<16xi1>) -> (vector<16xi1>, vector<16xf32>, vector<16xi32>)
      %gt3A_151 = arith.cmpf ogt, %masked_sort3A_149, %masked_sort3A_137 : vector<16xf32>
      %select_n3A_152 = arith.select %gt3A_151, %masked_sort3A_149, %masked_sort3A_137 : vector<16xi1>, vector<16xf32>
      %select_n3A_153 = arith.select %gt3A_151, %masked_sort3A_150, %masked_sort3A_138 : vector<16xi1>, vector<16xi32>
      %masked_sort3A_154 = arith.constant dense<true> : vector<16xi1>
      %masked_sort3A_155, %masked_sort3A_156, %masked_sort3A_157 = tpu.sort %select_n3A_152, %select_n3A_153 masked %masked_sort3A_154 : (vector<16xf32>, vector<16xi32>, vector<16xi1>) -> (vector<16xi1>, vector<16xf32>, vector<16xi32>)
      %get3A_158 = arith.constant 80 : index
      %get3A_159 = tpu.vector_load %arg5[%get3A_158] {strides = array<i32>} : memref<96xf32, #tpu.memory_space<vmem>>, vector<16xf32>,
      %add3A_160 = arith.constant 74992 : i32
      %add3A_161 = arith.addi %mul3A_32, %add3A_160 : i32
      %add3A_162 = arith.constant 16 : i32
      %add3A_163 = arith.addi %add3A_161, %add3A_162 : i32
      %add3A_164 = vector.broadcast %add3A_163 : i32 to vector<16xi32>
      %add3A_165 = arith.addi %add3A_164, %iota3A : vector<16xi32>
      %masked_sort3A_166 = arith.constant dense<true> : vector<16xi1>
      %masked_sort3A_167, %masked_sort3A_168, %masked_sort3A_169 = tpu.sort %get3A_159, %add3A_165 masked %masked_sort3A_166 {descending = true} : (vector<16xf32>, vector<16xi32>, vector<16xi1>) -> (vector<16xi1>, vector<16xf32>, vector<16xi32>)
      %gt3A_170 = arith.cmpf ogt, %masked_sort3A_168, %masked_sort3A_156 : vector<16xf32>
      %select_n3A_171 = arith.select %gt3A_170, %masked_sort3A_168, %masked_sort3A_156 : vector<16xi1>, vector<16xf32>
      %select_n3A_172 = arith.select %gt3A_170, %masked_sort3A_169, %masked_sort3A_157 : vector<16xi1>, vector<16xi32>
      %masked_sort3A_173 = arith.constant dense<true> : vector<16xi1>
      %masked_sort3A_174, %masked_sort3A_175, %masked_sort3A_176 = tpu.sort %select_n3A_171, %select_n3A_172 masked %masked_sort3A_173 : (vector<16xf32>, vector<16xi32>, vector<16xi1>) -> (vector<16xi1>, vector<16xf32>, vector<16xi32>)
      %swap3A_177 = arith.constant 0 : index
      %swap3A_178 = tpu.vector_load %arg6[%swap3A_177] {strides = array<i32>} : memref<16xf32, #tpu.memory_space<vmem>>, vector<16xf32>,
      tpu.vector_store %arg6[%swap3A_177], %masked_sort3A_175 {strides = array<i32>} : memref<16xf32, #tpu.memory_space<vmem>>, vector<16xf32>,
      %swap3A_179 = arith.constant 0 : index
      %swap3A_180 = tpu.vector_load %arg7[%swap3A_179] {strides = array<i32>} : memref<16xi32, #tpu.memory_space<vmem>>, vector<16xi32>,
      tpu.vector_store %arg7[%swap3A_179], %masked_sort3A_176 {strides = array<i32>} : memref<16xi32, #tpu.memory_space<vmem>>, vector<16xi32>,
    } else {
    }
    "tpu.region"() ({
      %run_scoped3A = tpu.sem_alloc : memref<!tpu.dma_semaphore, #tpu.memory_space<semaphore_mem>>
      %dma_start3A = arith.constant 0 : i32
      %dma_start3A_56 = tpu.memref_slice %arg11[%arg1, %dma_start3A] : memref<16x16xf32, #tpu.memory_space<vmem_shared>> -> memref<1x16xf32, #tpu.memory_space<vmem_shared>>
      %dma_start3A_57 = tpu.memref_squeeze %dma_start3A_56 : memref<1x16xf32, #tpu.memory_space<vmem_shared>> -> memref<16xf32, #tpu.memory_space<vmem_shared>>
      %dma_start3A_58 = arith.constant 0 : i32
      %dma_start3A_59 = tpu.memref_slice %arg11[%arg1, %dma_start3A_58] : memref<16x16xf32, #tpu.memory_space<vmem_shared>> -> memref<1x16xf32, #tpu.memory_space<vmem_shared>>
      %dma_start3A_60 = tpu.memref_squeeze %dma_start3A_59 : memref<1x16xf32, #tpu.memory_space<vmem_shared>> -> memref<16xf32, #tpu.memory_space<vmem_shared>>
      tpu.enqueue_dma source(%arg6 : memref<16xf32, #tpu.memory_space<vmem>>) target(%dma_start3A_60 : memref<16xf32, #tpu.memory_space<vmem_shared>>) target_semaphore(%run_scoped3A : memref<!tpu.dma_semaphore, #tpu.memory_space<semaphore_mem>>)
      %dma_wait3A = arith.constant 0 : i32
      %dma_wait3A_61 = tpu.memref_slice %arg11[%arg1, %dma_wait3A] : memref<16x16xf32, #tpu.memory_space<vmem_shared>> -> memref<1x16xf32, #tpu.memory_space<vmem_shared>>
      %dma_wait3A_62 = tpu.memref_squeeze %dma_wait3A_61 : memref<1x16xf32, #tpu.memory_space<vmem_shared>> -> memref<16xf32, #tpu.memory_space<vmem_shared>>
      %dma_wait3A_63 = arith.constant 0 : i32
      %dma_wait3A_64 = tpu.memref_slice %arg11[%arg1, %dma_wait3A_63] : memref<16x16xf32, #tpu.memory_space<vmem_shared>> -> memref<1x16xf32, #tpu.memory_space<vmem_shared>>
      %dma_wait3A_65 = tpu.memref_squeeze %dma_wait3A_64 : memref<1x16xf32, #tpu.memory_space<vmem_shared>> -> memref<16xf32, #tpu.memory_space<vmem_shared>>
      tpu.wait_dma2 semaphore(%run_scoped3A : memref<!tpu.dma_semaphore, #tpu.memory_space<semaphore_mem>>) src(%arg6 : memref<16xf32, #tpu.memory_space<vmem>>) dst(%dma_wait3A_65 : memref<16xf32, #tpu.memory_space<vmem_shared>>)
      tpu.yield
    }) : () -> ()
    "tpu.region"() ({
      %run_scoped3A = tpu.sem_alloc : memref<!tpu.dma_semaphore, #tpu.memory_space<semaphore_mem>>
      %dma_start3A = arith.constant 0 : i32
      %dma_start3A_56 = tpu.memref_slice %arg12[%arg1, %dma_start3A] : memref<16x16xi32, #tpu.memory_space<vmem_shared>> -> memref<1x16xi32, #tpu.memory_space<vmem_shared>>
      %dma_start3A_57 = tpu.memref_squeeze %dma_start3A_56 : memref<1x16xi32, #tpu.memory_space<vmem_shared>> -> memref<16xi32, #tpu.memory_space<vmem_shared>>
      %dma_start3A_58 = arith.constant 0 : i32
      %dma_start3A_59 = tpu.memref_slice %arg12[%arg1, %dma_start3A_58] : memref<16x16xi32, #tpu.memory_space<vmem_shared>> -> memref<1x16xi32, #tpu.memory_space<vmem_shared>>
      %dma_start3A_60 = tpu.memref_squeeze %dma_start3A_59 : memref<1x16xi32, #tpu.memory_space<vmem_shared>> -> memref<16xi32, #tpu.memory_space<vmem_shared>>
      tpu.enqueue_dma source(%arg7 : memref<16xi32, #tpu.memory_space<vmem>>) target(%dma_start3A_60 : memref<16xi32, #tpu.memory_space<vmem_shared>>) target_semaphore(%run_scoped3A : memref<!tpu.dma_semaphore, #tpu.memory_space<semaphore_mem>>)
      %dma_wait3A = arith.constant 0 : i32
      %dma_wait3A_61 = tpu.memref_slice %arg12[%arg1, %dma_wait3A] : memref<16x16xi32, #tpu.memory_space<vmem_shared>> -> memref<1x16xi32, #tpu.memory_space<vmem_shared>>
      %dma_wait3A_62 = tpu.memref_squeeze %dma_wait3A_61 : memref<1x16xi32, #tpu.memory_space<vmem_shared>> -> memref<16xi32, #tpu.memory_space<vmem_shared>>
      %dma_wait3A_63 = arith.constant 0 : i32
      %dma_wait3A_64 = tpu.memref_slice %arg12[%arg1, %dma_wait3A_63] : memref<16x16xi32, #tpu.memory_space<vmem_shared>> -> memref<1x16xi32, #tpu.memory_space<vmem_shared>>
      %dma_wait3A_65 = tpu.memref_squeeze %dma_wait3A_64 : memref<1x16xi32, #tpu.memory_space<vmem_shared>> -> memref<16xi32, #tpu.memory_space<vmem_shared>>
      tpu.wait_dma2 semaphore(%run_scoped3A : memref<!tpu.dma_semaphore, #tpu.memory_space<semaphore_mem>>) src(%arg7 : memref<16xi32, #tpu.memory_space<vmem>>) dst(%dma_wait3A_65 : memref<16xi32, #tpu.memory_space<vmem_shared>>)
      tpu.yield
    }) : () -> ()
    %barrier3A = arith.constant 0 : index
    tpu.barrier barrier_id(%barrier3A)
    %eq3A_51 = arith.constant 0 : i32
    %eq3A_52 = arith.cmpi eq, %select_n3A_30, %eq3A_51 : i32
    %convert_element_type3A_53 = arith.extui %eq3A_52 : i1 to i32
    %cond3A_54 = arith.constant 0 : i32
    %cond3A_55 = arith.cmpi ne, %convert_element_type3A_53, %cond3A_54 : i32
    scf.if %cond3A_55 {
      "tpu.region"() ({
        %run_scoped3A = tpu.sem_alloc : memref<!tpu.dma_semaphore, #tpu.memory_space<semaphore_mem>>
        %dma_start3A = arith.constant 0 : i32
        %dma_start3A_144 = tpu.memref_slice %arg11[%arg1, %dma_start3A] : memref<16x16xf32, #tpu.memory_space<vmem_shared>> -> memref<4x16xf32, #tpu.memory_space<vmem_shared>>
        %dma_start3A_145 = arith.constant 0 : i32
        %dma_start3A_146 = tpu.memref_slice %arg11[%arg1, %dma_start3A_145] : memref<16x16xf32, #tpu.memory_space<vmem_shared>> -> memref<4x16xf32, #tpu.memory_space<vmem_shared>>
        tpu.enqueue_dma source(%dma_start3A_146 : memref<4x16xf32, #tpu.memory_space<vmem_shared>>) target(%arg8 : memref<4x16xf32, #tpu.memory_space<vmem>>) target_semaphore(%run_scoped3A : memref<!tpu.dma_semaphore, #tpu.memory_space<semaphore_mem>>)
        %dma_wait3A = arith.constant 0 : i32
        %dma_wait3A_147 = tpu.memref_slice %arg11[%arg1, %dma_wait3A] : memref<16x16xf32, #tpu.memory_space<vmem_shared>> -> memref<4x16xf32, #tpu.memory_space<vmem_shared>>
        %dma_wait3A_148 = arith.constant 0 : i32
        %dma_wait3A_149 = tpu.memref_slice %arg11[%arg1, %dma_wait3A_148] : memref<16x16xf32, #tpu.memory_space<vmem_shared>> -> memref<4x16xf32, #tpu.memory_space<vmem_shared>>
        tpu.wait_dma2 semaphore(%run_scoped3A : memref<!tpu.dma_semaphore, #tpu.memory_space<semaphore_mem>>) src(%dma_wait3A_149 : memref<4x16xf32, #tpu.memory_space<vmem_shared>>) dst(%arg8 : memref<4x16xf32, #tpu.memory_space<vmem>>)
        tpu.yield
      }) : () -> ()
      "tpu.region"() ({
        %run_scoped3A = tpu.sem_alloc : memref<!tpu.dma_semaphore, #tpu.memory_space<semaphore_mem>>
        %dma_start3A = arith.constant 0 : i32
        %dma_start3A_144 = tpu.memref_slice %arg12[%arg1, %dma_start3A] : memref<16x16xi32, #tpu.memory_space<vmem_shared>> -> memref<4x16xi32, #tpu.memory_space<vmem_shared>>
        %dma_start3A_145 = arith.constant 0 : i32
        %dma_start3A_146 = tpu.memref_slice %arg12[%arg1, %dma_start3A_145] : memref<16x16xi32, #tpu.memory_space<vmem_shared>> -> memref<4x16xi32, #tpu.memory_space<vmem_shared>>
        tpu.enqueue_dma source(%dma_start3A_146 : memref<4x16xi32, #tpu.memory_space<vmem_shared>>) target(%arg9 : memref<4x16xi32, #tpu.memory_space<vmem>>) target_semaphore(%run_scoped3A : memref<!tpu.dma_semaphore, #tpu.memory_space<semaphore_mem>>)
        %dma_wait3A = arith.constant 0 : i32
        %dma_wait3A_147 = tpu.memref_slice %arg12[%arg1, %dma_wait3A] : memref<16x16xi32, #tpu.memory_space<vmem_shared>> -> memref<4x16xi32, #tpu.memory_space<vmem_shared>>
        %dma_wait3A_148 = arith.constant 0 : i32
        %dma_wait3A_149 = tpu.memref_slice %arg12[%arg1, %dma_wait3A_148] : memref<16x16xi32, #tpu.memory_space<vmem_shared>> -> memref<4x16xi32, #tpu.memory_space<vmem_shared>>
        tpu.wait_dma2 semaphore(%run_scoped3A : memref<!tpu.dma_semaphore, #tpu.memory_space<semaphore_mem>>) src(%dma_wait3A_149 : memref<4x16xi32, #tpu.memory_space<vmem_shared>>) dst(%arg9 : memref<4x16xi32, #tpu.memory_space<vmem>>)
        tpu.yield
      }) : () -> ()
      %get3A = arith.constant 0 : i32
      %get3A_56 = arith.index_cast %get3A : i32 to index
      %get3A_57 = arith.constant 0 : index
      %get3A_58 = tpu.vector_load %arg8[%get3A_56, %get3A_57] {strides = array<i32>} : memref<4x16xf32, #tpu.memory_space<vmem>>, vector<16xf32>,
      %get3A_59 = arith.constant 0 : i32
      %get3A_60 = arith.index_cast %get3A_59 : i32 to index
      %get3A_61 = arith.constant 0 : index
      %get3A_62 = tpu.vector_load %arg9[%get3A_60, %get3A_61] {strides = array<i32>} : memref<4x16xi32, #tpu.memory_space<vmem>>, vector<16xi32>,
      %get3A_63 = arith.constant 1 : i32
      %get3A_64 = arith.index_cast %get3A_63 : i32 to index
      %get3A_65 = arith.constant 0 : index
      %get3A_66 = tpu.vector_load %arg8[%get3A_64, %get3A_65] {strides = array<i32>} : memref<4x16xf32, #tpu.memory_space<vmem>>, vector<16xf32>,
      %rev3A = arith.constant 15 : i32
      %rev3A_67 = vector.broadcast %rev3A : i32 to vector<16xi32>
      %rev3A_68 = tpu.iota {dimensions = array<i32: 0>} : vector<16xi32>
      %rev3A_69 = arith.subi %rev3A_67, %rev3A_68 : vector<16xi32>
      %rev3A_70 = tpu.dynamic_gather %get3A_66[%rev3A_69] in [0] : vector<16xf32>, vector<16xi32> -> vector<16xf32>
      %get3A_71 = arith.constant 1 : i32
      %get3A_72 = arith.index_cast %get3A_71 : i32 to index
      %get3A_73 = arith.constant 0 : index
      %get3A_74 = tpu.vector_load %arg9[%get3A_72, %get3A_73] {strides = array<i32>} : memref<4x16xi32, #tpu.memory_space<vmem>>, vector<16xi32>,
      %rev3A_75 = arith.constant 15 : i32
      %rev3A_76 = vector.broadcast %rev3A_75 : i32 to vector<16xi32>
      %rev3A_77 = tpu.iota {dimensions = array<i32: 0>} : vector<16xi32>
      %rev3A_78 = arith.subi %rev3A_76, %rev3A_77 : vector<16xi32>
      %rev3A_79 = tpu.dynamic_gather %get3A_74[%rev3A_78] in [0] : vector<16xi32>, vector<16xi32> -> vector<16xi32>
      %gt3A = arith.cmpf ogt, %rev3A_70, %get3A_58 : vector<16xf32>
      %select_n3A_80 = arith.select %gt3A, %rev3A_70, %get3A_58 : vector<16xi1>, vector<16xf32>
      %select_n3A_81 = arith.select %gt3A, %rev3A_79, %get3A_62 : vector<16xi1>, vector<16xi32>
      %masked_sort3A = arith.constant dense<true> : vector<16xi1>
      %masked_sort3A_82, %masked_sort3A_83, %masked_sort3A_84 = tpu.sort %select_n3A_80, %select_n3A_81 masked %masked_sort3A : (vector<16xf32>, vector<16xi32>, vector<16xi1>) -> (vector<16xi1>, vector<16xf32>, vector<16xi32>)
      %get3A_85 = arith.constant 2 : i32
      %get3A_86 = arith.index_cast %get3A_85 : i32 to index
      %get3A_87 = arith.constant 0 : index
      %get3A_88 = tpu.vector_load %arg8[%get3A_86, %get3A_87] {strides = array<i32>} : memref<4x16xf32, #tpu.memory_space<vmem>>, vector<16xf32>,
      %rev3A_89 = arith.constant 15 : i32
      %rev3A_90 = vector.broadcast %rev3A_89 : i32 to vector<16xi32>
      %rev3A_91 = tpu.iota {dimensions = array<i32: 0>} : vector<16xi32>
      %rev3A_92 = arith.subi %rev3A_90, %rev3A_91 : vector<16xi32>
      %rev3A_93 = tpu.dynamic_gather %get3A_88[%rev3A_92] in [0] : vector<16xf32>, vector<16xi32> -> vector<16xf32>
      %get3A_94 = arith.constant 2 : i32
      %get3A_95 = arith.index_cast %get3A_94 : i32 to index
      %get3A_96 = arith.constant 0 : index
      %get3A_97 = tpu.vector_load %arg9[%get3A_95, %get3A_96] {strides = array<i32>} : memref<4x16xi32, #tpu.memory_space<vmem>>, vector<16xi32>,
      %rev3A_98 = arith.constant 15 : i32
      %rev3A_99 = vector.broadcast %rev3A_98 : i32 to vector<16xi32>
      %rev3A_100 = tpu.iota {dimensions = array<i32: 0>} : vector<16xi32>
      %rev3A_101 = arith.subi %rev3A_99, %rev3A_100 : vector<16xi32>
      %rev3A_102 = tpu.dynamic_gather %get3A_97[%rev3A_101] in [0] : vector<16xi32>, vector<16xi32> -> vector<16xi32>
      %gt3A_103 = arith.cmpf ogt, %rev3A_93, %masked_sort3A_83 : vector<16xf32>
      %select_n3A_104 = arith.select %gt3A_103, %rev3A_93, %masked_sort3A_83 : vector<16xi1>, vector<16xf32>
      %select_n3A_105 = arith.select %gt3A_103, %rev3A_102, %masked_sort3A_84 : vector<16xi1>, vector<16xi32>
      %masked_sort3A_106 = arith.constant dense<true> : vector<16xi1>
      %masked_sort3A_107, %masked_sort3A_108, %masked_sort3A_109 = tpu.sort %select_n3A_104, %select_n3A_105 masked %masked_sort3A_106 : (vector<16xf32>, vector<16xi32>, vector<16xi1>) -> (vector<16xi1>, vector<16xf32>, vector<16xi32>)
      %get3A_110 = arith.constant 3 : i32
      %get3A_111 = arith.index_cast %get3A_110 : i32 to index
      %get3A_112 = arith.constant 0 : index
      %get3A_113 = tpu.vector_load %arg8[%get3A_111, %get3A_112] {strides = array<i32>} : memref<4x16xf32, #tpu.memory_space<vmem>>, vector<16xf32>,
      %rev3A_114 = arith.constant 15 : i32
      %rev3A_115 = vector.broadcast %rev3A_114 : i32 to vector<16xi32>
      %rev3A_116 = tpu.iota {dimensions = array<i32: 0>} : vector<16xi32>
      %rev3A_117 = arith.subi %rev3A_115, %rev3A_116 : vector<16xi32>
      %rev3A_118 = tpu.dynamic_gather %get3A_113[%rev3A_117] in [0] : vector<16xf32>, vector<16xi32> -> vector<16xf32>
      %get3A_119 = arith.constant 3 : i32
      %get3A_120 = arith.index_cast %get3A_119 : i32 to index
      %get3A_121 = arith.constant 0 : index
      %get3A_122 = tpu.vector_load %arg9[%get3A_120, %get3A_121] {strides = array<i32>} : memref<4x16xi32, #tpu.memory_space<vmem>>, vector<16xi32>,
      %rev3A_123 = arith.constant 15 : i32
      %rev3A_124 = vector.broadcast %rev3A_123 : i32 to vector<16xi32>
      %rev3A_125 = tpu.iota {dimensions = array<i32: 0>} : vector<16xi32>
      %rev3A_126 = arith.subi %rev3A_124, %rev3A_125 : vector<16xi32>
      %rev3A_127 = tpu.dynamic_gather %get3A_122[%rev3A_126] in [0] : vector<16xi32>, vector<16xi32> -> vector<16xi32>
      %gt3A_128 = arith.cmpf ogt, %rev3A_118, %masked_sort3A_108 : vector<16xf32>
      %select_n3A_129 = arith.select %gt3A_128, %rev3A_118, %masked_sort3A_108 : vector<16xi1>, vector<16xf32>
      %select_n3A_130 = arith.select %gt3A_128, %rev3A_127, %masked_sort3A_109 : vector<16xi1>, vector<16xi32>
      %masked_sort3A_131 = arith.constant dense<true> : vector<16xi1>
      %masked_sort3A_132, %masked_sort3A_133, %masked_sort3A_134 = tpu.sort %select_n3A_129, %select_n3A_130 masked %masked_sort3A_131 : (vector<16xf32>, vector<16xi32>, vector<16xi1>) -> (vector<16xi1>, vector<16xf32>, vector<16xi32>)
      %rev3A_135 = arith.constant 15 : i32
      %rev3A_136 = vector.broadcast %rev3A_135 : i32 to vector<16xi32>
      %rev3A_137 = tpu.iota {dimensions = array<i32: 0>} : vector<16xi32>
      %rev3A_138 = arith.subi %rev3A_136, %rev3A_137 : vector<16xi32>
      %rev3A_139 = tpu.dynamic_gather %masked_sort3A_134[%rev3A_138] in [0] : vector<16xi32>, vector<16xi32> -> vector<16xi32>
      %swap3A_140 = arith.constant 0 : index
      %swap3A_141 = tpu.vector_load %arg10[%swap3A_140] {strides = array<i32>} : memref<16xi32, #tpu.memory_space<vmem>>, vector<16xi32>,
      tpu.vector_store %arg10[%swap3A_140], %rev3A_139 {strides = array<i32>} : memref<16xi32, #tpu.memory_space<vmem>>, vector<16xi32>,
      %mul3A_142 = arith.constant 16 : i32
      %mul3A_143 = arith.muli %select_n3A, %mul3A_142 : i32
      "tpu.region"() ({
        %run_scoped3A = tpu.sem_alloc : memref<!tpu.dma_semaphore, #tpu.memory_space<semaphore_mem>>
        %dma_start3A = tpu.memref_slice %arg3[%mul3A_143] : memref<128xi32, #tpu.memory_space<hbm>> -> memref<16xi32, #tpu.memory_space<hbm>>
        %dma_start3A_144 = tpu.memref_slice %arg3[%mul3A_143] : memref<128xi32, #tpu.memory_space<hbm>> -> memref<16xi32, #tpu.memory_space<hbm>>
        tpu.enqueue_dma source(%arg10 : memref<16xi32, #tpu.memory_space<vmem>>) target(%dma_start3A_144 : memref<16xi32, #tpu.memory_space<hbm>>) target_semaphore(%run_scoped3A : memref<!tpu.dma_semaphore, #tpu.memory_space<semaphore_mem>>)
        %dma_wait3A = tpu.memref_slice %arg3[%mul3A_143] : memref<128xi32, #tpu.memory_space<hbm>> -> memref<16xi32, #tpu.memory_space<hbm>>
        %dma_wait3A_145 = tpu.memref_slice %arg3[%mul3A_143] : memref<128xi32, #tpu.memory_space<hbm>> -> memref<16xi32, #tpu.memory_space<hbm>>
        tpu.wait_dma2 semaphore(%run_scoped3A : memref<!tpu.dma_semaphore, #tpu.memory_space<semaphore_mem>>) src(%arg10 : memref<16xi32, #tpu.memory_space<vmem>>) dst(%dma_wait3A_145 : memref<16xi32, #tpu.memory_space<hbm>>)
        tpu.yield
      }) : () -> ()
    } else {
    }
    return
  }
}

module attributes {stable_mosaic.version = 14 : i64} {
  func.func @body(%arg0: i32, %arg1: memref<8192x64xf32, #tpu.memory_space<vmem>>, %arg2: memref<64x1xf32, #tpu.memory_space<vmem>>, %arg3: memref<64x128xf32, #tpu.memory_space<vmem>>) attributes {dimension_semantics = [#tpu.dimension_semantics<arbitrary>], iteration_bounds = array<i64: 98>, scalar_prefetch = 0 : i64, scratch_operands = 0 : i64, tpu.core_type = #tpu.core_type<tc>, window_params = [{transform_indices = @transform_0, window_bounds = array<i64: 8192, 64>}, {pipeline_mode = #tpu.pipeline_mode<synchronous>, transform_indices = @transform_1, window_bounds = array<i64: 64, 1>}, {transform_indices = @transform_2, window_bounds = array<i64: 64, 128>}]} {
    %get3A = arith.constant 0 : index
    %get3A_0 = arith.constant 0 : index
    %get3A_1 = vector.load %arg1[%get3A, %get3A_0] : memref<8192x64xf32, #tpu.memory_space<vmem>>, vector<8192x64xf32>
    %get3A_2 = arith.constant 0 : index
    %get3A_3 = arith.constant 0 : index
    %get3A_4 = vector.load %arg2[%get3A_2, %get3A_3] : memref<64x1xf32, #tpu.memory_space<vmem>>, vector<64x1xf32>
    %dot_general3A = arith.constant dense<0.000000e+00> : vector<8192x1xf32>
    %dot_general3A_5 = tpu.matmul %get3A_1, %get3A_4, %dot_general3A {dimension_numbers = #tpu.dot_dimension_numbers<[1], [0], [0], [1], [0, 0, 1, 1], [], []>, transpose_lhs_hint = false} : vector<8192x64xf32>, vector<64x1xf32>, vector<8192x1xf32> -> vector<8192x1xf32>
    %reshape3A = vector.shape_cast %dot_general3A_5 : vector<8192x1xf32> to vector<64x128xf32>
    %swap3A = arith.constant 0 : index
    %swap3A_6 = arith.constant 0 : index
    %swap3A_7 = vector.load %arg3[%swap3A, %swap3A_6] : memref<64x128xf32, #tpu.memory_space<vmem>>, vector<64x128xf32>
    tpu.vector_store %arg3[%swap3A, %swap3A_6], %reshape3A {strides = array<i32>} : memref<64x128xf32, #tpu.memory_space<vmem>>, vector<64x128xf32>,
    return
  }
  func.func @transform_0(%arg0: i32) -> (i32, i32) {
    %c0_i32 = arith.constant 0 : i32
    %c0_i32_0 = arith.constant 0 : i32
    return %arg0, %c0_i32 : i32, i32
  }
  func.func @transform_1(%arg0: i32) -> (i32, i32) {
    %c0_i32 = arith.constant 0 : i32
    %c0_i32_0 = arith.constant 0 : i32
    %c0_i32_1 = arith.constant 0 : i32
    return %c0_i32, %c0_i32_0 : i32, i32
  }
  func.func @transform_2(%arg0: i32) -> (i32, i32) {
    %c0_i32 = arith.constant 0 : i32
    %c0_i32_0 = arith.constant 0 : i32
    return %arg0, %c0_i32 : i32, i32
  }
}

module attributes {stable_mosaic.version = 14 : i64} {
  func.func @body(%arg0: i32, %arg1: memref<128xi32, #tpu.memory_space<smem>>, %arg2: memref<8x64xf32, #tpu.memory_space<vmem>>, %arg3: memref<8x64xf32, #tpu.memory_space<vmem>>, %arg4: memref<8x64xf32, #tpu.memory_space<vmem>>, %arg5: memref<8x64xf32, #tpu.memory_space<vmem>>, %arg6: memref<8x64xf32, #tpu.memory_space<vmem>>, %arg7: memref<8x64xf32, #tpu.memory_space<vmem>>, %arg8: memref<8x64xf32, #tpu.memory_space<vmem>>, %arg9: memref<8x64xf32, #tpu.memory_space<vmem>>, %arg10: memref<8x64xf32, #tpu.memory_space<vmem>>, %arg11: memref<8x64xf32, #tpu.memory_space<vmem>>, %arg12: memref<8x64xf32, #tpu.memory_space<vmem>>, %arg13: memref<8x64xf32, #tpu.memory_space<vmem>>, %arg14: memref<8x64xf32, #tpu.memory_space<vmem>>, %arg15: memref<8x64xf32, #tpu.memory_space<vmem>>, %arg16: memref<8x64xf32, #tpu.memory_space<vmem>>, %arg17: memref<8x64xf32, #tpu.memory_space<vmem>>, %arg18: memref<1x16x64xf32, #tpu.memory_space<vmem>>) attributes {dimension_semantics = [#tpu.dimension_semantics<arbitrary>], iteration_bounds = array<i64: 8>, scalar_prefetch = 1 : i64, scratch_operands = 0 : i64, tpu.core_type = #tpu.core_type<tc>, window_params = [{transform_indices = @transform_0, window_bounds = array<i64: 8, 64>}, {transform_indices = @transform_1, window_bounds = array<i64: 8, 64>}, {transform_indices = @transform_2, window_bounds = array<i64: 8, 64>}, {transform_indices = @transform_3, window_bounds = array<i64: 8, 64>}, {transform_indices = @transform_4, window_bounds = array<i64: 8, 64>}, {transform_indices = @transform_5, window_bounds = array<i64: 8, 64>}, {transform_indices = @transform_6, window_bounds = array<i64: 8, 64>}, {transform_indices = @transform_7, window_bounds = array<i64: 8, 64>}, {transform_indices = @transform_8, window_bounds = array<i64: 8, 64>}, {transform_indices = @transform_9, window_bounds = array<i64: 8, 64>}, {transform_indices = @transform_10, window_bounds = array<i64: 8, 64>}, {transform_indices = @transform_11, window_bounds = array<i64: 8, 64>}, {transform_indices = @transform_12, window_bounds = array<i64: 8, 64>}, {transform_indices = @transform_13, window_bounds = array<i64: 8, 64>}, {transform_indices = @transform_14, window_bounds = array<i64: 8, 64>}, {transform_indices = @transform_15, window_bounds = array<i64: 8, 64>}, {transform_indices = @transform_16, window_bounds = array<i64: 1, 16, 64>}]} {
    %mul3A = arith.constant 16 : i32
    %mul3A_0 = arith.muli %arg0, %mul3A : i32
    %add3A = arith.constant 0 : i32
    %add3A_1 = arith.addi %mul3A_0, %add3A : i32
    %get3A = arith.index_cast %add3A_1 : i32 to index
    %get3A_2 = memref.load %arg1[%get3A] : memref<128xi32, #tpu.memory_space<smem>>
    %jit3A = arith.constant 8 : i32
    %eq3A = arith.constant 0 : i32
    %eq3A_3 = arith.cmpi eq, %jit3A, %eq3A : i32
    %jit3A_4 = arith.constant 1 : i32
    %select_n3A = arith.select %eq3A_3, %jit3A_4, %jit3A : i32
    %rem3A = arith.remsi %get3A_2, %select_n3A : i32
    %ne3A = arith.constant 0 : i32
    %ne3A_5 = arith.cmpi ne, %rem3A, %ne3A : i32
    %lt3A = arith.constant 0 : i32
    %lt3A_6 = arith.cmpi slt, %rem3A, %lt3A : i32
    %lt3A_7 = arith.constant 0 : i32
    %lt3A_8 = arith.cmpi slt, %select_n3A, %lt3A_7 : i32
    %ne3A_9 = arith.xori %lt3A_6, %lt3A_8 : i1
    %and3A = arith.andi %ne3A_9, %ne3A_5 : i1
    %add3A_10 = arith.addi %rem3A, %select_n3A : i32
    %select_n3A_11 = arith.select %and3A, %add3A_10, %rem3A : i32
    %get3A_12 = arith.constant 0 : index
    %get3A_13 = arith.constant 0 : index
    %get3A_14 = vector.load %arg2[%get3A_12, %get3A_13] : memref<8x64xf32, #tpu.memory_space<vmem>>, vector<8x64xf32>
    %eq3A_15 = arith.constant 0 : i32
    %eq3A_16 = arith.cmpi eq, %select_n3A_11, %eq3A_15 : i32
    %slice3A = vector.extract_strided_slice %get3A_14 {offsets = [0, 0], sizes = [1, 64], strides = [1, 1]} : vector<8x64xf32> to vector<1x64xf32>
    %jit3A_17 = arith.constant 0.000000e+00 : f32
    %broadcast_in_dim3A = vector.broadcast %jit3A_17 : f32 to vector<1x64xf32>
    %select_n3A_18 = arith.select %eq3A_16, %slice3A, %broadcast_in_dim3A : vector<1x64xf32>
    %eq3A_19 = arith.constant 1 : i32
    %eq3A_20 = arith.cmpi eq, %select_n3A_11, %eq3A_19 : i32
    %slice3A_21 = vector.extract_strided_slice %get3A_14 {offsets = [1, 0], sizes = [1, 64], strides = [1, 1]} : vector<8x64xf32> to vector<1x64xf32>
    %jit3A_22 = arith.constant 0.000000e+00 : f32
    %broadcast_in_dim3A_23 = vector.broadcast %jit3A_22 : f32 to vector<1x64xf32>
    %select_n3A_24 = arith.select %eq3A_20, %slice3A_21, %broadcast_in_dim3A_23 : vector<1x64xf32>
    %add3A_25 = arith.addf %select_n3A_18, %select_n3A_24 : vector<1x64xf32>
    %eq3A_26 = arith.constant 2 : i32
    %eq3A_27 = arith.cmpi eq, %select_n3A_11, %eq3A_26 : i32
    %slice3A_28 = vector.extract_strided_slice %get3A_14 {offsets = [2, 0], sizes = [1, 64], strides = [1, 1]} : vector<8x64xf32> to vector<1x64xf32>
    %jit3A_29 = arith.constant 0.000000e+00 : f32
    %broadcast_in_dim3A_30 = vector.broadcast %jit3A_29 : f32 to vector<1x64xf32>
    %select_n3A_31 = arith.select %eq3A_27, %slice3A_28, %broadcast_in_dim3A_30 : vector<1x64xf32>
    %add3A_32 = arith.addf %add3A_25, %select_n3A_31 : vector<1x64xf32>
    %eq3A_33 = arith.constant 3 : i32
    %eq3A_34 = arith.cmpi eq, %select_n3A_11, %eq3A_33 : i32
    %slice3A_35 = vector.extract_strided_slice %get3A_14 {offsets = [3, 0], sizes = [1, 64], strides = [1, 1]} : vector<8x64xf32> to vector<1x64xf32>
    %jit3A_36 = arith.constant 0.000000e+00 : f32
    %broadcast_in_dim3A_37 = vector.broadcast %jit3A_36 : f32 to vector<1x64xf32>
    %select_n3A_38 = arith.select %eq3A_34, %slice3A_35, %broadcast_in_dim3A_37 : vector<1x64xf32>
    %add3A_39 = arith.addf %add3A_32, %select_n3A_38 : vector<1x64xf32>
    %eq3A_40 = arith.constant 4 : i32
    %eq3A_41 = arith.cmpi eq, %select_n3A_11, %eq3A_40 : i32
    %slice3A_42 = vector.extract_strided_slice %get3A_14 {offsets = [4, 0], sizes = [1, 64], strides = [1, 1]} : vector<8x64xf32> to vector<1x64xf32>
    %jit3A_43 = arith.constant 0.000000e+00 : f32
    %broadcast_in_dim3A_44 = vector.broadcast %jit3A_43 : f32 to vector<1x64xf32>
    %select_n3A_45 = arith.select %eq3A_41, %slice3A_42, %broadcast_in_dim3A_44 : vector<1x64xf32>
    %add3A_46 = arith.addf %add3A_39, %select_n3A_45 : vector<1x64xf32>
    %eq3A_47 = arith.constant 5 : i32
    %eq3A_48 = arith.cmpi eq, %select_n3A_11, %eq3A_47 : i32
    %slice3A_49 = vector.extract_strided_slice %get3A_14 {offsets = [5, 0], sizes = [1, 64], strides = [1, 1]} : vector<8x64xf32> to vector<1x64xf32>
    %jit3A_50 = arith.constant 0.000000e+00 : f32
    %broadcast_in_dim3A_51 = vector.broadcast %jit3A_50 : f32 to vector<1x64xf32>
    %select_n3A_52 = arith.select %eq3A_48, %slice3A_49, %broadcast_in_dim3A_51 : vector<1x64xf32>
    %add3A_53 = arith.addf %add3A_46, %select_n3A_52 : vector<1x64xf32>
    %eq3A_54 = arith.constant 6 : i32
    %eq3A_55 = arith.cmpi eq, %select_n3A_11, %eq3A_54 : i32
    %slice3A_56 = vector.extract_strided_slice %get3A_14 {offsets = [6, 0], sizes = [1, 64], strides = [1, 1]} : vector<8x64xf32> to vector<1x64xf32>
    %jit3A_57 = arith.constant 0.000000e+00 : f32
    %broadcast_in_dim3A_58 = vector.broadcast %jit3A_57 : f32 to vector<1x64xf32>
    %select_n3A_59 = arith.select %eq3A_55, %slice3A_56, %broadcast_in_dim3A_58 : vector<1x64xf32>
    %add3A_60 = arith.addf %add3A_53, %select_n3A_59 : vector<1x64xf32>
    %eq3A_61 = arith.constant 7 : i32
    %eq3A_62 = arith.cmpi eq, %select_n3A_11, %eq3A_61 : i32
    %slice3A_63 = vector.extract_strided_slice %get3A_14 {offsets = [7, 0], sizes = [1, 64], strides = [1, 1]} : vector<8x64xf32> to vector<1x64xf32>
    %jit3A_64 = arith.constant 0.000000e+00 : f32
    %broadcast_in_dim3A_65 = vector.broadcast %jit3A_64 : f32 to vector<1x64xf32>
    %select_n3A_66 = arith.select %eq3A_62, %slice3A_63, %broadcast_in_dim3A_65 : vector<1x64xf32>
    %add3A_67 = arith.addf %add3A_60, %select_n3A_66 : vector<1x64xf32>
    %mul3A_68 = arith.constant 16 : i32
    %mul3A_69 = arith.muli %arg0, %mul3A_68 : i32
    %add3A_70 = arith.constant 1 : i32
    %add3A_71 = arith.addi %mul3A_69, %add3A_70 : i32
    %get3A_72 = arith.index_cast %add3A_71 : i32 to index
    %get3A_73 = memref.load %arg1[%get3A_72] : memref<128xi32, #tpu.memory_space<smem>>
    %jit3A_74 = arith.constant 8 : i32
    %eq3A_75 = arith.constant 0 : i32
    %eq3A_76 = arith.cmpi eq, %jit3A_74, %eq3A_75 : i32
    %jit3A_77 = arith.constant 1 : i32
    %select_n3A_78 = arith.select %eq3A_76, %jit3A_77, %jit3A_74 : i32
    %rem3A_79 = arith.remsi %get3A_73, %select_n3A_78 : i32
    %ne3A_80 = arith.constant 0 : i32
    %ne3A_81 = arith.cmpi ne, %rem3A_79, %ne3A_80 : i32
    %lt3A_82 = arith.constant 0 : i32
    %lt3A_83 = arith.cmpi slt, %rem3A_79, %lt3A_82 : i32
    %lt3A_84 = arith.constant 0 : i32
    %lt3A_85 = arith.cmpi slt, %select_n3A_78, %lt3A_84 : i32
    %ne3A_86 = arith.xori %lt3A_83, %lt3A_85 : i1
    %and3A_87 = arith.andi %ne3A_86, %ne3A_81 : i1
    %add3A_88 = arith.addi %rem3A_79, %select_n3A_78 : i32
    %select_n3A_89 = arith.select %and3A_87, %add3A_88, %rem3A_79 : i32
    %get3A_90 = arith.constant 0 : index
    %get3A_91 = arith.constant 0 : index
    %get3A_92 = vector.load %arg3[%get3A_90, %get3A_91] : memref<8x64xf32, #tpu.memory_space<vmem>>, vector<8x64xf32>
    %eq3A_93 = arith.constant 0 : i32
    %eq3A_94 = arith.cmpi eq, %select_n3A_89, %eq3A_93 : i32
    %slice3A_95 = vector.extract_strided_slice %get3A_92 {offsets = [0, 0], sizes = [1, 64], strides = [1, 1]} : vector<8x64xf32> to vector<1x64xf32>
    %jit3A_96 = arith.constant 0.000000e+00 : f32
    %broadcast_in_dim3A_97 = vector.broadcast %jit3A_96 : f32 to vector<1x64xf32>
    %select_n3A_98 = arith.select %eq3A_94, %slice3A_95, %broadcast_in_dim3A_97 : vector<1x64xf32>
    %eq3A_99 = arith.constant 1 : i32
    %eq3A_100 = arith.cmpi eq, %select_n3A_89, %eq3A_99 : i32
    %slice3A_101 = vector.extract_strided_slice %get3A_92 {offsets = [1, 0], sizes = [1, 64], strides = [1, 1]} : vector<8x64xf32> to vector<1x64xf32>
    %jit3A_102 = arith.constant 0.000000e+00 : f32
    %broadcast_in_dim3A_103 = vector.broadcast %jit3A_102 : f32 to vector<1x64xf32>
    %select_n3A_104 = arith.select %eq3A_100, %slice3A_101, %broadcast_in_dim3A_103 : vector<1x64xf32>
    %add3A_105 = arith.addf %select_n3A_98, %select_n3A_104 : vector<1x64xf32>
    %eq3A_106 = arith.constant 2 : i32
    %eq3A_107 = arith.cmpi eq, %select_n3A_89, %eq3A_106 : i32
    %slice3A_108 = vector.extract_strided_slice %get3A_92 {offsets = [2, 0], sizes = [1, 64], strides = [1, 1]} : vector<8x64xf32> to vector<1x64xf32>
    %jit3A_109 = arith.constant 0.000000e+00 : f32
    %broadcast_in_dim3A_110 = vector.broadcast %jit3A_109 : f32 to vector<1x64xf32>
    %select_n3A_111 = arith.select %eq3A_107, %slice3A_108, %broadcast_in_dim3A_110 : vector<1x64xf32>
    %add3A_112 = arith.addf %add3A_105, %select_n3A_111 : vector<1x64xf32>
    %eq3A_113 = arith.constant 3 : i32
    %eq3A_114 = arith.cmpi eq, %select_n3A_89, %eq3A_113 : i32
    %slice3A_115 = vector.extract_strided_slice %get3A_92 {offsets = [3, 0], sizes = [1, 64], strides = [1, 1]} : vector<8x64xf32> to vector<1x64xf32>
    %jit3A_116 = arith.constant 0.000000e+00 : f32
    %broadcast_in_dim3A_117 = vector.broadcast %jit3A_116 : f32 to vector<1x64xf32>
    %select_n3A_118 = arith.select %eq3A_114, %slice3A_115, %broadcast_in_dim3A_117 : vector<1x64xf32>
    %add3A_119 = arith.addf %add3A_112, %select_n3A_118 : vector<1x64xf32>
    %eq3A_120 = arith.constant 4 : i32
    %eq3A_121 = arith.cmpi eq, %select_n3A_89, %eq3A_120 : i32
    %slice3A_122 = vector.extract_strided_slice %get3A_92 {offsets = [4, 0], sizes = [1, 64], strides = [1, 1]} : vector<8x64xf32> to vector<1x64xf32>
    %jit3A_123 = arith.constant 0.000000e+00 : f32
    %broadcast_in_dim3A_124 = vector.broadcast %jit3A_123 : f32 to vector<1x64xf32>
    %select_n3A_125 = arith.select %eq3A_121, %slice3A_122, %broadcast_in_dim3A_124 : vector<1x64xf32>
    %add3A_126 = arith.addf %add3A_119, %select_n3A_125 : vector<1x64xf32>
    %eq3A_127 = arith.constant 5 : i32
    %eq3A_128 = arith.cmpi eq, %select_n3A_89, %eq3A_127 : i32
    %slice3A_129 = vector.extract_strided_slice %get3A_92 {offsets = [5, 0], sizes = [1, 64], strides = [1, 1]} : vector<8x64xf32> to vector<1x64xf32>
    %jit3A_130 = arith.constant 0.000000e+00 : f32
    %broadcast_in_dim3A_131 = vector.broadcast %jit3A_130 : f32 to vector<1x64xf32>
    %select_n3A_132 = arith.select %eq3A_128, %slice3A_129, %broadcast_in_dim3A_131 : vector<1x64xf32>
    %add3A_133 = arith.addf %add3A_126, %select_n3A_132 : vector<1x64xf32>
    %eq3A_134 = arith.constant 6 : i32
    %eq3A_135 = arith.cmpi eq, %select_n3A_89, %eq3A_134 : i32
    %slice3A_136 = vector.extract_strided_slice %get3A_92 {offsets = [6, 0], sizes = [1, 64], strides = [1, 1]} : vector<8x64xf32> to vector<1x64xf32>
    %jit3A_137 = arith.constant 0.000000e+00 : f32
    %broadcast_in_dim3A_138 = vector.broadcast %jit3A_137 : f32 to vector<1x64xf32>
    %select_n3A_139 = arith.select %eq3A_135, %slice3A_136, %broadcast_in_dim3A_138 : vector<1x64xf32>
    %add3A_140 = arith.addf %add3A_133, %select_n3A_139 : vector<1x64xf32>
    %eq3A_141 = arith.constant 7 : i32
    %eq3A_142 = arith.cmpi eq, %select_n3A_89, %eq3A_141 : i32
    %slice3A_143 = vector.extract_strided_slice %get3A_92 {offsets = [7, 0], sizes = [1, 64], strides = [1, 1]} : vector<8x64xf32> to vector<1x64xf32>
    %jit3A_144 = arith.constant 0.000000e+00 : f32
    %broadcast_in_dim3A_145 = vector.broadcast %jit3A_144 : f32 to vector<1x64xf32>
    %select_n3A_146 = arith.select %eq3A_142, %slice3A_143, %broadcast_in_dim3A_145 : vector<1x64xf32>
    %add3A_147 = arith.addf %add3A_140, %select_n3A_146 : vector<1x64xf32>
    %mul3A_148 = arith.constant 16 : i32
    %mul3A_149 = arith.muli %arg0, %mul3A_148 : i32
    %add3A_150 = arith.constant 2 : i32
    %add3A_151 = arith.addi %mul3A_149, %add3A_150 : i32
    %get3A_152 = arith.index_cast %add3A_151 : i32 to index
    %get3A_153 = memref.load %arg1[%get3A_152] : memref<128xi32, #tpu.memory_space<smem>>
    %jit3A_154 = arith.constant 8 : i32
    %eq3A_155 = arith.constant 0 : i32
    %eq3A_156 = arith.cmpi eq, %jit3A_154, %eq3A_155 : i32
    %jit3A_157 = arith.constant 1 : i32
    %select_n3A_158 = arith.select %eq3A_156, %jit3A_157, %jit3A_154 : i32
    %rem3A_159 = arith.remsi %get3A_153, %select_n3A_158 : i32
    %ne3A_160 = arith.constant 0 : i32
    %ne3A_161 = arith.cmpi ne, %rem3A_159, %ne3A_160 : i32
    %lt3A_162 = arith.constant 0 : i32
    %lt3A_163 = arith.cmpi slt, %rem3A_159, %lt3A_162 : i32
    %lt3A_164 = arith.constant 0 : i32
    %lt3A_165 = arith.cmpi slt, %select_n3A_158, %lt3A_164 : i32
    %ne3A_166 = arith.xori %lt3A_163, %lt3A_165 : i1
    %and3A_167 = arith.andi %ne3A_166, %ne3A_161 : i1
    %add3A_168 = arith.addi %rem3A_159, %select_n3A_158 : i32
    %select_n3A_169 = arith.select %and3A_167, %add3A_168, %rem3A_159 : i32
    %get3A_170 = arith.constant 0 : index
    %get3A_171 = arith.constant 0 : index
    %get3A_172 = vector.load %arg4[%get3A_170, %get3A_171] : memref<8x64xf32, #tpu.memory_space<vmem>>, vector<8x64xf32>
    %eq3A_173 = arith.constant 0 : i32
    %eq3A_174 = arith.cmpi eq, %select_n3A_169, %eq3A_173 : i32
    %slice3A_175 = vector.extract_strided_slice %get3A_172 {offsets = [0, 0], sizes = [1, 64], strides = [1, 1]} : vector<8x64xf32> to vector<1x64xf32>
    %jit3A_176 = arith.constant 0.000000e+00 : f32
    %broadcast_in_dim3A_177 = vector.broadcast %jit3A_176 : f32 to vector<1x64xf32>
    %select_n3A_178 = arith.select %eq3A_174, %slice3A_175, %broadcast_in_dim3A_177 : vector<1x64xf32>
    %eq3A_179 = arith.constant 1 : i32
    %eq3A_180 = arith.cmpi eq, %select_n3A_169, %eq3A_179 : i32
    %slice3A_181 = vector.extract_strided_slice %get3A_172 {offsets = [1, 0], sizes = [1, 64], strides = [1, 1]} : vector<8x64xf32> to vector<1x64xf32>
    %jit3A_182 = arith.constant 0.000000e+00 : f32
    %broadcast_in_dim3A_183 = vector.broadcast %jit3A_182 : f32 to vector<1x64xf32>
    %select_n3A_184 = arith.select %eq3A_180, %slice3A_181, %broadcast_in_dim3A_183 : vector<1x64xf32>
    %add3A_185 = arith.addf %select_n3A_178, %select_n3A_184 : vector<1x64xf32>
    %eq3A_186 = arith.constant 2 : i32
    %eq3A_187 = arith.cmpi eq, %select_n3A_169, %eq3A_186 : i32
    %slice3A_188 = vector.extract_strided_slice %get3A_172 {offsets = [2, 0], sizes = [1, 64], strides = [1, 1]} : vector<8x64xf32> to vector<1x64xf32>
    %jit3A_189 = arith.constant 0.000000e+00 : f32
    %broadcast_in_dim3A_190 = vector.broadcast %jit3A_189 : f32 to vector<1x64xf32>
    %select_n3A_191 = arith.select %eq3A_187, %slice3A_188, %broadcast_in_dim3A_190 : vector<1x64xf32>
    %add3A_192 = arith.addf %add3A_185, %select_n3A_191 : vector<1x64xf32>
    %eq3A_193 = arith.constant 3 : i32
    %eq3A_194 = arith.cmpi eq, %select_n3A_169, %eq3A_193 : i32
    %slice3A_195 = vector.extract_strided_slice %get3A_172 {offsets = [3, 0], sizes = [1, 64], strides = [1, 1]} : vector<8x64xf32> to vector<1x64xf32>
    %jit3A_196 = arith.constant 0.000000e+00 : f32
    %broadcast_in_dim3A_197 = vector.broadcast %jit3A_196 : f32 to vector<1x64xf32>
    %select_n3A_198 = arith.select %eq3A_194, %slice3A_195, %broadcast_in_dim3A_197 : vector<1x64xf32>
    %add3A_199 = arith.addf %add3A_192, %select_n3A_198 : vector<1x64xf32>
    %eq3A_200 = arith.constant 4 : i32
    %eq3A_201 = arith.cmpi eq, %select_n3A_169, %eq3A_200 : i32
    %slice3A_202 = vector.extract_strided_slice %get3A_172 {offsets = [4, 0], sizes = [1, 64], strides = [1, 1]} : vector<8x64xf32> to vector<1x64xf32>
    %jit3A_203 = arith.constant 0.000000e+00 : f32
    %broadcast_in_dim3A_204 = vector.broadcast %jit3A_203 : f32 to vector<1x64xf32>
    %select_n3A_205 = arith.select %eq3A_201, %slice3A_202, %broadcast_in_dim3A_204 : vector<1x64xf32>
    %add3A_206 = arith.addf %add3A_199, %select_n3A_205 : vector<1x64xf32>
    %eq3A_207 = arith.constant 5 : i32
    %eq3A_208 = arith.cmpi eq, %select_n3A_169, %eq3A_207 : i32
    %slice3A_209 = vector.extract_strided_slice %get3A_172 {offsets = [5, 0], sizes = [1, 64], strides = [1, 1]} : vector<8x64xf32> to vector<1x64xf32>
    %jit3A_210 = arith.constant 0.000000e+00 : f32
    %broadcast_in_dim3A_211 = vector.broadcast %jit3A_210 : f32 to vector<1x64xf32>
    %select_n3A_212 = arith.select %eq3A_208, %slice3A_209, %broadcast_in_dim3A_211 : vector<1x64xf32>
    %add3A_213 = arith.addf %add3A_206, %select_n3A_212 : vector<1x64xf32>
    %eq3A_214 = arith.constant 6 : i32
    %eq3A_215 = arith.cmpi eq, %select_n3A_169, %eq3A_214 : i32
    %slice3A_216 = vector.extract_strided_slice %get3A_172 {offsets = [6, 0], sizes = [1, 64], strides = [1, 1]} : vector<8x64xf32> to vector<1x64xf32>
    %jit3A_217 = arith.constant 0.000000e+00 : f32
    %broadcast_in_dim3A_218 = vector.broadcast %jit3A_217 : f32 to vector<1x64xf32>
    %select_n3A_219 = arith.select %eq3A_215, %slice3A_216, %broadcast_in_dim3A_218 : vector<1x64xf32>
    %add3A_220 = arith.addf %add3A_213, %select_n3A_219 : vector<1x64xf32>
    %eq3A_221 = arith.constant 7 : i32
    %eq3A_222 = arith.cmpi eq, %select_n3A_169, %eq3A_221 : i32
    %slice3A_223 = vector.extract_strided_slice %get3A_172 {offsets = [7, 0], sizes = [1, 64], strides = [1, 1]} : vector<8x64xf32> to vector<1x64xf32>
    %jit3A_224 = arith.constant 0.000000e+00 : f32
    %broadcast_in_dim3A_225 = vector.broadcast %jit3A_224 : f32 to vector<1x64xf32>
    %select_n3A_226 = arith.select %eq3A_222, %slice3A_223, %broadcast_in_dim3A_225 : vector<1x64xf32>
    %add3A_227 = arith.addf %add3A_220, %select_n3A_226 : vector<1x64xf32>
    %mul3A_228 = arith.constant 16 : i32
    %mul3A_229 = arith.muli %arg0, %mul3A_228 : i32
    %add3A_230 = arith.constant 3 : i32
    %add3A_231 = arith.addi %mul3A_229, %add3A_230 : i32
    %get3A_232 = arith.index_cast %add3A_231 : i32 to index
    %get3A_233 = memref.load %arg1[%get3A_232] : memref<128xi32, #tpu.memory_space<smem>>
    %jit3A_234 = arith.constant 8 : i32
    %eq3A_235 = arith.constant 0 : i32
    %eq3A_236 = arith.cmpi eq, %jit3A_234, %eq3A_235 : i32
    %jit3A_237 = arith.constant 1 : i32
    %select_n3A_238 = arith.select %eq3A_236, %jit3A_237, %jit3A_234 : i32
    %rem3A_239 = arith.remsi %get3A_233, %select_n3A_238 : i32
    %ne3A_240 = arith.constant 0 : i32
    %ne3A_241 = arith.cmpi ne, %rem3A_239, %ne3A_240 : i32
    %lt3A_242 = arith.constant 0 : i32
    %lt3A_243 = arith.cmpi slt, %rem3A_239, %lt3A_242 : i32
    %lt3A_244 = arith.constant 0 : i32
    %lt3A_245 = arith.cmpi slt, %select_n3A_238, %lt3A_244 : i32
    %ne3A_246 = arith.xori %lt3A_243, %lt3A_245 : i1
    %and3A_247 = arith.andi %ne3A_246, %ne3A_241 : i1
    %add3A_248 = arith.addi %rem3A_239, %select_n3A_238 : i32
    %select_n3A_249 = arith.select %and3A_247, %add3A_248, %rem3A_239 : i32
    %get3A_250 = arith.constant 0 : index
    %get3A_251 = arith.constant 0 : index
    %get3A_252 = vector.load %arg5[%get3A_250, %get3A_251] : memref<8x64xf32, #tpu.memory_space<vmem>>, vector<8x64xf32>
    %eq3A_253 = arith.constant 0 : i32
    %eq3A_254 = arith.cmpi eq, %select_n3A_249, %eq3A_253 : i32
    %slice3A_255 = vector.extract_strided_slice %get3A_252 {offsets = [0, 0], sizes = [1, 64], strides = [1, 1]} : vector<8x64xf32> to vector<1x64xf32>
    %jit3A_256 = arith.constant 0.000000e+00 : f32
    %broadcast_in_dim3A_257 = vector.broadcast %jit3A_256 : f32 to vector<1x64xf32>
    %select_n3A_258 = arith.select %eq3A_254, %slice3A_255, %broadcast_in_dim3A_257 : vector<1x64xf32>
    %eq3A_259 = arith.constant 1 : i32
    %eq3A_260 = arith.cmpi eq, %select_n3A_249, %eq3A_259 : i32
    %slice3A_261 = vector.extract_strided_slice %get3A_252 {offsets = [1, 0], sizes = [1, 64], strides = [1, 1]} : vector<8x64xf32> to vector<1x64xf32>
    %jit3A_262 = arith.constant 0.000000e+00 : f32
    %broadcast_in_dim3A_263 = vector.broadcast %jit3A_262 : f32 to vector<1x64xf32>
    %select_n3A_264 = arith.select %eq3A_260, %slice3A_261, %broadcast_in_dim3A_263 : vector<1x64xf32>
    %add3A_265 = arith.addf %select_n3A_258, %select_n3A_264 : vector<1x64xf32>
    %eq3A_266 = arith.constant 2 : i32
    %eq3A_267 = arith.cmpi eq, %select_n3A_249, %eq3A_266 : i32
    %slice3A_268 = vector.extract_strided_slice %get3A_252 {offsets = [2, 0], sizes = [1, 64], strides = [1, 1]} : vector<8x64xf32> to vector<1x64xf32>
    %jit3A_269 = arith.constant 0.000000e+00 : f32
    %broadcast_in_dim3A_270 = vector.broadcast %jit3A_269 : f32 to vector<1x64xf32>
    %select_n3A_271 = arith.select %eq3A_267, %slice3A_268, %broadcast_in_dim3A_270 : vector<1x64xf32>
    %add3A_272 = arith.addf %add3A_265, %select_n3A_271 : vector<1x64xf32>
    %eq3A_273 = arith.constant 3 : i32
    %eq3A_274 = arith.cmpi eq, %select_n3A_249, %eq3A_273 : i32
    %slice3A_275 = vector.extract_strided_slice %get3A_252 {offsets = [3, 0], sizes = [1, 64], strides = [1, 1]} : vector<8x64xf32> to vector<1x64xf32>
    %jit3A_276 = arith.constant 0.000000e+00 : f32
    %broadcast_in_dim3A_277 = vector.broadcast %jit3A_276 : f32 to vector<1x64xf32>
    %select_n3A_278 = arith.select %eq3A_274, %slice3A_275, %broadcast_in_dim3A_277 : vector<1x64xf32>
    %add3A_279 = arith.addf %add3A_272, %select_n3A_278 : vector<1x64xf32>
    %eq3A_280 = arith.constant 4 : i32
    %eq3A_281 = arith.cmpi eq, %select_n3A_249, %eq3A_280 : i32
    %slice3A_282 = vector.extract_strided_slice %get3A_252 {offsets = [4, 0], sizes = [1, 64], strides = [1, 1]} : vector<8x64xf32> to vector<1x64xf32>
    %jit3A_283 = arith.constant 0.000000e+00 : f32
    %broadcast_in_dim3A_284 = vector.broadcast %jit3A_283 : f32 to vector<1x64xf32>
    %select_n3A_285 = arith.select %eq3A_281, %slice3A_282, %broadcast_in_dim3A_284 : vector<1x64xf32>
    %add3A_286 = arith.addf %add3A_279, %select_n3A_285 : vector<1x64xf32>
    %eq3A_287 = arith.constant 5 : i32
    %eq3A_288 = arith.cmpi eq, %select_n3A_249, %eq3A_287 : i32
    %slice3A_289 = vector.extract_strided_slice %get3A_252 {offsets = [5, 0], sizes = [1, 64], strides = [1, 1]} : vector<8x64xf32> to vector<1x64xf32>
    %jit3A_290 = arith.constant 0.000000e+00 : f32
    %broadcast_in_dim3A_291 = vector.broadcast %jit3A_290 : f32 to vector<1x64xf32>
    %select_n3A_292 = arith.select %eq3A_288, %slice3A_289, %broadcast_in_dim3A_291 : vector<1x64xf32>
    %add3A_293 = arith.addf %add3A_286, %select_n3A_292 : vector<1x64xf32>
    %eq3A_294 = arith.constant 6 : i32
    %eq3A_295 = arith.cmpi eq, %select_n3A_249, %eq3A_294 : i32
    %slice3A_296 = vector.extract_strided_slice %get3A_252 {offsets = [6, 0], sizes = [1, 64], strides = [1, 1]} : vector<8x64xf32> to vector<1x64xf32>
    %jit3A_297 = arith.constant 0.000000e+00 : f32
    %broadcast_in_dim3A_298 = vector.broadcast %jit3A_297 : f32 to vector<1x64xf32>
    %select_n3A_299 = arith.select %eq3A_295, %slice3A_296, %broadcast_in_dim3A_298 : vector<1x64xf32>
    %add3A_300 = arith.addf %add3A_293, %select_n3A_299 : vector<1x64xf32>
    %eq3A_301 = arith.constant 7 : i32
    %eq3A_302 = arith.cmpi eq, %select_n3A_249, %eq3A_301 : i32
    %slice3A_303 = vector.extract_strided_slice %get3A_252 {offsets = [7, 0], sizes = [1, 64], strides = [1, 1]} : vector<8x64xf32> to vector<1x64xf32>
    %jit3A_304 = arith.constant 0.000000e+00 : f32
    %broadcast_in_dim3A_305 = vector.broadcast %jit3A_304 : f32 to vector<1x64xf32>
    %select_n3A_306 = arith.select %eq3A_302, %slice3A_303, %broadcast_in_dim3A_305 : vector<1x64xf32>
    %add3A_307 = arith.addf %add3A_300, %select_n3A_306 : vector<1x64xf32>
    %mul3A_308 = arith.constant 16 : i32
    %mul3A_309 = arith.muli %arg0, %mul3A_308 : i32
    %add3A_310 = arith.constant 4 : i32
    %add3A_311 = arith.addi %mul3A_309, %add3A_310 : i32
    %get3A_312 = arith.index_cast %add3A_311 : i32 to index
    %get3A_313 = memref.load %arg1[%get3A_312] : memref<128xi32, #tpu.memory_space<smem>>
    %jit3A_314 = arith.constant 8 : i32
    %eq3A_315 = arith.constant 0 : i32
    %eq3A_316 = arith.cmpi eq, %jit3A_314, %eq3A_315 : i32
    %jit3A_317 = arith.constant 1 : i32
    %select_n3A_318 = arith.select %eq3A_316, %jit3A_317, %jit3A_314 : i32
    %rem3A_319 = arith.remsi %get3A_313, %select_n3A_318 : i32
    %ne3A_320 = arith.constant 0 : i32
    %ne3A_321 = arith.cmpi ne, %rem3A_319, %ne3A_320 : i32
    %lt3A_322 = arith.constant 0 : i32
    %lt3A_323 = arith.cmpi slt, %rem3A_319, %lt3A_322 : i32
    %lt3A_324 = arith.constant 0 : i32
    %lt3A_325 = arith.cmpi slt, %select_n3A_318, %lt3A_324 : i32
    %ne3A_326 = arith.xori %lt3A_323, %lt3A_325 : i1
    %and3A_327 = arith.andi %ne3A_326, %ne3A_321 : i1
    %add3A_328 = arith.addi %rem3A_319, %select_n3A_318 : i32
    %select_n3A_329 = arith.select %and3A_327, %add3A_328, %rem3A_319 : i32
    %get3A_330 = arith.constant 0 : index
    %get3A_331 = arith.constant 0 : index
    %get3A_332 = vector.load %arg6[%get3A_330, %get3A_331] : memref<8x64xf32, #tpu.memory_space<vmem>>, vector<8x64xf32>
    %eq3A_333 = arith.constant 0 : i32
    %eq3A_334 = arith.cmpi eq, %select_n3A_329, %eq3A_333 : i32
    %slice3A_335 = vector.extract_strided_slice %get3A_332 {offsets = [0, 0], sizes = [1, 64], strides = [1, 1]} : vector<8x64xf32> to vector<1x64xf32>
    %jit3A_336 = arith.constant 0.000000e+00 : f32
    %broadcast_in_dim3A_337 = vector.broadcast %jit3A_336 : f32 to vector<1x64xf32>
    %select_n3A_338 = arith.select %eq3A_334, %slice3A_335, %broadcast_in_dim3A_337 : vector<1x64xf32>
    %eq3A_339 = arith.constant 1 : i32
    %eq3A_340 = arith.cmpi eq, %select_n3A_329, %eq3A_339 : i32
    %slice3A_341 = vector.extract_strided_slice %get3A_332 {offsets = [1, 0], sizes = [1, 64], strides = [1, 1]} : vector<8x64xf32> to vector<1x64xf32>
    %jit3A_342 = arith.constant 0.000000e+00 : f32
    %broadcast_in_dim3A_343 = vector.broadcast %jit3A_342 : f32 to vector<1x64xf32>
    %select_n3A_344 = arith.select %eq3A_340, %slice3A_341, %broadcast_in_dim3A_343 : vector<1x64xf32>
    %add3A_345 = arith.addf %select_n3A_338, %select_n3A_344 : vector<1x64xf32>
    %eq3A_346 = arith.constant 2 : i32
    %eq3A_347 = arith.cmpi eq, %select_n3A_329, %eq3A_346 : i32
    %slice3A_348 = vector.extract_strided_slice %get3A_332 {offsets = [2, 0], sizes = [1, 64], strides = [1, 1]} : vector<8x64xf32> to vector<1x64xf32>
    %jit3A_349 = arith.constant 0.000000e+00 : f32
    %broadcast_in_dim3A_350 = vector.broadcast %jit3A_349 : f32 to vector<1x64xf32>
    %select_n3A_351 = arith.select %eq3A_347, %slice3A_348, %broadcast_in_dim3A_350 : vector<1x64xf32>
    %add3A_352 = arith.addf %add3A_345, %select_n3A_351 : vector<1x64xf32>
    %eq3A_353 = arith.constant 3 : i32
    %eq3A_354 = arith.cmpi eq, %select_n3A_329, %eq3A_353 : i32
    %slice3A_355 = vector.extract_strided_slice %get3A_332 {offsets = [3, 0], sizes = [1, 64], strides = [1, 1]} : vector<8x64xf32> to vector<1x64xf32>
    %jit3A_356 = arith.constant 0.000000e+00 : f32
    %broadcast_in_dim3A_357 = vector.broadcast %jit3A_356 : f32 to vector<1x64xf32>
    %select_n3A_358 = arith.select %eq3A_354, %slice3A_355, %broadcast_in_dim3A_357 : vector<1x64xf32>
    %add3A_359 = arith.addf %add3A_352, %select_n3A_358 : vector<1x64xf32>
    %eq3A_360 = arith.constant 4 : i32
    %eq3A_361 = arith.cmpi eq, %select_n3A_329, %eq3A_360 : i32
    %slice3A_362 = vector.extract_strided_slice %get3A_332 {offsets = [4, 0], sizes = [1, 64], strides = [1, 1]} : vector<8x64xf32> to vector<1x64xf32>
    %jit3A_363 = arith.constant 0.000000e+00 : f32
    %broadcast_in_dim3A_364 = vector.broadcast %jit3A_363 : f32 to vector<1x64xf32>
    %select_n3A_365 = arith.select %eq3A_361, %slice3A_362, %broadcast_in_dim3A_364 : vector<1x64xf32>
    %add3A_366 = arith.addf %add3A_359, %select_n3A_365 : vector<1x64xf32>
    %eq3A_367 = arith.constant 5 : i32
    %eq3A_368 = arith.cmpi eq, %select_n3A_329, %eq3A_367 : i32
    %slice3A_369 = vector.extract_strided_slice %get3A_332 {offsets = [5, 0], sizes = [1, 64], strides = [1, 1]} : vector<8x64xf32> to vector<1x64xf32>
    %jit3A_370 = arith.constant 0.000000e+00 : f32
    %broadcast_in_dim3A_371 = vector.broadcast %jit3A_370 : f32 to vector<1x64xf32>
    %select_n3A_372 = arith.select %eq3A_368, %slice3A_369, %broadcast_in_dim3A_371 : vector<1x64xf32>
    %add3A_373 = arith.addf %add3A_366, %select_n3A_372 : vector<1x64xf32>
    %eq3A_374 = arith.constant 6 : i32
    %eq3A_375 = arith.cmpi eq, %select_n3A_329, %eq3A_374 : i32
    %slice3A_376 = vector.extract_strided_slice %get3A_332 {offsets = [6, 0], sizes = [1, 64], strides = [1, 1]} : vector<8x64xf32> to vector<1x64xf32>
    %jit3A_377 = arith.constant 0.000000e+00 : f32
    %broadcast_in_dim3A_378 = vector.broadcast %jit3A_377 : f32 to vector<1x64xf32>
    %select_n3A_379 = arith.select %eq3A_375, %slice3A_376, %broadcast_in_dim3A_378 : vector<1x64xf32>
    %add3A_380 = arith.addf %add3A_373, %select_n3A_379 : vector<1x64xf32>
    %eq3A_381 = arith.constant 7 : i32
    %eq3A_382 = arith.cmpi eq, %select_n3A_329, %eq3A_381 : i32
    %slice3A_383 = vector.extract_strided_slice %get3A_332 {offsets = [7, 0], sizes = [1, 64], strides = [1, 1]} : vector<8x64xf32> to vector<1x64xf32>
    %jit3A_384 = arith.constant 0.000000e+00 : f32
    %broadcast_in_dim3A_385 = vector.broadcast %jit3A_384 : f32 to vector<1x64xf32>
    %select_n3A_386 = arith.select %eq3A_382, %slice3A_383, %broadcast_in_dim3A_385 : vector<1x64xf32>
    %add3A_387 = arith.addf %add3A_380, %select_n3A_386 : vector<1x64xf32>
    %mul3A_388 = arith.constant 16 : i32
    %mul3A_389 = arith.muli %arg0, %mul3A_388 : i32
    %add3A_390 = arith.constant 5 : i32
    %add3A_391 = arith.addi %mul3A_389, %add3A_390 : i32
    %get3A_392 = arith.index_cast %add3A_391 : i32 to index
    %get3A_393 = memref.load %arg1[%get3A_392] : memref<128xi32, #tpu.memory_space<smem>>
    %jit3A_394 = arith.constant 8 : i32
    %eq3A_395 = arith.constant 0 : i32
    %eq3A_396 = arith.cmpi eq, %jit3A_394, %eq3A_395 : i32
    %jit3A_397 = arith.constant 1 : i32
    %select_n3A_398 = arith.select %eq3A_396, %jit3A_397, %jit3A_394 : i32
    %rem3A_399 = arith.remsi %get3A_393, %select_n3A_398 : i32
    %ne3A_400 = arith.constant 0 : i32
    %ne3A_401 = arith.cmpi ne, %rem3A_399, %ne3A_400 : i32
    %lt3A_402 = arith.constant 0 : i32
    %lt3A_403 = arith.cmpi slt, %rem3A_399, %lt3A_402 : i32
    %lt3A_404 = arith.constant 0 : i32
    %lt3A_405 = arith.cmpi slt, %select_n3A_398, %lt3A_404 : i32
    %ne3A_406 = arith.xori %lt3A_403, %lt3A_405 : i1
    %and3A_407 = arith.andi %ne3A_406, %ne3A_401 : i1
    %add3A_408 = arith.addi %rem3A_399, %select_n3A_398 : i32
    %select_n3A_409 = arith.select %and3A_407, %add3A_408, %rem3A_399 : i32
    %get3A_410 = arith.constant 0 : index
    %get3A_411 = arith.constant 0 : index
    %get3A_412 = vector.load %arg7[%get3A_410, %get3A_411] : memref<8x64xf32, #tpu.memory_space<vmem>>, vector<8x64xf32>
    %eq3A_413 = arith.constant 0 : i32
    %eq3A_414 = arith.cmpi eq, %select_n3A_409, %eq3A_413 : i32
    %slice3A_415 = vector.extract_strided_slice %get3A_412 {offsets = [0, 0], sizes = [1, 64], strides = [1, 1]} : vector<8x64xf32> to vector<1x64xf32>
    %jit3A_416 = arith.constant 0.000000e+00 : f32
    %broadcast_in_dim3A_417 = vector.broadcast %jit3A_416 : f32 to vector<1x64xf32>
    %select_n3A_418 = arith.select %eq3A_414, %slice3A_415, %broadcast_in_dim3A_417 : vector<1x64xf32>
    %eq3A_419 = arith.constant 1 : i32
    %eq3A_420 = arith.cmpi eq, %select_n3A_409, %eq3A_419 : i32
    %slice3A_421 = vector.extract_strided_slice %get3A_412 {offsets = [1, 0], sizes = [1, 64], strides = [1, 1]} : vector<8x64xf32> to vector<1x64xf32>
    %jit3A_422 = arith.constant 0.000000e+00 : f32
    %broadcast_in_dim3A_423 = vector.broadcast %jit3A_422 : f32 to vector<1x64xf32>
    %select_n3A_424 = arith.select %eq3A_420, %slice3A_421, %broadcast_in_dim3A_423 : vector<1x64xf32>
    %add3A_425 = arith.addf %select_n3A_418, %select_n3A_424 : vector<1x64xf32>
    %eq3A_426 = arith.constant 2 : i32
    %eq3A_427 = arith.cmpi eq, %select_n3A_409, %eq3A_426 : i32
    %slice3A_428 = vector.extract_strided_slice %get3A_412 {offsets = [2, 0], sizes = [1, 64], strides = [1, 1]} : vector<8x64xf32> to vector<1x64xf32>
    %jit3A_429 = arith.constant 0.000000e+00 : f32
    %broadcast_in_dim3A_430 = vector.broadcast %jit3A_429 : f32 to vector<1x64xf32>
    %select_n3A_431 = arith.select %eq3A_427, %slice3A_428, %broadcast_in_dim3A_430 : vector<1x64xf32>
    %add3A_432 = arith.addf %add3A_425, %select_n3A_431 : vector<1x64xf32>
    %eq3A_433 = arith.constant 3 : i32
    %eq3A_434 = arith.cmpi eq, %select_n3A_409, %eq3A_433 : i32
    %slice3A_435 = vector.extract_strided_slice %get3A_412 {offsets = [3, 0], sizes = [1, 64], strides = [1, 1]} : vector<8x64xf32> to vector<1x64xf32>
    %jit3A_436 = arith.constant 0.000000e+00 : f32
    %broadcast_in_dim3A_437 = vector.broadcast %jit3A_436 : f32 to vector<1x64xf32>
    %select_n3A_438 = arith.select %eq3A_434, %slice3A_435, %broadcast_in_dim3A_437 : vector<1x64xf32>
    %add3A_439 = arith.addf %add3A_432, %select_n3A_438 : vector<1x64xf32>
    %eq3A_440 = arith.constant 4 : i32
    %eq3A_441 = arith.cmpi eq, %select_n3A_409, %eq3A_440 : i32
    %slice3A_442 = vector.extract_strided_slice %get3A_412 {offsets = [4, 0], sizes = [1, 64], strides = [1, 1]} : vector<8x64xf32> to vector<1x64xf32>
    %jit3A_443 = arith.constant 0.000000e+00 : f32
    %broadcast_in_dim3A_444 = vector.broadcast %jit3A_443 : f32 to vector<1x64xf32>
    %select_n3A_445 = arith.select %eq3A_441, %slice3A_442, %broadcast_in_dim3A_444 : vector<1x64xf32>
    %add3A_446 = arith.addf %add3A_439, %select_n3A_445 : vector<1x64xf32>
    %eq3A_447 = arith.constant 5 : i32
    %eq3A_448 = arith.cmpi eq, %select_n3A_409, %eq3A_447 : i32
    %slice3A_449 = vector.extract_strided_slice %get3A_412 {offsets = [5, 0], sizes = [1, 64], strides = [1, 1]} : vector<8x64xf32> to vector<1x64xf32>
    %jit3A_450 = arith.constant 0.000000e+00 : f32
    %broadcast_in_dim3A_451 = vector.broadcast %jit3A_450 : f32 to vector<1x64xf32>
    %select_n3A_452 = arith.select %eq3A_448, %slice3A_449, %broadcast_in_dim3A_451 : vector<1x64xf32>
    %add3A_453 = arith.addf %add3A_446, %select_n3A_452 : vector<1x64xf32>
    %eq3A_454 = arith.constant 6 : i32
    %eq3A_455 = arith.cmpi eq, %select_n3A_409, %eq3A_454 : i32
    %slice3A_456 = vector.extract_strided_slice %get3A_412 {offsets = [6, 0], sizes = [1, 64], strides = [1, 1]} : vector<8x64xf32> to vector<1x64xf32>
    %jit3A_457 = arith.constant 0.000000e+00 : f32
    %broadcast_in_dim3A_458 = vector.broadcast %jit3A_457 : f32 to vector<1x64xf32>
    %select_n3A_459 = arith.select %eq3A_455, %slice3A_456, %broadcast_in_dim3A_458 : vector<1x64xf32>
    %add3A_460 = arith.addf %add3A_453, %select_n3A_459 : vector<1x64xf32>
    %eq3A_461 = arith.constant 7 : i32
    %eq3A_462 = arith.cmpi eq, %select_n3A_409, %eq3A_461 : i32
    %slice3A_463 = vector.extract_strided_slice %get3A_412 {offsets = [7, 0], sizes = [1, 64], strides = [1, 1]} : vector<8x64xf32> to vector<1x64xf32>
    %jit3A_464 = arith.constant 0.000000e+00 : f32
    %broadcast_in_dim3A_465 = vector.broadcast %jit3A_464 : f32 to vector<1x64xf32>
    %select_n3A_466 = arith.select %eq3A_462, %slice3A_463, %broadcast_in_dim3A_465 : vector<1x64xf32>
    %add3A_467 = arith.addf %add3A_460, %select_n3A_466 : vector<1x64xf32>
    %mul3A_468 = arith.constant 16 : i32
    %mul3A_469 = arith.muli %arg0, %mul3A_468 : i32
    %add3A_470 = arith.constant 6 : i32
    %add3A_471 = arith.addi %mul3A_469, %add3A_470 : i32
    %get3A_472 = arith.index_cast %add3A_471 : i32 to index
    %get3A_473 = memref.load %arg1[%get3A_472] : memref<128xi32, #tpu.memory_space<smem>>
    %jit3A_474 = arith.constant 8 : i32
    %eq3A_475 = arith.constant 0 : i32
    %eq3A_476 = arith.cmpi eq, %jit3A_474, %eq3A_475 : i32
    %jit3A_477 = arith.constant 1 : i32
    %select_n3A_478 = arith.select %eq3A_476, %jit3A_477, %jit3A_474 : i32
    %rem3A_479 = arith.remsi %get3A_473, %select_n3A_478 : i32
    %ne3A_480 = arith.constant 0 : i32
    %ne3A_481 = arith.cmpi ne, %rem3A_479, %ne3A_480 : i32
    %lt3A_482 = arith.constant 0 : i32
    %lt3A_483 = arith.cmpi slt, %rem3A_479, %lt3A_482 : i32
    %lt3A_484 = arith.constant 0 : i32
    %lt3A_485 = arith.cmpi slt, %select_n3A_478, %lt3A_484 : i32
    %ne3A_486 = arith.xori %lt3A_483, %lt3A_485 : i1
    %and3A_487 = arith.andi %ne3A_486, %ne3A_481 : i1
    %add3A_488 = arith.addi %rem3A_479, %select_n3A_478 : i32
    %select_n3A_489 = arith.select %and3A_487, %add3A_488, %rem3A_479 : i32
    %get3A_490 = arith.constant 0 : index
    %get3A_491 = arith.constant 0 : index
    %get3A_492 = vector.load %arg8[%get3A_490, %get3A_491] : memref<8x64xf32, #tpu.memory_space<vmem>>, vector<8x64xf32>
    %eq3A_493 = arith.constant 0 : i32
    %eq3A_494 = arith.cmpi eq, %select_n3A_489, %eq3A_493 : i32
    %slice3A_495 = vector.extract_strided_slice %get3A_492 {offsets = [0, 0], sizes = [1, 64], strides = [1, 1]} : vector<8x64xf32> to vector<1x64xf32>
    %jit3A_496 = arith.constant 0.000000e+00 : f32
    %broadcast_in_dim3A_497 = vector.broadcast %jit3A_496 : f32 to vector<1x64xf32>
    %select_n3A_498 = arith.select %eq3A_494, %slice3A_495, %broadcast_in_dim3A_497 : vector<1x64xf32>
    %eq3A_499 = arith.constant 1 : i32
    %eq3A_500 = arith.cmpi eq, %select_n3A_489, %eq3A_499 : i32
    %slice3A_501 = vector.extract_strided_slice %get3A_492 {offsets = [1, 0], sizes = [1, 64], strides = [1, 1]} : vector<8x64xf32> to vector<1x64xf32>
    %jit3A_502 = arith.constant 0.000000e+00 : f32
    %broadcast_in_dim3A_503 = vector.broadcast %jit3A_502 : f32 to vector<1x64xf32>
    %select_n3A_504 = arith.select %eq3A_500, %slice3A_501, %broadcast_in_dim3A_503 : vector<1x64xf32>
    %add3A_505 = arith.addf %select_n3A_498, %select_n3A_504 : vector<1x64xf32>
    %eq3A_506 = arith.constant 2 : i32
    %eq3A_507 = arith.cmpi eq, %select_n3A_489, %eq3A_506 : i32
    %slice3A_508 = vector.extract_strided_slice %get3A_492 {offsets = [2, 0], sizes = [1, 64], strides = [1, 1]} : vector<8x64xf32> to vector<1x64xf32>
    %jit3A_509 = arith.constant 0.000000e+00 : f32
    %broadcast_in_dim3A_510 = vector.broadcast %jit3A_509 : f32 to vector<1x64xf32>
    %select_n3A_511 = arith.select %eq3A_507, %slice3A_508, %broadcast_in_dim3A_510 : vector<1x64xf32>
    %add3A_512 = arith.addf %add3A_505, %select_n3A_511 : vector<1x64xf32>
    %eq3A_513 = arith.constant 3 : i32
    %eq3A_514 = arith.cmpi eq, %select_n3A_489, %eq3A_513 : i32
    %slice3A_515 = vector.extract_strided_slice %get3A_492 {offsets = [3, 0], sizes = [1, 64], strides = [1, 1]} : vector<8x64xf32> to vector<1x64xf32>
    %jit3A_516 = arith.constant 0.000000e+00 : f32
    %broadcast_in_dim3A_517 = vector.broadcast %jit3A_516 : f32 to vector<1x64xf32>
    %select_n3A_518 = arith.select %eq3A_514, %slice3A_515, %broadcast_in_dim3A_517 : vector<1x64xf32>
    %add3A_519 = arith.addf %add3A_512, %select_n3A_518 : vector<1x64xf32>
    %eq3A_520 = arith.constant 4 : i32
    %eq3A_521 = arith.cmpi eq, %select_n3A_489, %eq3A_520 : i32
    %slice3A_522 = vector.extract_strided_slice %get3A_492 {offsets = [4, 0], sizes = [1, 64], strides = [1, 1]} : vector<8x64xf32> to vector<1x64xf32>
    %jit3A_523 = arith.constant 0.000000e+00 : f32
    %broadcast_in_dim3A_524 = vector.broadcast %jit3A_523 : f32 to vector<1x64xf32>
    %select_n3A_525 = arith.select %eq3A_521, %slice3A_522, %broadcast_in_dim3A_524 : vector<1x64xf32>
    %add3A_526 = arith.addf %add3A_519, %select_n3A_525 : vector<1x64xf32>
    %eq3A_527 = arith.constant 5 : i32
    %eq3A_528 = arith.cmpi eq, %select_n3A_489, %eq3A_527 : i32
    %slice3A_529 = vector.extract_strided_slice %get3A_492 {offsets = [5, 0], sizes = [1, 64], strides = [1, 1]} : vector<8x64xf32> to vector<1x64xf32>
    %jit3A_530 = arith.constant 0.000000e+00 : f32
    %broadcast_in_dim3A_531 = vector.broadcast %jit3A_530 : f32 to vector<1x64xf32>
    %select_n3A_532 = arith.select %eq3A_528, %slice3A_529, %broadcast_in_dim3A_531 : vector<1x64xf32>
    %add3A_533 = arith.addf %add3A_526, %select_n3A_532 : vector<1x64xf32>
    %eq3A_534 = arith.constant 6 : i32
    %eq3A_535 = arith.cmpi eq, %select_n3A_489, %eq3A_534 : i32
    %slice3A_536 = vector.extract_strided_slice %get3A_492 {offsets = [6, 0], sizes = [1, 64], strides = [1, 1]} : vector<8x64xf32> to vector<1x64xf32>
    %jit3A_537 = arith.constant 0.000000e+00 : f32
    %broadcast_in_dim3A_538 = vector.broadcast %jit3A_537 : f32 to vector<1x64xf32>
    %select_n3A_539 = arith.select %eq3A_535, %slice3A_536, %broadcast_in_dim3A_538 : vector<1x64xf32>
    %add3A_540 = arith.addf %add3A_533, %select_n3A_539 : vector<1x64xf32>
    %eq3A_541 = arith.constant 7 : i32
    %eq3A_542 = arith.cmpi eq, %select_n3A_489, %eq3A_541 : i32
    %slice3A_543 = vector.extract_strided_slice %get3A_492 {offsets = [7, 0], sizes = [1, 64], strides = [1, 1]} : vector<8x64xf32> to vector<1x64xf32>
    %jit3A_544 = arith.constant 0.000000e+00 : f32
    %broadcast_in_dim3A_545 = vector.broadcast %jit3A_544 : f32 to vector<1x64xf32>
    %select_n3A_546 = arith.select %eq3A_542, %slice3A_543, %broadcast_in_dim3A_545 : vector<1x64xf32>
    %add3A_547 = arith.addf %add3A_540, %select_n3A_546 : vector<1x64xf32>
    %mul3A_548 = arith.constant 16 : i32
    %mul3A_549 = arith.muli %arg0, %mul3A_548 : i32
    %add3A_550 = arith.constant 7 : i32
    %add3A_551 = arith.addi %mul3A_549, %add3A_550 : i32
    %get3A_552 = arith.index_cast %add3A_551 : i32 to index
    %get3A_553 = memref.load %arg1[%get3A_552] : memref<128xi32, #tpu.memory_space<smem>>
    %jit3A_554 = arith.constant 8 : i32
    %eq3A_555 = arith.constant 0 : i32
    %eq3A_556 = arith.cmpi eq, %jit3A_554, %eq3A_555 : i32
    %jit3A_557 = arith.constant 1 : i32
    %select_n3A_558 = arith.select %eq3A_556, %jit3A_557, %jit3A_554 : i32
    %rem3A_559 = arith.remsi %get3A_553, %select_n3A_558 : i32
    %ne3A_560 = arith.constant 0 : i32
    %ne3A_561 = arith.cmpi ne, %rem3A_559, %ne3A_560 : i32
    %lt3A_562 = arith.constant 0 : i32
    %lt3A_563 = arith.cmpi slt, %rem3A_559, %lt3A_562 : i32
    %lt3A_564 = arith.constant 0 : i32
    %lt3A_565 = arith.cmpi slt, %select_n3A_558, %lt3A_564 : i32
    %ne3A_566 = arith.xori %lt3A_563, %lt3A_565 : i1
    %and3A_567 = arith.andi %ne3A_566, %ne3A_561 : i1
    %add3A_568 = arith.addi %rem3A_559, %select_n3A_558 : i32
    %select_n3A_569 = arith.select %and3A_567, %add3A_568, %rem3A_559 : i32
    %get3A_570 = arith.constant 0 : index
    %get3A_571 = arith.constant 0 : index
    %get3A_572 = vector.load %arg9[%get3A_570, %get3A_571] : memref<8x64xf32, #tpu.memory_space<vmem>>, vector<8x64xf32>
    %eq3A_573 = arith.constant 0 : i32
    %eq3A_574 = arith.cmpi eq, %select_n3A_569, %eq3A_573 : i32
    %slice3A_575 = vector.extract_strided_slice %get3A_572 {offsets = [0, 0], sizes = [1, 64], strides = [1, 1]} : vector<8x64xf32> to vector<1x64xf32>
    %jit3A_576 = arith.constant 0.000000e+00 : f32
    %broadcast_in_dim3A_577 = vector.broadcast %jit3A_576 : f32 to vector<1x64xf32>
    %select_n3A_578 = arith.select %eq3A_574, %slice3A_575, %broadcast_in_dim3A_577 : vector<1x64xf32>
    %eq3A_579 = arith.constant 1 : i32
    %eq3A_580 = arith.cmpi eq, %select_n3A_569, %eq3A_579 : i32
    %slice3A_581 = vector.extract_strided_slice %get3A_572 {offsets = [1, 0], sizes = [1, 64], strides = [1, 1]} : vector<8x64xf32> to vector<1x64xf32>
    %jit3A_582 = arith.constant 0.000000e+00 : f32
    %broadcast_in_dim3A_583 = vector.broadcast %jit3A_582 : f32 to vector<1x64xf32>
    %select_n3A_584 = arith.select %eq3A_580, %slice3A_581, %broadcast_in_dim3A_583 : vector<1x64xf32>
    %add3A_585 = arith.addf %select_n3A_578, %select_n3A_584 : vector<1x64xf32>
    %eq3A_586 = arith.constant 2 : i32
    %eq3A_587 = arith.cmpi eq, %select_n3A_569, %eq3A_586 : i32
    %slice3A_588 = vector.extract_strided_slice %get3A_572 {offsets = [2, 0], sizes = [1, 64], strides = [1, 1]} : vector<8x64xf32> to vector<1x64xf32>
    %jit3A_589 = arith.constant 0.000000e+00 : f32
    %broadcast_in_dim3A_590 = vector.broadcast %jit3A_589 : f32 to vector<1x64xf32>
    %select_n3A_591 = arith.select %eq3A_587, %slice3A_588, %broadcast_in_dim3A_590 : vector<1x64xf32>
    %add3A_592 = arith.addf %add3A_585, %select_n3A_591 : vector<1x64xf32>
    %eq3A_593 = arith.constant 3 : i32
    %eq3A_594 = arith.cmpi eq, %select_n3A_569, %eq3A_593 : i32
    %slice3A_595 = vector.extract_strided_slice %get3A_572 {offsets = [3, 0], sizes = [1, 64], strides = [1, 1]} : vector<8x64xf32> to vector<1x64xf32>
    %jit3A_596 = arith.constant 0.000000e+00 : f32
    %broadcast_in_dim3A_597 = vector.broadcast %jit3A_596 : f32 to vector<1x64xf32>
    %select_n3A_598 = arith.select %eq3A_594, %slice3A_595, %broadcast_in_dim3A_597 : vector<1x64xf32>
    %add3A_599 = arith.addf %add3A_592, %select_n3A_598 : vector<1x64xf32>
    %eq3A_600 = arith.constant 4 : i32
    %eq3A_601 = arith.cmpi eq, %select_n3A_569, %eq3A_600 : i32
    %slice3A_602 = vector.extract_strided_slice %get3A_572 {offsets = [4, 0], sizes = [1, 64], strides = [1, 1]} : vector<8x64xf32> to vector<1x64xf32>
    %jit3A_603 = arith.constant 0.000000e+00 : f32
    %broadcast_in_dim3A_604 = vector.broadcast %jit3A_603 : f32 to vector<1x64xf32>
    %select_n3A_605 = arith.select %eq3A_601, %slice3A_602, %broadcast_in_dim3A_604 : vector<1x64xf32>
    %add3A_606 = arith.addf %add3A_599, %select_n3A_605 : vector<1x64xf32>
    %eq3A_607 = arith.constant 5 : i32
    %eq3A_608 = arith.cmpi eq, %select_n3A_569, %eq3A_607 : i32
    %slice3A_609 = vector.extract_strided_slice %get3A_572 {offsets = [5, 0], sizes = [1, 64], strides = [1, 1]} : vector<8x64xf32> to vector<1x64xf32>
    %jit3A_610 = arith.constant 0.000000e+00 : f32
    %broadcast_in_dim3A_611 = vector.broadcast %jit3A_610 : f32 to vector<1x64xf32>
    %select_n3A_612 = arith.select %eq3A_608, %slice3A_609, %broadcast_in_dim3A_611 : vector<1x64xf32>
    %add3A_613 = arith.addf %add3A_606, %select_n3A_612 : vector<1x64xf32>
    %eq3A_614 = arith.constant 6 : i32
    %eq3A_615 = arith.cmpi eq, %select_n3A_569, %eq3A_614 : i32
    %slice3A_616 = vector.extract_strided_slice %get3A_572 {offsets = [6, 0], sizes = [1, 64], strides = [1, 1]} : vector<8x64xf32> to vector<1x64xf32>
    %jit3A_617 = arith.constant 0.000000e+00 : f32
    %broadcast_in_dim3A_618 = vector.broadcast %jit3A_617 : f32 to vector<1x64xf32>
    %select_n3A_619 = arith.select %eq3A_615, %slice3A_616, %broadcast_in_dim3A_618 : vector<1x64xf32>
    %add3A_620 = arith.addf %add3A_613, %select_n3A_619 : vector<1x64xf32>
    %eq3A_621 = arith.constant 7 : i32
    %eq3A_622 = arith.cmpi eq, %select_n3A_569, %eq3A_621 : i32
    %slice3A_623 = vector.extract_strided_slice %get3A_572 {offsets = [7, 0], sizes = [1, 64], strides = [1, 1]} : vector<8x64xf32> to vector<1x64xf32>
    %jit3A_624 = arith.constant 0.000000e+00 : f32
    %broadcast_in_dim3A_625 = vector.broadcast %jit3A_624 : f32 to vector<1x64xf32>
    %select_n3A_626 = arith.select %eq3A_622, %slice3A_623, %broadcast_in_dim3A_625 : vector<1x64xf32>
    %add3A_627 = arith.addf %add3A_620, %select_n3A_626 : vector<1x64xf32>
    %mul3A_628 = arith.constant 16 : i32
    %mul3A_629 = arith.muli %arg0, %mul3A_628 : i32
    %add3A_630 = arith.constant 8 : i32
    %add3A_631 = arith.addi %mul3A_629, %add3A_630 : i32
    %get3A_632 = arith.index_cast %add3A_631 : i32 to index
    %get3A_633 = memref.load %arg1[%get3A_632] : memref<128xi32, #tpu.memory_space<smem>>
    %jit3A_634 = arith.constant 8 : i32
    %eq3A_635 = arith.constant 0 : i32
    %eq3A_636 = arith.cmpi eq, %jit3A_634, %eq3A_635 : i32
    %jit3A_637 = arith.constant 1 : i32
    %select_n3A_638 = arith.select %eq3A_636, %jit3A_637, %jit3A_634 : i32
    %rem3A_639 = arith.remsi %get3A_633, %select_n3A_638 : i32
    %ne3A_640 = arith.constant 0 : i32
    %ne3A_641 = arith.cmpi ne, %rem3A_639, %ne3A_640 : i32
    %lt3A_642 = arith.constant 0 : i32
    %lt3A_643 = arith.cmpi slt, %rem3A_639, %lt3A_642 : i32
    %lt3A_644 = arith.constant 0 : i32
    %lt3A_645 = arith.cmpi slt, %select_n3A_638, %lt3A_644 : i32
    %ne3A_646 = arith.xori %lt3A_643, %lt3A_645 : i1
    %and3A_647 = arith.andi %ne3A_646, %ne3A_641 : i1
    %add3A_648 = arith.addi %rem3A_639, %select_n3A_638 : i32
    %select_n3A_649 = arith.select %and3A_647, %add3A_648, %rem3A_639 : i32
    %get3A_650 = arith.constant 0 : index
    %get3A_651 = arith.constant 0 : index
    %get3A_652 = vector.load %arg10[%get3A_650, %get3A_651] : memref<8x64xf32, #tpu.memory_space<vmem>>, vector<8x64xf32>
    %eq3A_653 = arith.constant 0 : i32
    %eq3A_654 = arith.cmpi eq, %select_n3A_649, %eq3A_653 : i32
    %slice3A_655 = vector.extract_strided_slice %get3A_652 {offsets = [0, 0], sizes = [1, 64], strides = [1, 1]} : vector<8x64xf32> to vector<1x64xf32>
    %jit3A_656 = arith.constant 0.000000e+00 : f32
    %broadcast_in_dim3A_657 = vector.broadcast %jit3A_656 : f32 to vector<1x64xf32>
    %select_n3A_658 = arith.select %eq3A_654, %slice3A_655, %broadcast_in_dim3A_657 : vector<1x64xf32>
    %eq3A_659 = arith.constant 1 : i32
    %eq3A_660 = arith.cmpi eq, %select_n3A_649, %eq3A_659 : i32
    %slice3A_661 = vector.extract_strided_slice %get3A_652 {offsets = [1, 0], sizes = [1, 64], strides = [1, 1]} : vector<8x64xf32> to vector<1x64xf32>
    %jit3A_662 = arith.constant 0.000000e+00 : f32
    %broadcast_in_dim3A_663 = vector.broadcast %jit3A_662 : f32 to vector<1x64xf32>
    %select_n3A_664 = arith.select %eq3A_660, %slice3A_661, %broadcast_in_dim3A_663 : vector<1x64xf32>
    %add3A_665 = arith.addf %select_n3A_658, %select_n3A_664 : vector<1x64xf32>
    %eq3A_666 = arith.constant 2 : i32
    %eq3A_667 = arith.cmpi eq, %select_n3A_649, %eq3A_666 : i32
    %slice3A_668 = vector.extract_strided_slice %get3A_652 {offsets = [2, 0], sizes = [1, 64], strides = [1, 1]} : vector<8x64xf32> to vector<1x64xf32>
    %jit3A_669 = arith.constant 0.000000e+00 : f32
    %broadcast_in_dim3A_670 = vector.broadcast %jit3A_669 : f32 to vector<1x64xf32>
    %select_n3A_671 = arith.select %eq3A_667, %slice3A_668, %broadcast_in_dim3A_670 : vector<1x64xf32>
    %add3A_672 = arith.addf %add3A_665, %select_n3A_671 : vector<1x64xf32>
    %eq3A_673 = arith.constant 3 : i32
    %eq3A_674 = arith.cmpi eq, %select_n3A_649, %eq3A_673 : i32
    %slice3A_675 = vector.extract_strided_slice %get3A_652 {offsets = [3, 0], sizes = [1, 64], strides = [1, 1]} : vector<8x64xf32> to vector<1x64xf32>
    %jit3A_676 = arith.constant 0.000000e+00 : f32
    %broadcast_in_dim3A_677 = vector.broadcast %jit3A_676 : f32 to vector<1x64xf32>
    %select_n3A_678 = arith.select %eq3A_674, %slice3A_675, %broadcast_in_dim3A_677 : vector<1x64xf32>
    %add3A_679 = arith.addf %add3A_672, %select_n3A_678 : vector<1x64xf32>
    %eq3A_680 = arith.constant 4 : i32
    %eq3A_681 = arith.cmpi eq, %select_n3A_649, %eq3A_680 : i32
    %slice3A_682 = vector.extract_strided_slice %get3A_652 {offsets = [4, 0], sizes = [1, 64], strides = [1, 1]} : vector<8x64xf32> to vector<1x64xf32>
    %jit3A_683 = arith.constant 0.000000e+00 : f32
    %broadcast_in_dim3A_684 = vector.broadcast %jit3A_683 : f32 to vector<1x64xf32>
    %select_n3A_685 = arith.select %eq3A_681, %slice3A_682, %broadcast_in_dim3A_684 : vector<1x64xf32>
    %add3A_686 = arith.addf %add3A_679, %select_n3A_685 : vector<1x64xf32>
    %eq3A_687 = arith.constant 5 : i32
    %eq3A_688 = arith.cmpi eq, %select_n3A_649, %eq3A_687 : i32
    %slice3A_689 = vector.extract_strided_slice %get3A_652 {offsets = [5, 0], sizes = [1, 64], strides = [1, 1]} : vector<8x64xf32> to vector<1x64xf32>
    %jit3A_690 = arith.constant 0.000000e+00 : f32
    %broadcast_in_dim3A_691 = vector.broadcast %jit3A_690 : f32 to vector<1x64xf32>
    %select_n3A_692 = arith.select %eq3A_688, %slice3A_689, %broadcast_in_dim3A_691 : vector<1x64xf32>
    %add3A_693 = arith.addf %add3A_686, %select_n3A_692 : vector<1x64xf32>
    %eq3A_694 = arith.constant 6 : i32
    %eq3A_695 = arith.cmpi eq, %select_n3A_649, %eq3A_694 : i32
    %slice3A_696 = vector.extract_strided_slice %get3A_652 {offsets = [6, 0], sizes = [1, 64], strides = [1, 1]} : vector<8x64xf32> to vector<1x64xf32>
    %jit3A_697 = arith.constant 0.000000e+00 : f32
    %broadcast_in_dim3A_698 = vector.broadcast %jit3A_697 : f32 to vector<1x64xf32>
    %select_n3A_699 = arith.select %eq3A_695, %slice3A_696, %broadcast_in_dim3A_698 : vector<1x64xf32>
    %add3A_700 = arith.addf %add3A_693, %select_n3A_699 : vector<1x64xf32>
    %eq3A_701 = arith.constant 7 : i32
    %eq3A_702 = arith.cmpi eq, %select_n3A_649, %eq3A_701 : i32
    %slice3A_703 = vector.extract_strided_slice %get3A_652 {offsets = [7, 0], sizes = [1, 64], strides = [1, 1]} : vector<8x64xf32> to vector<1x64xf32>
    %jit3A_704 = arith.constant 0.000000e+00 : f32
    %broadcast_in_dim3A_705 = vector.broadcast %jit3A_704 : f32 to vector<1x64xf32>
    %select_n3A_706 = arith.select %eq3A_702, %slice3A_703, %broadcast_in_dim3A_705 : vector<1x64xf32>
    %add3A_707 = arith.addf %add3A_700, %select_n3A_706 : vector<1x64xf32>
    %mul3A_708 = arith.constant 16 : i32
    %mul3A_709 = arith.muli %arg0, %mul3A_708 : i32
    %add3A_710 = arith.constant 9 : i32
    %add3A_711 = arith.addi %mul3A_709, %add3A_710 : i32
    %get3A_712 = arith.index_cast %add3A_711 : i32 to index
    %get3A_713 = memref.load %arg1[%get3A_712] : memref<128xi32, #tpu.memory_space<smem>>
    %jit3A_714 = arith.constant 8 : i32
    %eq3A_715 = arith.constant 0 : i32
    %eq3A_716 = arith.cmpi eq, %jit3A_714, %eq3A_715 : i32
    %jit3A_717 = arith.constant 1 : i32
    %select_n3A_718 = arith.select %eq3A_716, %jit3A_717, %jit3A_714 : i32
    %rem3A_719 = arith.remsi %get3A_713, %select_n3A_718 : i32
    %ne3A_720 = arith.constant 0 : i32
    %ne3A_721 = arith.cmpi ne, %rem3A_719, %ne3A_720 : i32
    %lt3A_722 = arith.constant 0 : i32
    %lt3A_723 = arith.cmpi slt, %rem3A_719, %lt3A_722 : i32
    %lt3A_724 = arith.constant 0 : i32
    %lt3A_725 = arith.cmpi slt, %select_n3A_718, %lt3A_724 : i32
    %ne3A_726 = arith.xori %lt3A_723, %lt3A_725 : i1
    %and3A_727 = arith.andi %ne3A_726, %ne3A_721 : i1
    %add3A_728 = arith.addi %rem3A_719, %select_n3A_718 : i32
    %select_n3A_729 = arith.select %and3A_727, %add3A_728, %rem3A_719 : i32
    %get3A_730 = arith.constant 0 : index
    %get3A_731 = arith.constant 0 : index
    %get3A_732 = vector.load %arg11[%get3A_730, %get3A_731] : memref<8x64xf32, #tpu.memory_space<vmem>>, vector<8x64xf32>
    %eq3A_733 = arith.constant 0 : i32
    %eq3A_734 = arith.cmpi eq, %select_n3A_729, %eq3A_733 : i32
    %slice3A_735 = vector.extract_strided_slice %get3A_732 {offsets = [0, 0], sizes = [1, 64], strides = [1, 1]} : vector<8x64xf32> to vector<1x64xf32>
    %jit3A_736 = arith.constant 0.000000e+00 : f32
    %broadcast_in_dim3A_737 = vector.broadcast %jit3A_736 : f32 to vector<1x64xf32>
    %select_n3A_738 = arith.select %eq3A_734, %slice3A_735, %broadcast_in_dim3A_737 : vector<1x64xf32>
    %eq3A_739 = arith.constant 1 : i32
    %eq3A_740 = arith.cmpi eq, %select_n3A_729, %eq3A_739 : i32
    %slice3A_741 = vector.extract_strided_slice %get3A_732 {offsets = [1, 0], sizes = [1, 64], strides = [1, 1]} : vector<8x64xf32> to vector<1x64xf32>
    %jit3A_742 = arith.constant 0.000000e+00 : f32
    %broadcast_in_dim3A_743 = vector.broadcast %jit3A_742 : f32 to vector<1x64xf32>
    %select_n3A_744 = arith.select %eq3A_740, %slice3A_741, %broadcast_in_dim3A_743 : vector<1x64xf32>
    %add3A_745 = arith.addf %select_n3A_738, %select_n3A_744 : vector<1x64xf32>
    %eq3A_746 = arith.constant 2 : i32
    %eq3A_747 = arith.cmpi eq, %select_n3A_729, %eq3A_746 : i32
    %slice3A_748 = vector.extract_strided_slice %get3A_732 {offsets = [2, 0], sizes = [1, 64], strides = [1, 1]} : vector<8x64xf32> to vector<1x64xf32>
    %jit3A_749 = arith.constant 0.000000e+00 : f32
    %broadcast_in_dim3A_750 = vector.broadcast %jit3A_749 : f32 to vector<1x64xf32>
    %select_n3A_751 = arith.select %eq3A_747, %slice3A_748, %broadcast_in_dim3A_750 : vector<1x64xf32>
    %add3A_752 = arith.addf %add3A_745, %select_n3A_751 : vector<1x64xf32>
    %eq3A_753 = arith.constant 3 : i32
    %eq3A_754 = arith.cmpi eq, %select_n3A_729, %eq3A_753 : i32
    %slice3A_755 = vector.extract_strided_slice %get3A_732 {offsets = [3, 0], sizes = [1, 64], strides = [1, 1]} : vector<8x64xf32> to vector<1x64xf32>
    %jit3A_756 = arith.constant 0.000000e+00 : f32
    %broadcast_in_dim3A_757 = vector.broadcast %jit3A_756 : f32 to vector<1x64xf32>
    %select_n3A_758 = arith.select %eq3A_754, %slice3A_755, %broadcast_in_dim3A_757 : vector<1x64xf32>
    %add3A_759 = arith.addf %add3A_752, %select_n3A_758 : vector<1x64xf32>
    %eq3A_760 = arith.constant 4 : i32
    %eq3A_761 = arith.cmpi eq, %select_n3A_729, %eq3A_760 : i32
    %slice3A_762 = vector.extract_strided_slice %get3A_732 {offsets = [4, 0], sizes = [1, 64], strides = [1, 1]} : vector<8x64xf32> to vector<1x64xf32>
    %jit3A_763 = arith.constant 0.000000e+00 : f32
    %broadcast_in_dim3A_764 = vector.broadcast %jit3A_763 : f32 to vector<1x64xf32>
    %select_n3A_765 = arith.select %eq3A_761, %slice3A_762, %broadcast_in_dim3A_764 : vector<1x64xf32>
    %add3A_766 = arith.addf %add3A_759, %select_n3A_765 : vector<1x64xf32>
    %eq3A_767 = arith.constant 5 : i32
    %eq3A_768 = arith.cmpi eq, %select_n3A_729, %eq3A_767 : i32
    %slice3A_769 = vector.extract_strided_slice %get3A_732 {offsets = [5, 0], sizes = [1, 64], strides = [1, 1]} : vector<8x64xf32> to vector<1x64xf32>
    %jit3A_770 = arith.constant 0.000000e+00 : f32
    %broadcast_in_dim3A_771 = vector.broadcast %jit3A_770 : f32 to vector<1x64xf32>
    %select_n3A_772 = arith.select %eq3A_768, %slice3A_769, %broadcast_in_dim3A_771 : vector<1x64xf32>
    %add3A_773 = arith.addf %add3A_766, %select_n3A_772 : vector<1x64xf32>
    %eq3A_774 = arith.constant 6 : i32
    %eq3A_775 = arith.cmpi eq, %select_n3A_729, %eq3A_774 : i32
    %slice3A_776 = vector.extract_strided_slice %get3A_732 {offsets = [6, 0], sizes = [1, 64], strides = [1, 1]} : vector<8x64xf32> to vector<1x64xf32>
    %jit3A_777 = arith.constant 0.000000e+00 : f32
    %broadcast_in_dim3A_778 = vector.broadcast %jit3A_777 : f32 to vector<1x64xf32>
    %select_n3A_779 = arith.select %eq3A_775, %slice3A_776, %broadcast_in_dim3A_778 : vector<1x64xf32>
    %add3A_780 = arith.addf %add3A_773, %select_n3A_779 : vector<1x64xf32>
    %eq3A_781 = arith.constant 7 : i32
    %eq3A_782 = arith.cmpi eq, %select_n3A_729, %eq3A_781 : i32
    %slice3A_783 = vector.extract_strided_slice %get3A_732 {offsets = [7, 0], sizes = [1, 64], strides = [1, 1]} : vector<8x64xf32> to vector<1x64xf32>
    %jit3A_784 = arith.constant 0.000000e+00 : f32
    %broadcast_in_dim3A_785 = vector.broadcast %jit3A_784 : f32 to vector<1x64xf32>
    %select_n3A_786 = arith.select %eq3A_782, %slice3A_783, %broadcast_in_dim3A_785 : vector<1x64xf32>
    %add3A_787 = arith.addf %add3A_780, %select_n3A_786 : vector<1x64xf32>
    %mul3A_788 = arith.constant 16 : i32
    %mul3A_789 = arith.muli %arg0, %mul3A_788 : i32
    %add3A_790 = arith.constant 10 : i32
    %add3A_791 = arith.addi %mul3A_789, %add3A_790 : i32
    %get3A_792 = arith.index_cast %add3A_791 : i32 to index
    %get3A_793 = memref.load %arg1[%get3A_792] : memref<128xi32, #tpu.memory_space<smem>>
    %jit3A_794 = arith.constant 8 : i32
    %eq3A_795 = arith.constant 0 : i32
    %eq3A_796 = arith.cmpi eq, %jit3A_794, %eq3A_795 : i32
    %jit3A_797 = arith.constant 1 : i32
    %select_n3A_798 = arith.select %eq3A_796, %jit3A_797, %jit3A_794 : i32
    %rem3A_799 = arith.remsi %get3A_793, %select_n3A_798 : i32
    %ne3A_800 = arith.constant 0 : i32
    %ne3A_801 = arith.cmpi ne, %rem3A_799, %ne3A_800 : i32
    %lt3A_802 = arith.constant 0 : i32
    %lt3A_803 = arith.cmpi slt, %rem3A_799, %lt3A_802 : i32
    %lt3A_804 = arith.constant 0 : i32
    %lt3A_805 = arith.cmpi slt, %select_n3A_798, %lt3A_804 : i32
    %ne3A_806 = arith.xori %lt3A_803, %lt3A_805 : i1
    %and3A_807 = arith.andi %ne3A_806, %ne3A_801 : i1
    %add3A_808 = arith.addi %rem3A_799, %select_n3A_798 : i32
    %select_n3A_809 = arith.select %and3A_807, %add3A_808, %rem3A_799 : i32
    %get3A_810 = arith.constant 0 : index
    %get3A_811 = arith.constant 0 : index
    %get3A_812 = vector.load %arg12[%get3A_810, %get3A_811] : memref<8x64xf32, #tpu.memory_space<vmem>>, vector<8x64xf32>
    %eq3A_813 = arith.constant 0 : i32
    %eq3A_814 = arith.cmpi eq, %select_n3A_809, %eq3A_813 : i32
    %slice3A_815 = vector.extract_strided_slice %get3A_812 {offsets = [0, 0], sizes = [1, 64], strides = [1, 1]} : vector<8x64xf32> to vector<1x64xf32>
    %jit3A_816 = arith.constant 0.000000e+00 : f32
    %broadcast_in_dim3A_817 = vector.broadcast %jit3A_816 : f32 to vector<1x64xf32>
    %select_n3A_818 = arith.select %eq3A_814, %slice3A_815, %broadcast_in_dim3A_817 : vector<1x64xf32>
    %eq3A_819 = arith.constant 1 : i32
    %eq3A_820 = arith.cmpi eq, %select_n3A_809, %eq3A_819 : i32
    %slice3A_821 = vector.extract_strided_slice %get3A_812 {offsets = [1, 0], sizes = [1, 64], strides = [1, 1]} : vector<8x64xf32> to vector<1x64xf32>
    %jit3A_822 = arith.constant 0.000000e+00 : f32
    %broadcast_in_dim3A_823 = vector.broadcast %jit3A_822 : f32 to vector<1x64xf32>
    %select_n3A_824 = arith.select %eq3A_820, %slice3A_821, %broadcast_in_dim3A_823 : vector<1x64xf32>
    %add3A_825 = arith.addf %select_n3A_818, %select_n3A_824 : vector<1x64xf32>
    %eq3A_826 = arith.constant 2 : i32
    %eq3A_827 = arith.cmpi eq, %select_n3A_809, %eq3A_826 : i32
    %slice3A_828 = vector.extract_strided_slice %get3A_812 {offsets = [2, 0], sizes = [1, 64], strides = [1, 1]} : vector<8x64xf32> to vector<1x64xf32>
    %jit3A_829 = arith.constant 0.000000e+00 : f32
    %broadcast_in_dim3A_830 = vector.broadcast %jit3A_829 : f32 to vector<1x64xf32>
    %select_n3A_831 = arith.select %eq3A_827, %slice3A_828, %broadcast_in_dim3A_830 : vector<1x64xf32>
    %add3A_832 = arith.addf %add3A_825, %select_n3A_831 : vector<1x64xf32>
    %eq3A_833 = arith.constant 3 : i32
    %eq3A_834 = arith.cmpi eq, %select_n3A_809, %eq3A_833 : i32
    %slice3A_835 = vector.extract_strided_slice %get3A_812 {offsets = [3, 0], sizes = [1, 64], strides = [1, 1]} : vector<8x64xf32> to vector<1x64xf32>
    %jit3A_836 = arith.constant 0.000000e+00 : f32
    %broadcast_in_dim3A_837 = vector.broadcast %jit3A_836 : f32 to vector<1x64xf32>
    %select_n3A_838 = arith.select %eq3A_834, %slice3A_835, %broadcast_in_dim3A_837 : vector<1x64xf32>
    %add3A_839 = arith.addf %add3A_832, %select_n3A_838 : vector<1x64xf32>
    %eq3A_840 = arith.constant 4 : i32
    %eq3A_841 = arith.cmpi eq, %select_n3A_809, %eq3A_840 : i32
    %slice3A_842 = vector.extract_strided_slice %get3A_812 {offsets = [4, 0], sizes = [1, 64], strides = [1, 1]} : vector<8x64xf32> to vector<1x64xf32>
    %jit3A_843 = arith.constant 0.000000e+00 : f32
    %broadcast_in_dim3A_844 = vector.broadcast %jit3A_843 : f32 to vector<1x64xf32>
    %select_n3A_845 = arith.select %eq3A_841, %slice3A_842, %broadcast_in_dim3A_844 : vector<1x64xf32>
    %add3A_846 = arith.addf %add3A_839, %select_n3A_845 : vector<1x64xf32>
    %eq3A_847 = arith.constant 5 : i32
    %eq3A_848 = arith.cmpi eq, %select_n3A_809, %eq3A_847 : i32
    %slice3A_849 = vector.extract_strided_slice %get3A_812 {offsets = [5, 0], sizes = [1, 64], strides = [1, 1]} : vector<8x64xf32> to vector<1x64xf32>
    %jit3A_850 = arith.constant 0.000000e+00 : f32
    %broadcast_in_dim3A_851 = vector.broadcast %jit3A_850 : f32 to vector<1x64xf32>
    %select_n3A_852 = arith.select %eq3A_848, %slice3A_849, %broadcast_in_dim3A_851 : vector<1x64xf32>
    %add3A_853 = arith.addf %add3A_846, %select_n3A_852 : vector<1x64xf32>
    %eq3A_854 = arith.constant 6 : i32
    %eq3A_855 = arith.cmpi eq, %select_n3A_809, %eq3A_854 : i32
    %slice3A_856 = vector.extract_strided_slice %get3A_812 {offsets = [6, 0], sizes = [1, 64], strides = [1, 1]} : vector<8x64xf32> to vector<1x64xf32>
    %jit3A_857 = arith.constant 0.000000e+00 : f32
    %broadcast_in_dim3A_858 = vector.broadcast %jit3A_857 : f32 to vector<1x64xf32>
    %select_n3A_859 = arith.select %eq3A_855, %slice3A_856, %broadcast_in_dim3A_858 : vector<1x64xf32>
    %add3A_860 = arith.addf %add3A_853, %select_n3A_859 : vector<1x64xf32>
    %eq3A_861 = arith.constant 7 : i32
    %eq3A_862 = arith.cmpi eq, %select_n3A_809, %eq3A_861 : i32
    %slice3A_863 = vector.extract_strided_slice %get3A_812 {offsets = [7, 0], sizes = [1, 64], strides = [1, 1]} : vector<8x64xf32> to vector<1x64xf32>
    %jit3A_864 = arith.constant 0.000000e+00 : f32
    %broadcast_in_dim3A_865 = vector.broadcast %jit3A_864 : f32 to vector<1x64xf32>
    %select_n3A_866 = arith.select %eq3A_862, %slice3A_863, %broadcast_in_dim3A_865 : vector<1x64xf32>
    %add3A_867 = arith.addf %add3A_860, %select_n3A_866 : vector<1x64xf32>
    %mul3A_868 = arith.constant 16 : i32
    %mul3A_869 = arith.muli %arg0, %mul3A_868 : i32
    %add3A_870 = arith.constant 11 : i32
    %add3A_871 = arith.addi %mul3A_869, %add3A_870 : i32
    %get3A_872 = arith.index_cast %add3A_871 : i32 to index
    %get3A_873 = memref.load %arg1[%get3A_872] : memref<128xi32, #tpu.memory_space<smem>>
    %jit3A_874 = arith.constant 8 : i32
    %eq3A_875 = arith.constant 0 : i32
    %eq3A_876 = arith.cmpi eq, %jit3A_874, %eq3A_875 : i32
    %jit3A_877 = arith.constant 1 : i32
    %select_n3A_878 = arith.select %eq3A_876, %jit3A_877, %jit3A_874 : i32
    %rem3A_879 = arith.remsi %get3A_873, %select_n3A_878 : i32
    %ne3A_880 = arith.constant 0 : i32
    %ne3A_881 = arith.cmpi ne, %rem3A_879, %ne3A_880 : i32
    %lt3A_882 = arith.constant 0 : i32
    %lt3A_883 = arith.cmpi slt, %rem3A_879, %lt3A_882 : i32
    %lt3A_884 = arith.constant 0 : i32
    %lt3A_885 = arith.cmpi slt, %select_n3A_878, %lt3A_884 : i32
    %ne3A_886 = arith.xori %lt3A_883, %lt3A_885 : i1
    %and3A_887 = arith.andi %ne3A_886, %ne3A_881 : i1
    %add3A_888 = arith.addi %rem3A_879, %select_n3A_878 : i32
    %select_n3A_889 = arith.select %and3A_887, %add3A_888, %rem3A_879 : i32
    %get3A_890 = arith.constant 0 : index
    %get3A_891 = arith.constant 0 : index
    %get3A_892 = vector.load %arg13[%get3A_890, %get3A_891] : memref<8x64xf32, #tpu.memory_space<vmem>>, vector<8x64xf32>
    %eq3A_893 = arith.constant 0 : i32
    %eq3A_894 = arith.cmpi eq, %select_n3A_889, %eq3A_893 : i32
    %slice3A_895 = vector.extract_strided_slice %get3A_892 {offsets = [0, 0], sizes = [1, 64], strides = [1, 1]} : vector<8x64xf32> to vector<1x64xf32>
    %jit3A_896 = arith.constant 0.000000e+00 : f32
    %broadcast_in_dim3A_897 = vector.broadcast %jit3A_896 : f32 to vector<1x64xf32>
    %select_n3A_898 = arith.select %eq3A_894, %slice3A_895, %broadcast_in_dim3A_897 : vector<1x64xf32>
    %eq3A_899 = arith.constant 1 : i32
    %eq3A_900 = arith.cmpi eq, %select_n3A_889, %eq3A_899 : i32
    %slice3A_901 = vector.extract_strided_slice %get3A_892 {offsets = [1, 0], sizes = [1, 64], strides = [1, 1]} : vector<8x64xf32> to vector<1x64xf32>
    %jit3A_902 = arith.constant 0.000000e+00 : f32
    %broadcast_in_dim3A_903 = vector.broadcast %jit3A_902 : f32 to vector<1x64xf32>
    %select_n3A_904 = arith.select %eq3A_900, %slice3A_901, %broadcast_in_dim3A_903 : vector<1x64xf32>
    %add3A_905 = arith.addf %select_n3A_898, %select_n3A_904 : vector<1x64xf32>
    %eq3A_906 = arith.constant 2 : i32
    %eq3A_907 = arith.cmpi eq, %select_n3A_889, %eq3A_906 : i32
    %slice3A_908 = vector.extract_strided_slice %get3A_892 {offsets = [2, 0], sizes = [1, 64], strides = [1, 1]} : vector<8x64xf32> to vector<1x64xf32>
    %jit3A_909 = arith.constant 0.000000e+00 : f32
    %broadcast_in_dim3A_910 = vector.broadcast %jit3A_909 : f32 to vector<1x64xf32>
    %select_n3A_911 = arith.select %eq3A_907, %slice3A_908, %broadcast_in_dim3A_910 : vector<1x64xf32>
    %add3A_912 = arith.addf %add3A_905, %select_n3A_911 : vector<1x64xf32>
    %eq3A_913 = arith.constant 3 : i32
    %eq3A_914 = arith.cmpi eq, %select_n3A_889, %eq3A_913 : i32
    %slice3A_915 = vector.extract_strided_slice %get3A_892 {offsets = [3, 0], sizes = [1, 64], strides = [1, 1]} : vector<8x64xf32> to vector<1x64xf32>
    %jit3A_916 = arith.constant 0.000000e+00 : f32
    %broadcast_in_dim3A_917 = vector.broadcast %jit3A_916 : f32 to vector<1x64xf32>
    %select_n3A_918 = arith.select %eq3A_914, %slice3A_915, %broadcast_in_dim3A_917 : vector<1x64xf32>
    %add3A_919 = arith.addf %add3A_912, %select_n3A_918 : vector<1x64xf32>
    %eq3A_920 = arith.constant 4 : i32
    %eq3A_921 = arith.cmpi eq, %select_n3A_889, %eq3A_920 : i32
    %slice3A_922 = vector.extract_strided_slice %get3A_892 {offsets = [4, 0], sizes = [1, 64], strides = [1, 1]} : vector<8x64xf32> to vector<1x64xf32>
    %jit3A_923 = arith.constant 0.000000e+00 : f32
    %broadcast_in_dim3A_924 = vector.broadcast %jit3A_923 : f32 to vector<1x64xf32>
    %select_n3A_925 = arith.select %eq3A_921, %slice3A_922, %broadcast_in_dim3A_924 : vector<1x64xf32>
    %add3A_926 = arith.addf %add3A_919, %select_n3A_925 : vector<1x64xf32>
    %eq3A_927 = arith.constant 5 : i32
    %eq3A_928 = arith.cmpi eq, %select_n3A_889, %eq3A_927 : i32
    %slice3A_929 = vector.extract_strided_slice %get3A_892 {offsets = [5, 0], sizes = [1, 64], strides = [1, 1]} : vector<8x64xf32> to vector<1x64xf32>
    %jit3A_930 = arith.constant 0.000000e+00 : f32
    %broadcast_in_dim3A_931 = vector.broadcast %jit3A_930 : f32 to vector<1x64xf32>
    %select_n3A_932 = arith.select %eq3A_928, %slice3A_929, %broadcast_in_dim3A_931 : vector<1x64xf32>
    %add3A_933 = arith.addf %add3A_926, %select_n3A_932 : vector<1x64xf32>
    %eq3A_934 = arith.constant 6 : i32
    %eq3A_935 = arith.cmpi eq, %select_n3A_889, %eq3A_934 : i32
    %slice3A_936 = vector.extract_strided_slice %get3A_892 {offsets = [6, 0], sizes = [1, 64], strides = [1, 1]} : vector<8x64xf32> to vector<1x64xf32>
    %jit3A_937 = arith.constant 0.000000e+00 : f32
    %broadcast_in_dim3A_938 = vector.broadcast %jit3A_937 : f32 to vector<1x64xf32>
    %select_n3A_939 = arith.select %eq3A_935, %slice3A_936, %broadcast_in_dim3A_938 : vector<1x64xf32>
    %add3A_940 = arith.addf %add3A_933, %select_n3A_939 : vector<1x64xf32>
    %eq3A_941 = arith.constant 7 : i32
    %eq3A_942 = arith.cmpi eq, %select_n3A_889, %eq3A_941 : i32
    %slice3A_943 = vector.extract_strided_slice %get3A_892 {offsets = [7, 0], sizes = [1, 64], strides = [1, 1]} : vector<8x64xf32> to vector<1x64xf32>
    %jit3A_944 = arith.constant 0.000000e+00 : f32
    %broadcast_in_dim3A_945 = vector.broadcast %jit3A_944 : f32 to vector<1x64xf32>
    %select_n3A_946 = arith.select %eq3A_942, %slice3A_943, %broadcast_in_dim3A_945 : vector<1x64xf32>
    %add3A_947 = arith.addf %add3A_940, %select_n3A_946 : vector<1x64xf32>
    %mul3A_948 = arith.constant 16 : i32
    %mul3A_949 = arith.muli %arg0, %mul3A_948 : i32
    %add3A_950 = arith.constant 12 : i32
    %add3A_951 = arith.addi %mul3A_949, %add3A_950 : i32
    %get3A_952 = arith.index_cast %add3A_951 : i32 to index
    %get3A_953 = memref.load %arg1[%get3A_952] : memref<128xi32, #tpu.memory_space<smem>>
    %jit3A_954 = arith.constant 8 : i32
    %eq3A_955 = arith.constant 0 : i32
    %eq3A_956 = arith.cmpi eq, %jit3A_954, %eq3A_955 : i32
    %jit3A_957 = arith.constant 1 : i32
    %select_n3A_958 = arith.select %eq3A_956, %jit3A_957, %jit3A_954 : i32
    %rem3A_959 = arith.remsi %get3A_953, %select_n3A_958 : i32
    %ne3A_960 = arith.constant 0 : i32
    %ne3A_961 = arith.cmpi ne, %rem3A_959, %ne3A_960 : i32
    %lt3A_962 = arith.constant 0 : i32
    %lt3A_963 = arith.cmpi slt, %rem3A_959, %lt3A_962 : i32
    %lt3A_964 = arith.constant 0 : i32
    %lt3A_965 = arith.cmpi slt, %select_n3A_958, %lt3A_964 : i32
    %ne3A_966 = arith.xori %lt3A_963, %lt3A_965 : i1
    %and3A_967 = arith.andi %ne3A_966, %ne3A_961 : i1
    %add3A_968 = arith.addi %rem3A_959, %select_n3A_958 : i32
    %select_n3A_969 = arith.select %and3A_967, %add3A_968, %rem3A_959 : i32
    %get3A_970 = arith.constant 0 : index
    %get3A_971 = arith.constant 0 : index
    %get3A_972 = vector.load %arg14[%get3A_970, %get3A_971] : memref<8x64xf32, #tpu.memory_space<vmem>>, vector<8x64xf32>
    %eq3A_973 = arith.constant 0 : i32
    %eq3A_974 = arith.cmpi eq, %select_n3A_969, %eq3A_973 : i32
    %slice3A_975 = vector.extract_strided_slice %get3A_972 {offsets = [0, 0], sizes = [1, 64], strides = [1, 1]} : vector<8x64xf32> to vector<1x64xf32>
    %jit3A_976 = arith.constant 0.000000e+00 : f32
    %broadcast_in_dim3A_977 = vector.broadcast %jit3A_976 : f32 to vector<1x64xf32>
    %select_n3A_978 = arith.select %eq3A_974, %slice3A_975, %broadcast_in_dim3A_977 : vector<1x64xf32>
    %eq3A_979 = arith.constant 1 : i32
    %eq3A_980 = arith.cmpi eq, %select_n3A_969, %eq3A_979 : i32
    %slice3A_981 = vector.extract_strided_slice %get3A_972 {offsets = [1, 0], sizes = [1, 64], strides = [1, 1]} : vector<8x64xf32> to vector<1x64xf32>
    %jit3A_982 = arith.constant 0.000000e+00 : f32
    %broadcast_in_dim3A_983 = vector.broadcast %jit3A_982 : f32 to vector<1x64xf32>
    %select_n3A_984 = arith.select %eq3A_980, %slice3A_981, %broadcast_in_dim3A_983 : vector<1x64xf32>
    %add3A_985 = arith.addf %select_n3A_978, %select_n3A_984 : vector<1x64xf32>
    %eq3A_986 = arith.constant 2 : i32
    %eq3A_987 = arith.cmpi eq, %select_n3A_969, %eq3A_986 : i32
    %slice3A_988 = vector.extract_strided_slice %get3A_972 {offsets = [2, 0], sizes = [1, 64], strides = [1, 1]} : vector<8x64xf32> to vector<1x64xf32>
    %jit3A_989 = arith.constant 0.000000e+00 : f32
    %broadcast_in_dim3A_990 = vector.broadcast %jit3A_989 : f32 to vector<1x64xf32>
    %select_n3A_991 = arith.select %eq3A_987, %slice3A_988, %broadcast_in_dim3A_990 : vector<1x64xf32>
    %add3A_992 = arith.addf %add3A_985, %select_n3A_991 : vector<1x64xf32>
    %eq3A_993 = arith.constant 3 : i32
    %eq3A_994 = arith.cmpi eq, %select_n3A_969, %eq3A_993 : i32
    %slice3A_995 = vector.extract_strided_slice %get3A_972 {offsets = [3, 0], sizes = [1, 64], strides = [1, 1]} : vector<8x64xf32> to vector<1x64xf32>
    %jit3A_996 = arith.constant 0.000000e+00 : f32
    %broadcast_in_dim3A_997 = vector.broadcast %jit3A_996 : f32 to vector<1x64xf32>
    %select_n3A_998 = arith.select %eq3A_994, %slice3A_995, %broadcast_in_dim3A_997 : vector<1x64xf32>
    %add3A_999 = arith.addf %add3A_992, %select_n3A_998 : vector<1x64xf32>
    %eq3A_1000 = arith.constant 4 : i32
    %eq3A_1001 = arith.cmpi eq, %select_n3A_969, %eq3A_1000 : i32
    %slice3A_1002 = vector.extract_strided_slice %get3A_972 {offsets = [4, 0], sizes = [1, 64], strides = [1, 1]} : vector<8x64xf32> to vector<1x64xf32>
    %jit3A_1003 = arith.constant 0.000000e+00 : f32
    %broadcast_in_dim3A_1004 = vector.broadcast %jit3A_1003 : f32 to vector<1x64xf32>
    %select_n3A_1005 = arith.select %eq3A_1001, %slice3A_1002, %broadcast_in_dim3A_1004 : vector<1x64xf32>
    %add3A_1006 = arith.addf %add3A_999, %select_n3A_1005 : vector<1x64xf32>
    %eq3A_1007 = arith.constant 5 : i32
    %eq3A_1008 = arith.cmpi eq, %select_n3A_969, %eq3A_1007 : i32
    %slice3A_1009 = vector.extract_strided_slice %get3A_972 {offsets = [5, 0], sizes = [1, 64], strides = [1, 1]} : vector<8x64xf32> to vector<1x64xf32>
    %jit3A_1010 = arith.constant 0.000000e+00 : f32
    %broadcast_in_dim3A_1011 = vector.broadcast %jit3A_1010 : f32 to vector<1x64xf32>
    %select_n3A_1012 = arith.select %eq3A_1008, %slice3A_1009, %broadcast_in_dim3A_1011 : vector<1x64xf32>
    %add3A_1013 = arith.addf %add3A_1006, %select_n3A_1012 : vector<1x64xf32>
    %eq3A_1014 = arith.constant 6 : i32
    %eq3A_1015 = arith.cmpi eq, %select_n3A_969, %eq3A_1014 : i32
    %slice3A_1016 = vector.extract_strided_slice %get3A_972 {offsets = [6, 0], sizes = [1, 64], strides = [1, 1]} : vector<8x64xf32> to vector<1x64xf32>
    %jit3A_1017 = arith.constant 0.000000e+00 : f32
    %broadcast_in_dim3A_1018 = vector.broadcast %jit3A_1017 : f32 to vector<1x64xf32>
    %select_n3A_1019 = arith.select %eq3A_1015, %slice3A_1016, %broadcast_in_dim3A_1018 : vector<1x64xf32>
    %add3A_1020 = arith.addf %add3A_1013, %select_n3A_1019 : vector<1x64xf32>
    %eq3A_1021 = arith.constant 7 : i32
    %eq3A_1022 = arith.cmpi eq, %select_n3A_969, %eq3A_1021 : i32
    %slice3A_1023 = vector.extract_strided_slice %get3A_972 {offsets = [7, 0], sizes = [1, 64], strides = [1, 1]} : vector<8x64xf32> to vector<1x64xf32>
    %jit3A_1024 = arith.constant 0.000000e+00 : f32
    %broadcast_in_dim3A_1025 = vector.broadcast %jit3A_1024 : f32 to vector<1x64xf32>
    %select_n3A_1026 = arith.select %eq3A_1022, %slice3A_1023, %broadcast_in_dim3A_1025 : vector<1x64xf32>
    %add3A_1027 = arith.addf %add3A_1020, %select_n3A_1026 : vector<1x64xf32>
    %mul3A_1028 = arith.constant 16 : i32
    %mul3A_1029 = arith.muli %arg0, %mul3A_1028 : i32
    %add3A_1030 = arith.constant 13 : i32
    %add3A_1031 = arith.addi %mul3A_1029, %add3A_1030 : i32
    %get3A_1032 = arith.index_cast %add3A_1031 : i32 to index
    %get3A_1033 = memref.load %arg1[%get3A_1032] : memref<128xi32, #tpu.memory_space<smem>>
    %jit3A_1034 = arith.constant 8 : i32
    %eq3A_1035 = arith.constant 0 : i32
    %eq3A_1036 = arith.cmpi eq, %jit3A_1034, %eq3A_1035 : i32
    %jit3A_1037 = arith.constant 1 : i32
    %select_n3A_1038 = arith.select %eq3A_1036, %jit3A_1037, %jit3A_1034 : i32
    %rem3A_1039 = arith.remsi %get3A_1033, %select_n3A_1038 : i32
    %ne3A_1040 = arith.constant 0 : i32
    %ne3A_1041 = arith.cmpi ne, %rem3A_1039, %ne3A_1040 : i32
    %lt3A_1042 = arith.constant 0 : i32
    %lt3A_1043 = arith.cmpi slt, %rem3A_1039, %lt3A_1042 : i32
    %lt3A_1044 = arith.constant 0 : i32
    %lt3A_1045 = arith.cmpi slt, %select_n3A_1038, %lt3A_1044 : i32
    %ne3A_1046 = arith.xori %lt3A_1043, %lt3A_1045 : i1
    %and3A_1047 = arith.andi %ne3A_1046, %ne3A_1041 : i1
    %add3A_1048 = arith.addi %rem3A_1039, %select_n3A_1038 : i32
    %select_n3A_1049 = arith.select %and3A_1047, %add3A_1048, %rem3A_1039 : i32
    %get3A_1050 = arith.constant 0 : index
    %get3A_1051 = arith.constant 0 : index
    %get3A_1052 = vector.load %arg15[%get3A_1050, %get3A_1051] : memref<8x64xf32, #tpu.memory_space<vmem>>, vector<8x64xf32>
    %eq3A_1053 = arith.constant 0 : i32
    %eq3A_1054 = arith.cmpi eq, %select_n3A_1049, %eq3A_1053 : i32
    %slice3A_1055 = vector.extract_strided_slice %get3A_1052 {offsets = [0, 0], sizes = [1, 64], strides = [1, 1]} : vector<8x64xf32> to vector<1x64xf32>
    %jit3A_1056 = arith.constant 0.000000e+00 : f32
    %broadcast_in_dim3A_1057 = vector.broadcast %jit3A_1056 : f32 to vector<1x64xf32>
    %select_n3A_1058 = arith.select %eq3A_1054, %slice3A_1055, %broadcast_in_dim3A_1057 : vector<1x64xf32>
    %eq3A_1059 = arith.constant 1 : i32
    %eq3A_1060 = arith.cmpi eq, %select_n3A_1049, %eq3A_1059 : i32
    %slice3A_1061 = vector.extract_strided_slice %get3A_1052 {offsets = [1, 0], sizes = [1, 64], strides = [1, 1]} : vector<8x64xf32> to vector<1x64xf32>
    %jit3A_1062 = arith.constant 0.000000e+00 : f32
    %broadcast_in_dim3A_1063 = vector.broadcast %jit3A_1062 : f32 to vector<1x64xf32>
    %select_n3A_1064 = arith.select %eq3A_1060, %slice3A_1061, %broadcast_in_dim3A_1063 : vector<1x64xf32>
    %add3A_1065 = arith.addf %select_n3A_1058, %select_n3A_1064 : vector<1x64xf32>
    %eq3A_1066 = arith.constant 2 : i32
    %eq3A_1067 = arith.cmpi eq, %select_n3A_1049, %eq3A_1066 : i32
    %slice3A_1068 = vector.extract_strided_slice %get3A_1052 {offsets = [2, 0], sizes = [1, 64], strides = [1, 1]} : vector<8x64xf32> to vector<1x64xf32>
    %jit3A_1069 = arith.constant 0.000000e+00 : f32
    %broadcast_in_dim3A_1070 = vector.broadcast %jit3A_1069 : f32 to vector<1x64xf32>
    %select_n3A_1071 = arith.select %eq3A_1067, %slice3A_1068, %broadcast_in_dim3A_1070 : vector<1x64xf32>
    %add3A_1072 = arith.addf %add3A_1065, %select_n3A_1071 : vector<1x64xf32>
    %eq3A_1073 = arith.constant 3 : i32
    %eq3A_1074 = arith.cmpi eq, %select_n3A_1049, %eq3A_1073 : i32
    %slice3A_1075 = vector.extract_strided_slice %get3A_1052 {offsets = [3, 0], sizes = [1, 64], strides = [1, 1]} : vector<8x64xf32> to vector<1x64xf32>
    %jit3A_1076 = arith.constant 0.000000e+00 : f32
    %broadcast_in_dim3A_1077 = vector.broadcast %jit3A_1076 : f32 to vector<1x64xf32>
    %select_n3A_1078 = arith.select %eq3A_1074, %slice3A_1075, %broadcast_in_dim3A_1077 : vector<1x64xf32>
    %add3A_1079 = arith.addf %add3A_1072, %select_n3A_1078 : vector<1x64xf32>
    %eq3A_1080 = arith.constant 4 : i32
    %eq3A_1081 = arith.cmpi eq, %select_n3A_1049, %eq3A_1080 : i32
    %slice3A_1082 = vector.extract_strided_slice %get3A_1052 {offsets = [4, 0], sizes = [1, 64], strides = [1, 1]} : vector<8x64xf32> to vector<1x64xf32>
    %jit3A_1083 = arith.constant 0.000000e+00 : f32
    %broadcast_in_dim3A_1084 = vector.broadcast %jit3A_1083 : f32 to vector<1x64xf32>
    %select_n3A_1085 = arith.select %eq3A_1081, %slice3A_1082, %broadcast_in_dim3A_1084 : vector<1x64xf32>
    %add3A_1086 = arith.addf %add3A_1079, %select_n3A_1085 : vector<1x64xf32>
    %eq3A_1087 = arith.constant 5 : i32
    %eq3A_1088 = arith.cmpi eq, %select_n3A_1049, %eq3A_1087 : i32
    %slice3A_1089 = vector.extract_strided_slice %get3A_1052 {offsets = [5, 0], sizes = [1, 64], strides = [1, 1]} : vector<8x64xf32> to vector<1x64xf32>
    %jit3A_1090 = arith.constant 0.000000e+00 : f32
    %broadcast_in_dim3A_1091 = vector.broadcast %jit3A_1090 : f32 to vector<1x64xf32>
    %select_n3A_1092 = arith.select %eq3A_1088, %slice3A_1089, %broadcast_in_dim3A_1091 : vector<1x64xf32>
    %add3A_1093 = arith.addf %add3A_1086, %select_n3A_1092 : vector<1x64xf32>
    %eq3A_1094 = arith.constant 6 : i32
    %eq3A_1095 = arith.cmpi eq, %select_n3A_1049, %eq3A_1094 : i32
    %slice3A_1096 = vector.extract_strided_slice %get3A_1052 {offsets = [6, 0], sizes = [1, 64], strides = [1, 1]} : vector<8x64xf32> to vector<1x64xf32>
    %jit3A_1097 = arith.constant 0.000000e+00 : f32
    %broadcast_in_dim3A_1098 = vector.broadcast %jit3A_1097 : f32 to vector<1x64xf32>
    %select_n3A_1099 = arith.select %eq3A_1095, %slice3A_1096, %broadcast_in_dim3A_1098 : vector<1x64xf32>
    %add3A_1100 = arith.addf %add3A_1093, %select_n3A_1099 : vector<1x64xf32>
    %eq3A_1101 = arith.constant 7 : i32
    %eq3A_1102 = arith.cmpi eq, %select_n3A_1049, %eq3A_1101 : i32
    %slice3A_1103 = vector.extract_strided_slice %get3A_1052 {offsets = [7, 0], sizes = [1, 64], strides = [1, 1]} : vector<8x64xf32> to vector<1x64xf32>
    %jit3A_1104 = arith.constant 0.000000e+00 : f32
    %broadcast_in_dim3A_1105 = vector.broadcast %jit3A_1104 : f32 to vector<1x64xf32>
    %select_n3A_1106 = arith.select %eq3A_1102, %slice3A_1103, %broadcast_in_dim3A_1105 : vector<1x64xf32>
    %add3A_1107 = arith.addf %add3A_1100, %select_n3A_1106 : vector<1x64xf32>
    %mul3A_1108 = arith.constant 16 : i32
    %mul3A_1109 = arith.muli %arg0, %mul3A_1108 : i32
    %add3A_1110 = arith.constant 14 : i32
    %add3A_1111 = arith.addi %mul3A_1109, %add3A_1110 : i32
    %get3A_1112 = arith.index_cast %add3A_1111 : i32 to index
    %get3A_1113 = memref.load %arg1[%get3A_1112] : memref<128xi32, #tpu.memory_space<smem>>
    %jit3A_1114 = arith.constant 8 : i32
    %eq3A_1115 = arith.constant 0 : i32
    %eq3A_1116 = arith.cmpi eq, %jit3A_1114, %eq3A_1115 : i32
    %jit3A_1117 = arith.constant 1 : i32
    %select_n3A_1118 = arith.select %eq3A_1116, %jit3A_1117, %jit3A_1114 : i32
    %rem3A_1119 = arith.remsi %get3A_1113, %select_n3A_1118 : i32
    %ne3A_1120 = arith.constant 0 : i32
    %ne3A_1121 = arith.cmpi ne, %rem3A_1119, %ne3A_1120 : i32
    %lt3A_1122 = arith.constant 0 : i32
    %lt3A_1123 = arith.cmpi slt, %rem3A_1119, %lt3A_1122 : i32
    %lt3A_1124 = arith.constant 0 : i32
    %lt3A_1125 = arith.cmpi slt, %select_n3A_1118, %lt3A_1124 : i32
    %ne3A_1126 = arith.xori %lt3A_1123, %lt3A_1125 : i1
    %and3A_1127 = arith.andi %ne3A_1126, %ne3A_1121 : i1
    %add3A_1128 = arith.addi %rem3A_1119, %select_n3A_1118 : i32
    %select_n3A_1129 = arith.select %and3A_1127, %add3A_1128, %rem3A_1119 : i32
    %get3A_1130 = arith.constant 0 : index
    %get3A_1131 = arith.constant 0 : index
    %get3A_1132 = vector.load %arg16[%get3A_1130, %get3A_1131] : memref<8x64xf32, #tpu.memory_space<vmem>>, vector<8x64xf32>
    %eq3A_1133 = arith.constant 0 : i32
    %eq3A_1134 = arith.cmpi eq, %select_n3A_1129, %eq3A_1133 : i32
    %slice3A_1135 = vector.extract_strided_slice %get3A_1132 {offsets = [0, 0], sizes = [1, 64], strides = [1, 1]} : vector<8x64xf32> to vector<1x64xf32>
    %jit3A_1136 = arith.constant 0.000000e+00 : f32
    %broadcast_in_dim3A_1137 = vector.broadcast %jit3A_1136 : f32 to vector<1x64xf32>
    %select_n3A_1138 = arith.select %eq3A_1134, %slice3A_1135, %broadcast_in_dim3A_1137 : vector<1x64xf32>
    %eq3A_1139 = arith.constant 1 : i32
    %eq3A_1140 = arith.cmpi eq, %select_n3A_1129, %eq3A_1139 : i32
    %slice3A_1141 = vector.extract_strided_slice %get3A_1132 {offsets = [1, 0], sizes = [1, 64], strides = [1, 1]} : vector<8x64xf32> to vector<1x64xf32>
    %jit3A_1142 = arith.constant 0.000000e+00 : f32
    %broadcast_in_dim3A_1143 = vector.broadcast %jit3A_1142 : f32 to vector<1x64xf32>
    %select_n3A_1144 = arith.select %eq3A_1140, %slice3A_1141, %broadcast_in_dim3A_1143 : vector<1x64xf32>
    %add3A_1145 = arith.addf %select_n3A_1138, %select_n3A_1144 : vector<1x64xf32>
    %eq3A_1146 = arith.constant 2 : i32
    %eq3A_1147 = arith.cmpi eq, %select_n3A_1129, %eq3A_1146 : i32
    %slice3A_1148 = vector.extract_strided_slice %get3A_1132 {offsets = [2, 0], sizes = [1, 64], strides = [1, 1]} : vector<8x64xf32> to vector<1x64xf32>
    %jit3A_1149 = arith.constant 0.000000e+00 : f32
    %broadcast_in_dim3A_1150 = vector.broadcast %jit3A_1149 : f32 to vector<1x64xf32>
    %select_n3A_1151 = arith.select %eq3A_1147, %slice3A_1148, %broadcast_in_dim3A_1150 : vector<1x64xf32>
    %add3A_1152 = arith.addf %add3A_1145, %select_n3A_1151 : vector<1x64xf32>
    %eq3A_1153 = arith.constant 3 : i32
    %eq3A_1154 = arith.cmpi eq, %select_n3A_1129, %eq3A_1153 : i32
    %slice3A_1155 = vector.extract_strided_slice %get3A_1132 {offsets = [3, 0], sizes = [1, 64], strides = [1, 1]} : vector<8x64xf32> to vector<1x64xf32>
    %jit3A_1156 = arith.constant 0.000000e+00 : f32
    %broadcast_in_dim3A_1157 = vector.broadcast %jit3A_1156 : f32 to vector<1x64xf32>
    %select_n3A_1158 = arith.select %eq3A_1154, %slice3A_1155, %broadcast_in_dim3A_1157 : vector<1x64xf32>
    %add3A_1159 = arith.addf %add3A_1152, %select_n3A_1158 : vector<1x64xf32>
    %eq3A_1160 = arith.constant 4 : i32
    %eq3A_1161 = arith.cmpi eq, %select_n3A_1129, %eq3A_1160 : i32
    %slice3A_1162 = vector.extract_strided_slice %get3A_1132 {offsets = [4, 0], sizes = [1, 64], strides = [1, 1]} : vector<8x64xf32> to vector<1x64xf32>
    %jit3A_1163 = arith.constant 0.000000e+00 : f32
    %broadcast_in_dim3A_1164 = vector.broadcast %jit3A_1163 : f32 to vector<1x64xf32>
    %select_n3A_1165 = arith.select %eq3A_1161, %slice3A_1162, %broadcast_in_dim3A_1164 : vector<1x64xf32>
    %add3A_1166 = arith.addf %add3A_1159, %select_n3A_1165 : vector<1x64xf32>
    %eq3A_1167 = arith.constant 5 : i32
    %eq3A_1168 = arith.cmpi eq, %select_n3A_1129, %eq3A_1167 : i32
    %slice3A_1169 = vector.extract_strided_slice %get3A_1132 {offsets = [5, 0], sizes = [1, 64], strides = [1, 1]} : vector<8x64xf32> to vector<1x64xf32>
    %jit3A_1170 = arith.constant 0.000000e+00 : f32
    %broadcast_in_dim3A_1171 = vector.broadcast %jit3A_1170 : f32 to vector<1x64xf32>
    %select_n3A_1172 = arith.select %eq3A_1168, %slice3A_1169, %broadcast_in_dim3A_1171 : vector<1x64xf32>
    %add3A_1173 = arith.addf %add3A_1166, %select_n3A_1172 : vector<1x64xf32>
    %eq3A_1174 = arith.constant 6 : i32
    %eq3A_1175 = arith.cmpi eq, %select_n3A_1129, %eq3A_1174 : i32
    %slice3A_1176 = vector.extract_strided_slice %get3A_1132 {offsets = [6, 0], sizes = [1, 64], strides = [1, 1]} : vector<8x64xf32> to vector<1x64xf32>
    %jit3A_1177 = arith.constant 0.000000e+00 : f32
    %broadcast_in_dim3A_1178 = vector.broadcast %jit3A_1177 : f32 to vector<1x64xf32>
    %select_n3A_1179 = arith.select %eq3A_1175, %slice3A_1176, %broadcast_in_dim3A_1178 : vector<1x64xf32>
    %add3A_1180 = arith.addf %add3A_1173, %select_n3A_1179 : vector<1x64xf32>
    %eq3A_1181 = arith.constant 7 : i32
    %eq3A_1182 = arith.cmpi eq, %select_n3A_1129, %eq3A_1181 : i32
    %slice3A_1183 = vector.extract_strided_slice %get3A_1132 {offsets = [7, 0], sizes = [1, 64], strides = [1, 1]} : vector<8x64xf32> to vector<1x64xf32>
    %jit3A_1184 = arith.constant 0.000000e+00 : f32
    %broadcast_in_dim3A_1185 = vector.broadcast %jit3A_1184 : f32 to vector<1x64xf32>
    %select_n3A_1186 = arith.select %eq3A_1182, %slice3A_1183, %broadcast_in_dim3A_1185 : vector<1x64xf32>
    %add3A_1187 = arith.addf %add3A_1180, %select_n3A_1186 : vector<1x64xf32>
    %mul3A_1188 = arith.constant 16 : i32
    %mul3A_1189 = arith.muli %arg0, %mul3A_1188 : i32
    %add3A_1190 = arith.constant 15 : i32
    %add3A_1191 = arith.addi %mul3A_1189, %add3A_1190 : i32
    %get3A_1192 = arith.index_cast %add3A_1191 : i32 to index
    %get3A_1193 = memref.load %arg1[%get3A_1192] : memref<128xi32, #tpu.memory_space<smem>>
    %jit3A_1194 = arith.constant 8 : i32
    %eq3A_1195 = arith.constant 0 : i32
    %eq3A_1196 = arith.cmpi eq, %jit3A_1194, %eq3A_1195 : i32
    %jit3A_1197 = arith.constant 1 : i32
    %select_n3A_1198 = arith.select %eq3A_1196, %jit3A_1197, %jit3A_1194 : i32
    %rem3A_1199 = arith.remsi %get3A_1193, %select_n3A_1198 : i32
    %ne3A_1200 = arith.constant 0 : i32
    %ne3A_1201 = arith.cmpi ne, %rem3A_1199, %ne3A_1200 : i32
    %lt3A_1202 = arith.constant 0 : i32
    %lt3A_1203 = arith.cmpi slt, %rem3A_1199, %lt3A_1202 : i32
    %lt3A_1204 = arith.constant 0 : i32
    %lt3A_1205 = arith.cmpi slt, %select_n3A_1198, %lt3A_1204 : i32
    %ne3A_1206 = arith.xori %lt3A_1203, %lt3A_1205 : i1
    %and3A_1207 = arith.andi %ne3A_1206, %ne3A_1201 : i1
    %add3A_1208 = arith.addi %rem3A_1199, %select_n3A_1198 : i32
    %select_n3A_1209 = arith.select %and3A_1207, %add3A_1208, %rem3A_1199 : i32
    %get3A_1210 = arith.constant 0 : index
    %get3A_1211 = arith.constant 0 : index
    %get3A_1212 = vector.load %arg17[%get3A_1210, %get3A_1211] : memref<8x64xf32, #tpu.memory_space<vmem>>, vector<8x64xf32>
    %eq3A_1213 = arith.constant 0 : i32
    %eq3A_1214 = arith.cmpi eq, %select_n3A_1209, %eq3A_1213 : i32
    %slice3A_1215 = vector.extract_strided_slice %get3A_1212 {offsets = [0, 0], sizes = [1, 64], strides = [1, 1]} : vector<8x64xf32> to vector<1x64xf32>
    %jit3A_1216 = arith.constant 0.000000e+00 : f32
    %broadcast_in_dim3A_1217 = vector.broadcast %jit3A_1216 : f32 to vector<1x64xf32>
    %select_n3A_1218 = arith.select %eq3A_1214, %slice3A_1215, %broadcast_in_dim3A_1217 : vector<1x64xf32>
    %eq3A_1219 = arith.constant 1 : i32
    %eq3A_1220 = arith.cmpi eq, %select_n3A_1209, %eq3A_1219 : i32
    %slice3A_1221 = vector.extract_strided_slice %get3A_1212 {offsets = [1, 0], sizes = [1, 64], strides = [1, 1]} : vector<8x64xf32> to vector<1x64xf32>
    %jit3A_1222 = arith.constant 0.000000e+00 : f32
    %broadcast_in_dim3A_1223 = vector.broadcast %jit3A_1222 : f32 to vector<1x64xf32>
    %select_n3A_1224 = arith.select %eq3A_1220, %slice3A_1221, %broadcast_in_dim3A_1223 : vector<1x64xf32>
    %add3A_1225 = arith.addf %select_n3A_1218, %select_n3A_1224 : vector<1x64xf32>
    %eq3A_1226 = arith.constant 2 : i32
    %eq3A_1227 = arith.cmpi eq, %select_n3A_1209, %eq3A_1226 : i32
    %slice3A_1228 = vector.extract_strided_slice %get3A_1212 {offsets = [2, 0], sizes = [1, 64], strides = [1, 1]} : vector<8x64xf32> to vector<1x64xf32>
    %jit3A_1229 = arith.constant 0.000000e+00 : f32
    %broadcast_in_dim3A_1230 = vector.broadcast %jit3A_1229 : f32 to vector<1x64xf32>
    %select_n3A_1231 = arith.select %eq3A_1227, %slice3A_1228, %broadcast_in_dim3A_1230 : vector<1x64xf32>
    %add3A_1232 = arith.addf %add3A_1225, %select_n3A_1231 : vector<1x64xf32>
    %eq3A_1233 = arith.constant 3 : i32
    %eq3A_1234 = arith.cmpi eq, %select_n3A_1209, %eq3A_1233 : i32
    %slice3A_1235 = vector.extract_strided_slice %get3A_1212 {offsets = [3, 0], sizes = [1, 64], strides = [1, 1]} : vector<8x64xf32> to vector<1x64xf32>
    %jit3A_1236 = arith.constant 0.000000e+00 : f32
    %broadcast_in_dim3A_1237 = vector.broadcast %jit3A_1236 : f32 to vector<1x64xf32>
    %select_n3A_1238 = arith.select %eq3A_1234, %slice3A_1235, %broadcast_in_dim3A_1237 : vector<1x64xf32>
    %add3A_1239 = arith.addf %add3A_1232, %select_n3A_1238 : vector<1x64xf32>
    %eq3A_1240 = arith.constant 4 : i32
    %eq3A_1241 = arith.cmpi eq, %select_n3A_1209, %eq3A_1240 : i32
    %slice3A_1242 = vector.extract_strided_slice %get3A_1212 {offsets = [4, 0], sizes = [1, 64], strides = [1, 1]} : vector<8x64xf32> to vector<1x64xf32>
    %jit3A_1243 = arith.constant 0.000000e+00 : f32
    %broadcast_in_dim3A_1244 = vector.broadcast %jit3A_1243 : f32 to vector<1x64xf32>
    %select_n3A_1245 = arith.select %eq3A_1241, %slice3A_1242, %broadcast_in_dim3A_1244 : vector<1x64xf32>
    %add3A_1246 = arith.addf %add3A_1239, %select_n3A_1245 : vector<1x64xf32>
    %eq3A_1247 = arith.constant 5 : i32
    %eq3A_1248 = arith.cmpi eq, %select_n3A_1209, %eq3A_1247 : i32
    %slice3A_1249 = vector.extract_strided_slice %get3A_1212 {offsets = [5, 0], sizes = [1, 64], strides = [1, 1]} : vector<8x64xf32> to vector<1x64xf32>
    %jit3A_1250 = arith.constant 0.000000e+00 : f32
    %broadcast_in_dim3A_1251 = vector.broadcast %jit3A_1250 : f32 to vector<1x64xf32>
    %select_n3A_1252 = arith.select %eq3A_1248, %slice3A_1249, %broadcast_in_dim3A_1251 : vector<1x64xf32>
    %add3A_1253 = arith.addf %add3A_1246, %select_n3A_1252 : vector<1x64xf32>
    %eq3A_1254 = arith.constant 6 : i32
    %eq3A_1255 = arith.cmpi eq, %select_n3A_1209, %eq3A_1254 : i32
    %slice3A_1256 = vector.extract_strided_slice %get3A_1212 {offsets = [6, 0], sizes = [1, 64], strides = [1, 1]} : vector<8x64xf32> to vector<1x64xf32>
    %jit3A_1257 = arith.constant 0.000000e+00 : f32
    %broadcast_in_dim3A_1258 = vector.broadcast %jit3A_1257 : f32 to vector<1x64xf32>
    %select_n3A_1259 = arith.select %eq3A_1255, %slice3A_1256, %broadcast_in_dim3A_1258 : vector<1x64xf32>
    %add3A_1260 = arith.addf %add3A_1253, %select_n3A_1259 : vector<1x64xf32>
    %eq3A_1261 = arith.constant 7 : i32
    %eq3A_1262 = arith.cmpi eq, %select_n3A_1209, %eq3A_1261 : i32
    %slice3A_1263 = vector.extract_strided_slice %get3A_1212 {offsets = [7, 0], sizes = [1, 64], strides = [1, 1]} : vector<8x64xf32> to vector<1x64xf32>
    %jit3A_1264 = arith.constant 0.000000e+00 : f32
    %broadcast_in_dim3A_1265 = vector.broadcast %jit3A_1264 : f32 to vector<1x64xf32>
    %select_n3A_1266 = arith.select %eq3A_1262, %slice3A_1263, %broadcast_in_dim3A_1265 : vector<1x64xf32>
    %add3A_1267 = arith.addf %add3A_1260, %select_n3A_1266 : vector<1x64xf32>
    %concatenate3A = tpu.concatenate %add3A_67, %add3A_147, %add3A_227, %add3A_307, %add3A_387, %add3A_467, %add3A_547, %add3A_627, %add3A_707, %add3A_787, %add3A_867, %add3A_947, %add3A_1027, %add3A_1107, %add3A_1187, %add3A_1267 in 0 : vector<1x64xf32>, vector<1x64xf32>, vector<1x64xf32>, vector<1x64xf32>, vector<1x64xf32>, vector<1x64xf32>, vector<1x64xf32>, vector<1x64xf32>, vector<1x64xf32>, vector<1x64xf32>, vector<1x64xf32>, vector<1x64xf32>, vector<1x64xf32>, vector<1x64xf32>, vector<1x64xf32>, vector<1x64xf32> -> vector<16x64xf32>
    %broadcast_in_dim3A_1268 = vector.shape_cast %concatenate3A : vector<16x64xf32> to vector<1x16x64xf32>
    %swap3A = arith.constant 0 : index
    %swap3A_1269 = arith.constant 0 : index
    %swap3A_1270 = arith.constant 0 : index
    %swap3A_1271 = vector.load %arg18[%swap3A, %swap3A_1269, %swap3A_1270] : memref<1x16x64xf32, #tpu.memory_space<vmem>>, vector<1x16x64xf32>
    tpu.vector_store %arg18[%swap3A, %swap3A_1269, %swap3A_1270], %broadcast_in_dim3A_1268 {strides = array<i32>} : memref<1x16x64xf32, #tpu.memory_space<vmem>>, vector<1x16x64xf32>,
    return
  }
  func.func @transform_0(%arg0: i32, %arg1: memref<128xi32, #tpu.memory_space<smem>>) -> (i32, i32) {
    %mul3A = arith.constant 16 : i32
    %mul3A_0 = arith.muli %arg0, %mul3A : i32
    %add3A = arith.constant 0 : i32
    %add3A_1 = arith.addi %mul3A_0, %add3A : i32
    %get3A = arith.index_cast %add3A_1 : i32 to index
    %get3A_2 = memref.load %arg1[%get3A] : memref<128xi32, #tpu.memory_space<smem>>
    %jit3A = arith.constant 8 : i32
    %div3A = arith.divsi %get3A_2, %jit3A : i32
    %sign3A = arith.constant 0 : i32
    %sign3A_3 = arith.cmpi sgt, %get3A_2, %sign3A : i32
    %sign3A_4 = arith.extui %sign3A_3 : i1 to i32
    %sign3A_5 = arith.constant 0 : i32
    %sign3A_6 = arith.cmpi slt, %get3A_2, %sign3A_5 : i32
    %sign3A_7 = arith.extui %sign3A_6 : i1 to i32
    %sign3A_8 = arith.subi %sign3A_4, %sign3A_7 : i32
    %sign3A_9 = arith.constant 0 : i32
    %sign3A_10 = arith.cmpi sgt, %jit3A, %sign3A_9 : i32
    %sign3A_11 = arith.extui %sign3A_10 : i1 to i32
    %sign3A_12 = arith.constant 0 : i32
    %sign3A_13 = arith.cmpi slt, %jit3A, %sign3A_12 : i32
    %sign3A_14 = arith.extui %sign3A_13 : i1 to i32
    %sign3A_15 = arith.subi %sign3A_11, %sign3A_14 : i32
    %ne3A = arith.cmpi ne, %sign3A_8, %sign3A_15 : i32
    %rem3A = arith.remsi %get3A_2, %jit3A : i32
    %ne3A_16 = arith.constant 0 : i32
    %ne3A_17 = arith.cmpi ne, %rem3A, %ne3A_16 : i32
    %and3A = arith.andi %ne3A, %ne3A_17 : i1
    %sub3A = arith.constant 1 : i32
    %sub3A_18 = arith.subi %div3A, %sub3A : i32
    %select_n3A = arith.select %and3A, %sub3A_18, %div3A : i32
    %c0_i32 = arith.constant 0 : i32
    %c0_i32_19 = arith.constant 0 : i32
    return %select_n3A, %c0_i32 : i32, i32
  }
  func.func @transform_1(%arg0: i32, %arg1: memref<128xi32, #tpu.memory_space<smem>>) -> (i32, i32) {
    %mul3A = arith.constant 16 : i32
    %mul3A_0 = arith.muli %arg0, %mul3A : i32
    %add3A = arith.constant 1 : i32
    %add3A_1 = arith.addi %mul3A_0, %add3A : i32
    %get3A = arith.index_cast %add3A_1 : i32 to index
    %get3A_2 = memref.load %arg1[%get3A] : memref<128xi32, #tpu.memory_space<smem>>
    %jit3A = arith.constant 8 : i32
    %div3A = arith.divsi %get3A_2, %jit3A : i32
    %sign3A = arith.constant 0 : i32
    %sign3A_3 = arith.cmpi sgt, %get3A_2, %sign3A : i32
    %sign3A_4 = arith.extui %sign3A_3 : i1 to i32
    %sign3A_5 = arith.constant 0 : i32
    %sign3A_6 = arith.cmpi slt, %get3A_2, %sign3A_5 : i32
    %sign3A_7 = arith.extui %sign3A_6 : i1 to i32
    %sign3A_8 = arith.subi %sign3A_4, %sign3A_7 : i32
    %sign3A_9 = arith.constant 0 : i32
    %sign3A_10 = arith.cmpi sgt, %jit3A, %sign3A_9 : i32
    %sign3A_11 = arith.extui %sign3A_10 : i1 to i32
    %sign3A_12 = arith.constant 0 : i32
    %sign3A_13 = arith.cmpi slt, %jit3A, %sign3A_12 : i32
    %sign3A_14 = arith.extui %sign3A_13 : i1 to i32
    %sign3A_15 = arith.subi %sign3A_11, %sign3A_14 : i32
    %ne3A = arith.cmpi ne, %sign3A_8, %sign3A_15 : i32
    %rem3A = arith.remsi %get3A_2, %jit3A : i32
    %ne3A_16 = arith.constant 0 : i32
    %ne3A_17 = arith.cmpi ne, %rem3A, %ne3A_16 : i32
    %and3A = arith.andi %ne3A, %ne3A_17 : i1
    %sub3A = arith.constant 1 : i32
    %sub3A_18 = arith.subi %div3A, %sub3A : i32
    %select_n3A = arith.select %and3A, %sub3A_18, %div3A : i32
    %c0_i32 = arith.constant 0 : i32
    %c0_i32_19 = arith.constant 0 : i32
    return %select_n3A, %c0_i32 : i32, i32
  }
  func.func @transform_2(%arg0: i32, %arg1: memref<128xi32, #tpu.memory_space<smem>>) -> (i32, i32) {
    %mul3A = arith.constant 16 : i32
    %mul3A_0 = arith.muli %arg0, %mul3A : i32
    %add3A = arith.constant 2 : i32
    %add3A_1 = arith.addi %mul3A_0, %add3A : i32
    %get3A = arith.index_cast %add3A_1 : i32 to index
    %get3A_2 = memref.load %arg1[%get3A] : memref<128xi32, #tpu.memory_space<smem>>
    %jit3A = arith.constant 8 : i32
    %div3A = arith.divsi %get3A_2, %jit3A : i32
    %sign3A = arith.constant 0 : i32
    %sign3A_3 = arith.cmpi sgt, %get3A_2, %sign3A : i32
    %sign3A_4 = arith.extui %sign3A_3 : i1 to i32
    %sign3A_5 = arith.constant 0 : i32
    %sign3A_6 = arith.cmpi slt, %get3A_2, %sign3A_5 : i32
    %sign3A_7 = arith.extui %sign3A_6 : i1 to i32
    %sign3A_8 = arith.subi %sign3A_4, %sign3A_7 : i32
    %sign3A_9 = arith.constant 0 : i32
    %sign3A_10 = arith.cmpi sgt, %jit3A, %sign3A_9 : i32
    %sign3A_11 = arith.extui %sign3A_10 : i1 to i32
    %sign3A_12 = arith.constant 0 : i32
    %sign3A_13 = arith.cmpi slt, %jit3A, %sign3A_12 : i32
    %sign3A_14 = arith.extui %sign3A_13 : i1 to i32
    %sign3A_15 = arith.subi %sign3A_11, %sign3A_14 : i32
    %ne3A = arith.cmpi ne, %sign3A_8, %sign3A_15 : i32
    %rem3A = arith.remsi %get3A_2, %jit3A : i32
    %ne3A_16 = arith.constant 0 : i32
    %ne3A_17 = arith.cmpi ne, %rem3A, %ne3A_16 : i32
    %and3A = arith.andi %ne3A, %ne3A_17 : i1
    %sub3A = arith.constant 1 : i32
    %sub3A_18 = arith.subi %div3A, %sub3A : i32
    %select_n3A = arith.select %and3A, %sub3A_18, %div3A : i32
    %c0_i32 = arith.constant 0 : i32
    %c0_i32_19 = arith.constant 0 : i32
    return %select_n3A, %c0_i32 : i32, i32
  }
  func.func @transform_3(%arg0: i32, %arg1: memref<128xi32, #tpu.memory_space<smem>>) -> (i32, i32) {
    %mul3A = arith.constant 16 : i32
    %mul3A_0 = arith.muli %arg0, %mul3A : i32
    %add3A = arith.constant 3 : i32
    %add3A_1 = arith.addi %mul3A_0, %add3A : i32
    %get3A = arith.index_cast %add3A_1 : i32 to index
    %get3A_2 = memref.load %arg1[%get3A] : memref<128xi32, #tpu.memory_space<smem>>
    %jit3A = arith.constant 8 : i32
    %div3A = arith.divsi %get3A_2, %jit3A : i32
    %sign3A = arith.constant 0 : i32
    %sign3A_3 = arith.cmpi sgt, %get3A_2, %sign3A : i32
    %sign3A_4 = arith.extui %sign3A_3 : i1 to i32
    %sign3A_5 = arith.constant 0 : i32
    %sign3A_6 = arith.cmpi slt, %get3A_2, %sign3A_5 : i32
    %sign3A_7 = arith.extui %sign3A_6 : i1 to i32
    %sign3A_8 = arith.subi %sign3A_4, %sign3A_7 : i32
    %sign3A_9 = arith.constant 0 : i32
    %sign3A_10 = arith.cmpi sgt, %jit3A, %sign3A_9 : i32
    %sign3A_11 = arith.extui %sign3A_10 : i1 to i32
    %sign3A_12 = arith.constant 0 : i32
    %sign3A_13 = arith.cmpi slt, %jit3A, %sign3A_12 : i32
    %sign3A_14 = arith.extui %sign3A_13 : i1 to i32
    %sign3A_15 = arith.subi %sign3A_11, %sign3A_14 : i32
    %ne3A = arith.cmpi ne, %sign3A_8, %sign3A_15 : i32
    %rem3A = arith.remsi %get3A_2, %jit3A : i32
    %ne3A_16 = arith.constant 0 : i32
    %ne3A_17 = arith.cmpi ne, %rem3A, %ne3A_16 : i32
    %and3A = arith.andi %ne3A, %ne3A_17 : i1
    %sub3A = arith.constant 1 : i32
    %sub3A_18 = arith.subi %div3A, %sub3A : i32
    %select_n3A = arith.select %and3A, %sub3A_18, %div3A : i32
    %c0_i32 = arith.constant 0 : i32
    %c0_i32_19 = arith.constant 0 : i32
    return %select_n3A, %c0_i32 : i32, i32
  }
  func.func @transform_4(%arg0: i32, %arg1: memref<128xi32, #tpu.memory_space<smem>>) -> (i32, i32) {
    %mul3A = arith.constant 16 : i32
    %mul3A_0 = arith.muli %arg0, %mul3A : i32
    %add3A = arith.constant 4 : i32
    %add3A_1 = arith.addi %mul3A_0, %add3A : i32
    %get3A = arith.index_cast %add3A_1 : i32 to index
    %get3A_2 = memref.load %arg1[%get3A] : memref<128xi32, #tpu.memory_space<smem>>
    %jit3A = arith.constant 8 : i32
    %div3A = arith.divsi %get3A_2, %jit3A : i32
    %sign3A = arith.constant 0 : i32
    %sign3A_3 = arith.cmpi sgt, %get3A_2, %sign3A : i32
    %sign3A_4 = arith.extui %sign3A_3 : i1 to i32
    %sign3A_5 = arith.constant 0 : i32
    %sign3A_6 = arith.cmpi slt, %get3A_2, %sign3A_5 : i32
    %sign3A_7 = arith.extui %sign3A_6 : i1 to i32
    %sign3A_8 = arith.subi %sign3A_4, %sign3A_7 : i32
    %sign3A_9 = arith.constant 0 : i32
    %sign3A_10 = arith.cmpi sgt, %jit3A, %sign3A_9 : i32
    %sign3A_11 = arith.extui %sign3A_10 : i1 to i32
    %sign3A_12 = arith.constant 0 : i32
    %sign3A_13 = arith.cmpi slt, %jit3A, %sign3A_12 : i32
    %sign3A_14 = arith.extui %sign3A_13 : i1 to i32
    %sign3A_15 = arith.subi %sign3A_11, %sign3A_14 : i32
    %ne3A = arith.cmpi ne, %sign3A_8, %sign3A_15 : i32
    %rem3A = arith.remsi %get3A_2, %jit3A : i32
    %ne3A_16 = arith.constant 0 : i32
    %ne3A_17 = arith.cmpi ne, %rem3A, %ne3A_16 : i32
    %and3A = arith.andi %ne3A, %ne3A_17 : i1
    %sub3A = arith.constant 1 : i32
    %sub3A_18 = arith.subi %div3A, %sub3A : i32
    %select_n3A = arith.select %and3A, %sub3A_18, %div3A : i32
    %c0_i32 = arith.constant 0 : i32
    %c0_i32_19 = arith.constant 0 : i32
    return %select_n3A, %c0_i32 : i32, i32
  }
  func.func @transform_5(%arg0: i32, %arg1: memref<128xi32, #tpu.memory_space<smem>>) -> (i32, i32) {
    %mul3A = arith.constant 16 : i32
    %mul3A_0 = arith.muli %arg0, %mul3A : i32
    %add3A = arith.constant 5 : i32
    %add3A_1 = arith.addi %mul3A_0, %add3A : i32
    %get3A = arith.index_cast %add3A_1 : i32 to index
    %get3A_2 = memref.load %arg1[%get3A] : memref<128xi32, #tpu.memory_space<smem>>
    %jit3A = arith.constant 8 : i32
    %div3A = arith.divsi %get3A_2, %jit3A : i32
    %sign3A = arith.constant 0 : i32
    %sign3A_3 = arith.cmpi sgt, %get3A_2, %sign3A : i32
    %sign3A_4 = arith.extui %sign3A_3 : i1 to i32
    %sign3A_5 = arith.constant 0 : i32
    %sign3A_6 = arith.cmpi slt, %get3A_2, %sign3A_5 : i32
    %sign3A_7 = arith.extui %sign3A_6 : i1 to i32
    %sign3A_8 = arith.subi %sign3A_4, %sign3A_7 : i32
    %sign3A_9 = arith.constant 0 : i32
    %sign3A_10 = arith.cmpi sgt, %jit3A, %sign3A_9 : i32
    %sign3A_11 = arith.extui %sign3A_10 : i1 to i32
    %sign3A_12 = arith.constant 0 : i32
    %sign3A_13 = arith.cmpi slt, %jit3A, %sign3A_12 : i32
    %sign3A_14 = arith.extui %sign3A_13 : i1 to i32
    %sign3A_15 = arith.subi %sign3A_11, %sign3A_14 : i32
    %ne3A = arith.cmpi ne, %sign3A_8, %sign3A_15 : i32
    %rem3A = arith.remsi %get3A_2, %jit3A : i32
    %ne3A_16 = arith.constant 0 : i32
    %ne3A_17 = arith.cmpi ne, %rem3A, %ne3A_16 : i32
    %and3A = arith.andi %ne3A, %ne3A_17 : i1
    %sub3A = arith.constant 1 : i32
    %sub3A_18 = arith.subi %div3A, %sub3A : i32
    %select_n3A = arith.select %and3A, %sub3A_18, %div3A : i32
    %c0_i32 = arith.constant 0 : i32
    %c0_i32_19 = arith.constant 0 : i32
    return %select_n3A, %c0_i32 : i32, i32
  }
  func.func @transform_6(%arg0: i32, %arg1: memref<128xi32, #tpu.memory_space<smem>>) -> (i32, i32) {
    %mul3A = arith.constant 16 : i32
    %mul3A_0 = arith.muli %arg0, %mul3A : i32
    %add3A = arith.constant 6 : i32
    %add3A_1 = arith.addi %mul3A_0, %add3A : i32
    %get3A = arith.index_cast %add3A_1 : i32 to index
    %get3A_2 = memref.load %arg1[%get3A] : memref<128xi32, #tpu.memory_space<smem>>
    %jit3A = arith.constant 8 : i32
    %div3A = arith.divsi %get3A_2, %jit3A : i32
    %sign3A = arith.constant 0 : i32
    %sign3A_3 = arith.cmpi sgt, %get3A_2, %sign3A : i32
    %sign3A_4 = arith.extui %sign3A_3 : i1 to i32
    %sign3A_5 = arith.constant 0 : i32
    %sign3A_6 = arith.cmpi slt, %get3A_2, %sign3A_5 : i32
    %sign3A_7 = arith.extui %sign3A_6 : i1 to i32
    %sign3A_8 = arith.subi %sign3A_4, %sign3A_7 : i32
    %sign3A_9 = arith.constant 0 : i32
    %sign3A_10 = arith.cmpi sgt, %jit3A, %sign3A_9 : i32
    %sign3A_11 = arith.extui %sign3A_10 : i1 to i32
    %sign3A_12 = arith.constant 0 : i32
    %sign3A_13 = arith.cmpi slt, %jit3A, %sign3A_12 : i32
    %sign3A_14 = arith.extui %sign3A_13 : i1 to i32
    %sign3A_15 = arith.subi %sign3A_11, %sign3A_14 : i32
    %ne3A = arith.cmpi ne, %sign3A_8, %sign3A_15 : i32
    %rem3A = arith.remsi %get3A_2, %jit3A : i32
    %ne3A_16 = arith.constant 0 : i32
    %ne3A_17 = arith.cmpi ne, %rem3A, %ne3A_16 : i32
    %and3A = arith.andi %ne3A, %ne3A_17 : i1
    %sub3A = arith.constant 1 : i32
    %sub3A_18 = arith.subi %div3A, %sub3A : i32
    %select_n3A = arith.select %and3A, %sub3A_18, %div3A : i32
    %c0_i32 = arith.constant 0 : i32
    %c0_i32_19 = arith.constant 0 : i32
    return %select_n3A, %c0_i32 : i32, i32
  }
  func.func @transform_7(%arg0: i32, %arg1: memref<128xi32, #tpu.memory_space<smem>>) -> (i32, i32) {
    %mul3A = arith.constant 16 : i32
    %mul3A_0 = arith.muli %arg0, %mul3A : i32
    %add3A = arith.constant 7 : i32
    %add3A_1 = arith.addi %mul3A_0, %add3A : i32
    %get3A = arith.index_cast %add3A_1 : i32 to index
    %get3A_2 = memref.load %arg1[%get3A] : memref<128xi32, #tpu.memory_space<smem>>
    %jit3A = arith.constant 8 : i32
    %div3A = arith.divsi %get3A_2, %jit3A : i32
    %sign3A = arith.constant 0 : i32
    %sign3A_3 = arith.cmpi sgt, %get3A_2, %sign3A : i32
    %sign3A_4 = arith.extui %sign3A_3 : i1 to i32
    %sign3A_5 = arith.constant 0 : i32
    %sign3A_6 = arith.cmpi slt, %get3A_2, %sign3A_5 : i32
    %sign3A_7 = arith.extui %sign3A_6 : i1 to i32
    %sign3A_8 = arith.subi %sign3A_4, %sign3A_7 : i32
    %sign3A_9 = arith.constant 0 : i32
    %sign3A_10 = arith.cmpi sgt, %jit3A, %sign3A_9 : i32
    %sign3A_11 = arith.extui %sign3A_10 : i1 to i32
    %sign3A_12 = arith.constant 0 : i32
    %sign3A_13 = arith.cmpi slt, %jit3A, %sign3A_12 : i32
    %sign3A_14 = arith.extui %sign3A_13 : i1 to i32
    %sign3A_15 = arith.subi %sign3A_11, %sign3A_14 : i32
    %ne3A = arith.cmpi ne, %sign3A_8, %sign3A_15 : i32
    %rem3A = arith.remsi %get3A_2, %jit3A : i32
    %ne3A_16 = arith.constant 0 : i32
    %ne3A_17 = arith.cmpi ne, %rem3A, %ne3A_16 : i32
    %and3A = arith.andi %ne3A, %ne3A_17 : i1
    %sub3A = arith.constant 1 : i32
    %sub3A_18 = arith.subi %div3A, %sub3A : i32
    %select_n3A = arith.select %and3A, %sub3A_18, %div3A : i32
    %c0_i32 = arith.constant 0 : i32
    %c0_i32_19 = arith.constant 0 : i32
    return %select_n3A, %c0_i32 : i32, i32
  }
  func.func @transform_8(%arg0: i32, %arg1: memref<128xi32, #tpu.memory_space<smem>>) -> (i32, i32) {
    %mul3A = arith.constant 16 : i32
    %mul3A_0 = arith.muli %arg0, %mul3A : i32
    %add3A = arith.constant 8 : i32
    %add3A_1 = arith.addi %mul3A_0, %add3A : i32
    %get3A = arith.index_cast %add3A_1 : i32 to index
    %get3A_2 = memref.load %arg1[%get3A] : memref<128xi32, #tpu.memory_space<smem>>
    %jit3A = arith.constant 8 : i32
    %div3A = arith.divsi %get3A_2, %jit3A : i32
    %sign3A = arith.constant 0 : i32
    %sign3A_3 = arith.cmpi sgt, %get3A_2, %sign3A : i32
    %sign3A_4 = arith.extui %sign3A_3 : i1 to i32
    %sign3A_5 = arith.constant 0 : i32
    %sign3A_6 = arith.cmpi slt, %get3A_2, %sign3A_5 : i32
    %sign3A_7 = arith.extui %sign3A_6 : i1 to i32
    %sign3A_8 = arith.subi %sign3A_4, %sign3A_7 : i32
    %sign3A_9 = arith.constant 0 : i32
    %sign3A_10 = arith.cmpi sgt, %jit3A, %sign3A_9 : i32
    %sign3A_11 = arith.extui %sign3A_10 : i1 to i32
    %sign3A_12 = arith.constant 0 : i32
    %sign3A_13 = arith.cmpi slt, %jit3A, %sign3A_12 : i32
    %sign3A_14 = arith.extui %sign3A_13 : i1 to i32
    %sign3A_15 = arith.subi %sign3A_11, %sign3A_14 : i32
    %ne3A = arith.cmpi ne, %sign3A_8, %sign3A_15 : i32
    %rem3A = arith.remsi %get3A_2, %jit3A : i32
    %ne3A_16 = arith.constant 0 : i32
    %ne3A_17 = arith.cmpi ne, %rem3A, %ne3A_16 : i32
    %and3A = arith.andi %ne3A, %ne3A_17 : i1
    %sub3A = arith.constant 1 : i32
    %sub3A_18 = arith.subi %div3A, %sub3A : i32
    %select_n3A = arith.select %and3A, %sub3A_18, %div3A : i32
    %c0_i32 = arith.constant 0 : i32
    %c0_i32_19 = arith.constant 0 : i32
    return %select_n3A, %c0_i32 : i32, i32
  }
  func.func @transform_9(%arg0: i32, %arg1: memref<128xi32, #tpu.memory_space<smem>>) -> (i32, i32) {
    %mul3A = arith.constant 16 : i32
    %mul3A_0 = arith.muli %arg0, %mul3A : i32
    %add3A = arith.constant 9 : i32
    %add3A_1 = arith.addi %mul3A_0, %add3A : i32
    %get3A = arith.index_cast %add3A_1 : i32 to index
    %get3A_2 = memref.load %arg1[%get3A] : memref<128xi32, #tpu.memory_space<smem>>
    %jit3A = arith.constant 8 : i32
    %div3A = arith.divsi %get3A_2, %jit3A : i32
    %sign3A = arith.constant 0 : i32
    %sign3A_3 = arith.cmpi sgt, %get3A_2, %sign3A : i32
    %sign3A_4 = arith.extui %sign3A_3 : i1 to i32
    %sign3A_5 = arith.constant 0 : i32
    %sign3A_6 = arith.cmpi slt, %get3A_2, %sign3A_5 : i32
    %sign3A_7 = arith.extui %sign3A_6 : i1 to i32
    %sign3A_8 = arith.subi %sign3A_4, %sign3A_7 : i32
    %sign3A_9 = arith.constant 0 : i32
    %sign3A_10 = arith.cmpi sgt, %jit3A, %sign3A_9 : i32
    %sign3A_11 = arith.extui %sign3A_10 : i1 to i32
    %sign3A_12 = arith.constant 0 : i32
    %sign3A_13 = arith.cmpi slt, %jit3A, %sign3A_12 : i32
    %sign3A_14 = arith.extui %sign3A_13 : i1 to i32
    %sign3A_15 = arith.subi %sign3A_11, %sign3A_14 : i32
    %ne3A = arith.cmpi ne, %sign3A_8, %sign3A_15 : i32
    %rem3A = arith.remsi %get3A_2, %jit3A : i32
    %ne3A_16 = arith.constant 0 : i32
    %ne3A_17 = arith.cmpi ne, %rem3A, %ne3A_16 : i32
    %and3A = arith.andi %ne3A, %ne3A_17 : i1
    %sub3A = arith.constant 1 : i32
    %sub3A_18 = arith.subi %div3A, %sub3A : i32
    %select_n3A = arith.select %and3A, %sub3A_18, %div3A : i32
    %c0_i32 = arith.constant 0 : i32
    %c0_i32_19 = arith.constant 0 : i32
    return %select_n3A, %c0_i32 : i32, i32
  }
  func.func @transform_10(%arg0: i32, %arg1: memref<128xi32, #tpu.memory_space<smem>>) -> (i32, i32) {
    %mul3A = arith.constant 16 : i32
    %mul3A_0 = arith.muli %arg0, %mul3A : i32
    %add3A = arith.constant 10 : i32
    %add3A_1 = arith.addi %mul3A_0, %add3A : i32
    %get3A = arith.index_cast %add3A_1 : i32 to index
    %get3A_2 = memref.load %arg1[%get3A] : memref<128xi32, #tpu.memory_space<smem>>
    %jit3A = arith.constant 8 : i32
    %div3A = arith.divsi %get3A_2, %jit3A : i32
    %sign3A = arith.constant 0 : i32
    %sign3A_3 = arith.cmpi sgt, %get3A_2, %sign3A : i32
    %sign3A_4 = arith.extui %sign3A_3 : i1 to i32
    %sign3A_5 = arith.constant 0 : i32
    %sign3A_6 = arith.cmpi slt, %get3A_2, %sign3A_5 : i32
    %sign3A_7 = arith.extui %sign3A_6 : i1 to i32
    %sign3A_8 = arith.subi %sign3A_4, %sign3A_7 : i32
    %sign3A_9 = arith.constant 0 : i32
    %sign3A_10 = arith.cmpi sgt, %jit3A, %sign3A_9 : i32
    %sign3A_11 = arith.extui %sign3A_10 : i1 to i32
    %sign3A_12 = arith.constant 0 : i32
    %sign3A_13 = arith.cmpi slt, %jit3A, %sign3A_12 : i32
    %sign3A_14 = arith.extui %sign3A_13 : i1 to i32
    %sign3A_15 = arith.subi %sign3A_11, %sign3A_14 : i32
    %ne3A = arith.cmpi ne, %sign3A_8, %sign3A_15 : i32
    %rem3A = arith.remsi %get3A_2, %jit3A : i32
    %ne3A_16 = arith.constant 0 : i32
    %ne3A_17 = arith.cmpi ne, %rem3A, %ne3A_16 : i32
    %and3A = arith.andi %ne3A, %ne3A_17 : i1
    %sub3A = arith.constant 1 : i32
    %sub3A_18 = arith.subi %div3A, %sub3A : i32
    %select_n3A = arith.select %and3A, %sub3A_18, %div3A : i32
    %c0_i32 = arith.constant 0 : i32
    %c0_i32_19 = arith.constant 0 : i32
    return %select_n3A, %c0_i32 : i32, i32
  }
  func.func @transform_11(%arg0: i32, %arg1: memref<128xi32, #tpu.memory_space<smem>>) -> (i32, i32) {
    %mul3A = arith.constant 16 : i32
    %mul3A_0 = arith.muli %arg0, %mul3A : i32
    %add3A = arith.constant 11 : i32
    %add3A_1 = arith.addi %mul3A_0, %add3A : i32
    %get3A = arith.index_cast %add3A_1 : i32 to index
    %get3A_2 = memref.load %arg1[%get3A] : memref<128xi32, #tpu.memory_space<smem>>
    %jit3A = arith.constant 8 : i32
    %div3A = arith.divsi %get3A_2, %jit3A : i32
    %sign3A = arith.constant 0 : i32
    %sign3A_3 = arith.cmpi sgt, %get3A_2, %sign3A : i32
    %sign3A_4 = arith.extui %sign3A_3 : i1 to i32
    %sign3A_5 = arith.constant 0 : i32
    %sign3A_6 = arith.cmpi slt, %get3A_2, %sign3A_5 : i32
    %sign3A_7 = arith.extui %sign3A_6 : i1 to i32
    %sign3A_8 = arith.subi %sign3A_4, %sign3A_7 : i32
    %sign3A_9 = arith.constant 0 : i32
    %sign3A_10 = arith.cmpi sgt, %jit3A, %sign3A_9 : i32
    %sign3A_11 = arith.extui %sign3A_10 : i1 to i32
    %sign3A_12 = arith.constant 0 : i32
    %sign3A_13 = arith.cmpi slt, %jit3A, %sign3A_12 : i32
    %sign3A_14 = arith.extui %sign3A_13 : i1 to i32
    %sign3A_15 = arith.subi %sign3A_11, %sign3A_14 : i32
    %ne3A = arith.cmpi ne, %sign3A_8, %sign3A_15 : i32
    %rem3A = arith.remsi %get3A_2, %jit3A : i32
    %ne3A_16 = arith.constant 0 : i32
    %ne3A_17 = arith.cmpi ne, %rem3A, %ne3A_16 : i32
    %and3A = arith.andi %ne3A, %ne3A_17 : i1
    %sub3A = arith.constant 1 : i32
    %sub3A_18 = arith.subi %div3A, %sub3A : i32
    %select_n3A = arith.select %and3A, %sub3A_18, %div3A : i32
    %c0_i32 = arith.constant 0 : i32
    %c0_i32_19 = arith.constant 0 : i32
    return %select_n3A, %c0_i32 : i32, i32
  }
  func.func @transform_12(%arg0: i32, %arg1: memref<128xi32, #tpu.memory_space<smem>>) -> (i32, i32) {
    %mul3A = arith.constant 16 : i32
    %mul3A_0 = arith.muli %arg0, %mul3A : i32
    %add3A = arith.constant 12 : i32
    %add3A_1 = arith.addi %mul3A_0, %add3A : i32
    %get3A = arith.index_cast %add3A_1 : i32 to index
    %get3A_2 = memref.load %arg1[%get3A] : memref<128xi32, #tpu.memory_space<smem>>
    %jit3A = arith.constant 8 : i32
    %div3A = arith.divsi %get3A_2, %jit3A : i32
    %sign3A = arith.constant 0 : i32
    %sign3A_3 = arith.cmpi sgt, %get3A_2, %sign3A : i32
    %sign3A_4 = arith.extui %sign3A_3 : i1 to i32
    %sign3A_5 = arith.constant 0 : i32
    %sign3A_6 = arith.cmpi slt, %get3A_2, %sign3A_5 : i32
    %sign3A_7 = arith.extui %sign3A_6 : i1 to i32
    %sign3A_8 = arith.subi %sign3A_4, %sign3A_7 : i32
    %sign3A_9 = arith.constant 0 : i32
    %sign3A_10 = arith.cmpi sgt, %jit3A, %sign3A_9 : i32
    %sign3A_11 = arith.extui %sign3A_10 : i1 to i32
    %sign3A_12 = arith.constant 0 : i32
    %sign3A_13 = arith.cmpi slt, %jit3A, %sign3A_12 : i32
    %sign3A_14 = arith.extui %sign3A_13 : i1 to i32
    %sign3A_15 = arith.subi %sign3A_11, %sign3A_14 : i32
    %ne3A = arith.cmpi ne, %sign3A_8, %sign3A_15 : i32
    %rem3A = arith.remsi %get3A_2, %jit3A : i32
    %ne3A_16 = arith.constant 0 : i32
    %ne3A_17 = arith.cmpi ne, %rem3A, %ne3A_16 : i32
    %and3A = arith.andi %ne3A, %ne3A_17 : i1
    %sub3A = arith.constant 1 : i32
    %sub3A_18 = arith.subi %div3A, %sub3A : i32
    %select_n3A = arith.select %and3A, %sub3A_18, %div3A : i32
    %c0_i32 = arith.constant 0 : i32
    %c0_i32_19 = arith.constant 0 : i32
    return %select_n3A, %c0_i32 : i32, i32
  }
  func.func @transform_13(%arg0: i32, %arg1: memref<128xi32, #tpu.memory_space<smem>>) -> (i32, i32) {
    %mul3A = arith.constant 16 : i32
    %mul3A_0 = arith.muli %arg0, %mul3A : i32
    %add3A = arith.constant 13 : i32
    %add3A_1 = arith.addi %mul3A_0, %add3A : i32
    %get3A = arith.index_cast %add3A_1 : i32 to index
    %get3A_2 = memref.load %arg1[%get3A] : memref<128xi32, #tpu.memory_space<smem>>
    %jit3A = arith.constant 8 : i32
    %div3A = arith.divsi %get3A_2, %jit3A : i32
    %sign3A = arith.constant 0 : i32
    %sign3A_3 = arith.cmpi sgt, %get3A_2, %sign3A : i32
    %sign3A_4 = arith.extui %sign3A_3 : i1 to i32
    %sign3A_5 = arith.constant 0 : i32
    %sign3A_6 = arith.cmpi slt, %get3A_2, %sign3A_5 : i32
    %sign3A_7 = arith.extui %sign3A_6 : i1 to i32
    %sign3A_8 = arith.subi %sign3A_4, %sign3A_7 : i32
    %sign3A_9 = arith.constant 0 : i32
    %sign3A_10 = arith.cmpi sgt, %jit3A, %sign3A_9 : i32
    %sign3A_11 = arith.extui %sign3A_10 : i1 to i32
    %sign3A_12 = arith.constant 0 : i32
    %sign3A_13 = arith.cmpi slt, %jit3A, %sign3A_12 : i32
    %sign3A_14 = arith.extui %sign3A_13 : i1 to i32
    %sign3A_15 = arith.subi %sign3A_11, %sign3A_14 : i32
    %ne3A = arith.cmpi ne, %sign3A_8, %sign3A_15 : i32
    %rem3A = arith.remsi %get3A_2, %jit3A : i32
    %ne3A_16 = arith.constant 0 : i32
    %ne3A_17 = arith.cmpi ne, %rem3A, %ne3A_16 : i32
    %and3A = arith.andi %ne3A, %ne3A_17 : i1
    %sub3A = arith.constant 1 : i32
    %sub3A_18 = arith.subi %div3A, %sub3A : i32
    %select_n3A = arith.select %and3A, %sub3A_18, %div3A : i32
    %c0_i32 = arith.constant 0 : i32
    %c0_i32_19 = arith.constant 0 : i32
    return %select_n3A, %c0_i32 : i32, i32
  }
  func.func @transform_14(%arg0: i32, %arg1: memref<128xi32, #tpu.memory_space<smem>>) -> (i32, i32) {
    %mul3A = arith.constant 16 : i32
    %mul3A_0 = arith.muli %arg0, %mul3A : i32
    %add3A = arith.constant 14 : i32
    %add3A_1 = arith.addi %mul3A_0, %add3A : i32
    %get3A = arith.index_cast %add3A_1 : i32 to index
    %get3A_2 = memref.load %arg1[%get3A] : memref<128xi32, #tpu.memory_space<smem>>
    %jit3A = arith.constant 8 : i32
    %div3A = arith.divsi %get3A_2, %jit3A : i32
    %sign3A = arith.constant 0 : i32
    %sign3A_3 = arith.cmpi sgt, %get3A_2, %sign3A : i32
    %sign3A_4 = arith.extui %sign3A_3 : i1 to i32
    %sign3A_5 = arith.constant 0 : i32
    %sign3A_6 = arith.cmpi slt, %get3A_2, %sign3A_5 : i32
    %sign3A_7 = arith.extui %sign3A_6 : i1 to i32
    %sign3A_8 = arith.subi %sign3A_4, %sign3A_7 : i32
    %sign3A_9 = arith.constant 0 : i32
    %sign3A_10 = arith.cmpi sgt, %jit3A, %sign3A_9 : i32
    %sign3A_11 = arith.extui %sign3A_10 : i1 to i32
    %sign3A_12 = arith.constant 0 : i32
    %sign3A_13 = arith.cmpi slt, %jit3A, %sign3A_12 : i32
    %sign3A_14 = arith.extui %sign3A_13 : i1 to i32
    %sign3A_15 = arith.subi %sign3A_11, %sign3A_14 : i32
    %ne3A = arith.cmpi ne, %sign3A_8, %sign3A_15 : i32
    %rem3A = arith.remsi %get3A_2, %jit3A : i32
    %ne3A_16 = arith.constant 0 : i32
    %ne3A_17 = arith.cmpi ne, %rem3A, %ne3A_16 : i32
    %and3A = arith.andi %ne3A, %ne3A_17 : i1
    %sub3A = arith.constant 1 : i32
    %sub3A_18 = arith.subi %div3A, %sub3A : i32
    %select_n3A = arith.select %and3A, %sub3A_18, %div3A : i32
    %c0_i32 = arith.constant 0 : i32
    %c0_i32_19 = arith.constant 0 : i32
    return %select_n3A, %c0_i32 : i32, i32
  }
  func.func @transform_15(%arg0: i32, %arg1: memref<128xi32, #tpu.memory_space<smem>>) -> (i32, i32) {
    %mul3A = arith.constant 16 : i32
    %mul3A_0 = arith.muli %arg0, %mul3A : i32
    %add3A = arith.constant 15 : i32
    %add3A_1 = arith.addi %mul3A_0, %add3A : i32
    %get3A = arith.index_cast %add3A_1 : i32 to index
    %get3A_2 = memref.load %arg1[%get3A] : memref<128xi32, #tpu.memory_space<smem>>
    %jit3A = arith.constant 8 : i32
    %div3A = arith.divsi %get3A_2, %jit3A : i32
    %sign3A = arith.constant 0 : i32
    %sign3A_3 = arith.cmpi sgt, %get3A_2, %sign3A : i32
    %sign3A_4 = arith.extui %sign3A_3 : i1 to i32
    %sign3A_5 = arith.constant 0 : i32
    %sign3A_6 = arith.cmpi slt, %get3A_2, %sign3A_5 : i32
    %sign3A_7 = arith.extui %sign3A_6 : i1 to i32
    %sign3A_8 = arith.subi %sign3A_4, %sign3A_7 : i32
    %sign3A_9 = arith.constant 0 : i32
    %sign3A_10 = arith.cmpi sgt, %jit3A, %sign3A_9 : i32
    %sign3A_11 = arith.extui %sign3A_10 : i1 to i32
    %sign3A_12 = arith.constant 0 : i32
    %sign3A_13 = arith.cmpi slt, %jit3A, %sign3A_12 : i32
    %sign3A_14 = arith.extui %sign3A_13 : i1 to i32
    %sign3A_15 = arith.subi %sign3A_11, %sign3A_14 : i32
    %ne3A = arith.cmpi ne, %sign3A_8, %sign3A_15 : i32
    %rem3A = arith.remsi %get3A_2, %jit3A : i32
    %ne3A_16 = arith.constant 0 : i32
    %ne3A_17 = arith.cmpi ne, %rem3A, %ne3A_16 : i32
    %and3A = arith.andi %ne3A, %ne3A_17 : i1
    %sub3A = arith.constant 1 : i32
    %sub3A_18 = arith.subi %div3A, %sub3A : i32
    %select_n3A = arith.select %and3A, %sub3A_18, %div3A : i32
    %c0_i32 = arith.constant 0 : i32
    %c0_i32_19 = arith.constant 0 : i32
    return %select_n3A, %c0_i32 : i32, i32
  }
  func.func @transform_16(%arg0: i32, %arg1: memref<128xi32, #tpu.memory_space<smem>>) -> (i32, i32, i32) {
    %c0_i32 = arith.constant 0 : i32
    %c0_i32_0 = arith.constant 0 : i32
    %c0_i32_1 = arith.constant 0 : i32
    return %arg0, %c0_i32, %c0_i32_0 : i32, i32, i32
  }
}

</mosaic_0001>

<sc_bundles>
// kernel: kernel.5.cloned.1.call-start
scs
__scs_entry_jumppad:
0x0: {  	(pc) =	sbr.rel $0x88, $3  }
0x1: {  	(tag) =	ssettag $0x0;
	lr =	simm.s32 $0x1  }
0x2: {  	[smem:$0x3F9F] =	sst lr;
	_ =	strace $0xD0000000  }
0x3: {  	_ = 	snop  }
0x4: {  	_ = 	snop  }
0x5: {  	_ = 	snop  }
0x6: {  	_ = 	snop  }
0x7: {  	_ = 	snop  }
__scs_overlays_trampoline_lowered:
0x8: {  	[smem:$0x3FAE] =	sst s0  }
0x9: {  	[smem:$0x3FAF] =	sst s1  }
0xa: {  	[smem:$0x3FB0] =	sst s2  }
0xb: {  	[smem:$0x3FB1] =	sst s3  }
0xc: {  	[smem:$0x3FB2] =	sst s4  }
0xd: {  	[smem:$0x3FB3] =	sst s5  }
0xe: {  	[smem:$0x3FB4] =	sst s6  }
0xf: {  	[smem:$0x3FB5] =	sst s7  }
0x10: {  	[smem:$0x3FB6] =	sst s8  }
0x11: {  	[smem:$0x3FB7] =	sst s9;
	s0 =	simm.s32 @!p0 $0x0  }
0x12: {  	s1 =	sld [smem:$0x3F9D];
	s0 =	simm.s32 @p0 $0x1  }
0x13: {  	[smem:$0x3FB8] =	sst s0;
	s0 =	simm.s32 @!p1 $0x0  }
0x14: {  	s2 =	sld [smem:$0x3F9C];
	s0 =	simm.s32 @p1 $0x1  }
0x15: {  	[smem:$0x3FB9] =	sst s0;
	s0 =	simm.s32 @!p2 $0x0  }
0x16: {  	s3 =	sld [smem:$0x3FDB];
	s0 =	simm.s32 @p2 $0x1  }
0x17: {  	s4 =	simm.s32 $0x1BF5;
	[smem:$0x3FBB] =	sst s0  }
0x18: {  	s0 =	sld [smem:$0x3F9E];
	_ =	swait.ge [sflag:s4], $0x0  }
0x19: {  	s7 =	sld [smem:$0x3F9F]  }
0x1a: {  	s8 =	sadd.s32 $0xFFFFE003, lr  }
0x1b: {  	s9 =	sadd.s32 $0xFFFFFEF7, lr;
	s5 =	simm.s32 $0xFFFFFFFF;
	p2 =	slt.u32 s8, $0xFFFFF086  }
0x1c: {  	p1 =	slt.u32 s9, $0xF7A;
	s5 =	simm.s32 @!p2 $0x0  }
0x1d: {  	s5 =	simm.s32 @p1 $0x1;
	p0 =	seq.s32 s7, s2  }
0x1e: {  	s7 =	smul.u32 @!p0 $0xF7A, s2;
	p2 =	seq.s32 @!p0 s5, $0x0  }
0x1f: {  	s9 =	smul.u32 $0xF7A, s1;
	s8 =	simm.s32 @!p0 $0x1BF5;
	p2 =	por !p2, p0  }
0x20: {  	[sflag:s8] =	ssyncset.s32 @!p0 $0xFFFFF086;
	s6 =	sadd.s32 @!p0 s3, s7;
	s7 =	simm.s32 @!p0 $0x108  }
0x21: {  	s3 =	sadd.s32 s3, s9;
	s6 =	sadd.s32 @!p0 $0x88, s6;
	s7 =	simm.s32 @p2 $0x1082  }
0x22: {  	[simem:s7], [sflag:s8] =	dma.local @!p0 [hbm:s6], $0xF7A  }
0x23: {  	s9 =	sor.u32 $0xD0000000, s2;
	s6 =	simm.s32 $0x108;
	_ =	swait.ge @!p0 [sflag:s8], $0x0  }
0x24: {  	s3 =	sadd.s32 $0x88, s3;
	s6 =	simm.s32 @!p1 $0x1082;
	[sflag:s4] =	ssyncset.s32 $0xFFFFF086  }
0x25: {  	[simem:s6], [sflag:s4] =	dma.local [hbm:s3], $0xF7A  }
0x26: {  	[smem:$0x3F9F] =	sst s1;
	(tag) =	ssettag s2;
	_ =	strace s9  }
0x27: {  	s1 =	sld [smem:$0x3FAF]  }
0x28: {  	s2 =	sld [smem:$0x3FB0]  }
0x29: {  	s4 =	sld [smem:$0x3FB2]  }
0x2a: {  	p0 =	seq.s32 s5, $0x0;
	s5 =	sld [smem:$0x3FB3]  }
0x2b: {  	s6 =	sld [smem:$0x3FB4]  }
0x2c: {  	s7 =	sld [smem:$0x3FB5]  }
0x2d: {  	s3 =	simm.s32 $0x108;
	s8 =	sld [smem:$0x3FB6]  }
0x2e: {  	s3 =	simm.s32 @!p0 $0x1082;
	s9 =	sld [smem:$0x3FB7]  }
0x2f: {  	lr =	sadd.s32 s0, s3;
	s0 =	sld [smem:$0x3FAE]  }
0x30: {  	s3 =	sld [smem:$0x3FB1]  }
0x31: {  	[smem:$0x3FBA] =	sst s10  }
0x32: {  	s10 =	sld [smem:$0x3FB8];
	_ =	sdelay $0x3  }
0x33: {  	p0 =	seq.s32 s10, $0x1;
	s10 =	sld [smem:$0x3FBA];
	_ =	sdelay $0x3  }
0x34: {  	[smem:$0x3FBA] =	sst s10  }
0x35: {  	s10 =	sld [smem:$0x3FB9];
	_ =	sdelay $0x3  }
0x36: {  	p1 =	seq.s32 s10, $0x1;
	s10 =	sld [smem:$0x3FBA];
	_ =	sdelay $0x3  }
0x37: {  	[smem:$0x3FBA] =	sst s10  }
0x38: {  	s10 =	sld [smem:$0x3FBB]  }
0x39: {  	_ = 	snop;
	(pc) =	sbr.ind lr, $3  }
0x3a: {  	_ = 	snop  }
0x3b: {  	_ = 	snop  }
0x3c: {  	p2 =	seq.s32 s10, $0x1;
	s10 =	sld [smem:$0x3FBA]  }
0x3d: {  	_ =	shalt  }
0x3e: {  	_ =	shalt  }
0x3f: {  	_ =	shalt  }
0x40: {  	_ =	shalt  }
0x41: {  	_ =	shalt  }
0x42: {  	_ =	shalt  }
0x43: {  	_ =	shalt  }
0x44: {  	_ =	shalt  }
0x45: {  	_ =	shalt  }
0x46: {  	_ =	shalt  }
0x47: {  	_ =	shalt  }
0x48: {  	_ =	shalt  }
0x49: {  	_ =	shalt  }
0x4a: {  	_ =	shalt  }
0x4b: {  	_ =	shalt  }
0x4c: {  	_ =	shalt  }
0x4d: {  	_ =	shalt  }
0x4e: {  	_ =	shalt  }
0x4f: {  	_ =	shalt  }
0x50: {  	_ =	shalt  }
0x51: {  	_ =	shalt  }
0x52: {  	_ =	shalt  }
0x53: {  	_ =	shalt  }
0x54: {  	_ =	shalt  }
0x55: {  	_ =	shalt  }
0x56: {  	_ =	shalt  }
0x57: {  	_ =	shalt  }
0x58: {  	_ =	shalt  }
0x59: {  	_ =	shalt  }
0x5a: {  	_ =	shalt  }
0x5b: {  	_ =	shalt  }
0x5c: {  	_ =	shalt  }
0x5d: {  	_ =	shalt  }
0x5e: {  	_ =	shalt  }
0x5f: {  	_ =	shalt  }
0x60: {  	_ =	shalt  }
0x61: {  	_ =	shalt  }
0x62: {  	_ =	shalt  }
0x63: {  	_ =	shalt  }
0x64: {  	_ =	shalt  }
0x65: {  	_ =	shalt  }
0x66: {  	_ =	shalt  }
0x67: {  	_ =	shalt  }
0x68: {  	_ =	shalt  }
0x69: {  	_ =	shalt  }
0x6a: {  	_ =	shalt  }
0x6b: {  	_ =	shalt  }
0x6c: {  	_ =	shalt  }
0x6d: {  	_ =	shalt  }
0x6e: {  	_ =	shalt  }
0x6f: {  	_ =	shalt  }
0x70: {  	_ =	shalt  }
0x71: {  	_ =	shalt  }
0x72: {  	_ =	shalt  }
0x73: {  	_ =	shalt  }
0x74: {  	_ =	shalt  }
0x75: {  	_ =	shalt  }
0x76: {  	_ =	shalt  }
0x77: {  	_ =	shalt  }
0x78: {  	_ =	shalt  }
0x79: {  	_ =	shalt  }
0x7a: {  	_ =	shalt  }
0x7b: {  	_ =	shalt  }
0x7c: {  	_ =	shalt  }
0x7d: {  	_ =	shalt  }
0x7e: {  	_ =	shalt  }
0x7f: {  	_ =	shalt  }
0x80: {  	_ =	shalt  }
0x81: {  	_ =	shalt  }
0x82: {  	_ =	shalt  }
0x83: {  	_ =	shalt  }
0x84: {  	_ =	shalt  }
0x85: {  	_ =	shalt  }
0x86: {  	_ =	shalt  }
0x87: {  	_ =	shalt  }
.Lfunc_end0:
.L_simem_size_0:
called_computation_lowered:
.L_overlay_start_0:
0x88: {  	s2 =	sld [smem:$0x3FD9]  }
0x89: {  	s3 =	sld [smem:$0x3FFE];
	_ =	sdelay $0x1  }
0x8a: {  	s1 =	srdreg.scid  }
0x8b: {  	s0 =	sand.u32 $0x1, s1  }
0x8c: {  	s17 =	sshll.u32 s0, $0xA;
	s2 =	sadd.s32 s3, s2  }
0x8d: {  	s2 =	sadd.s32 s2, s17  }
0x8e: {  	[smem:$0x3FC6] =	sst s2  }
0x8f: {  	_ = 	snop  }
0x90: {  	s2 =	sld [smem:$0x3FD0];
	(tm) =	ssettm $0x1  }
0x91: {  	s18 =	sld [smem:$0x3FFB];
	_ =	sdelay $0x3  }
0x92: {  	_ =	strace s18  }
0x93: {  	s3 =	sld [smem:$0x3FFC];
	_ =	sdelay $0x3  }
0x94: {  	_ =	strace s3  }
0x95: {  	s3 =	sld [smem:$0x3FFD];
	_ =	sdelay $0x3  }
0x96: {  	_ =	strace s3  }
0x97: {  	_ =	strace $0x8FFFFFFF  }
0x98: {  	s19 =	sld [smem:$0x3FDB];
	_ =	sdelay $0x1  }
0x99: {  	s4 =	simm.s32 $_scs_section_size  }
0x9a: {  	s5 =	simm.s32 $_size__tile_overlayer_lowered;
	s6 =	simm.s32 $_tile_overlayer_lowered  }
0x9b: {  	s22 =	simm.s32 $0x1BFF;
	s21 =	sshll.u32 s6, $0x1;
	s3 =	sadd.s32 s4, s19  }
0x9c: {  	s7 =	simm.s32 $0x0;
	s20 =	sshll.u32 s5, $0x1;
	s5 =	sadd.s32 s21, s3  }
0x9d: {  	[timem:s7], [sflag:s22] =	dma.local [hbm:s5], s20  }
0x9e: {  	_ =	swait.ge [sflag:s22], s20  }
0x9f: {  	s4 =	ssub.s32 $0x0, s20;
	[sflag:s22] =	ssyncset.done $0x0  }
0xa0: {  	[sflag:s22] =	ssyncadd.s32 s4;
	_ =	sdelay $0x1  }
0xa1: {  	s23 =	simm.s32 $0x1B8B  }
0xa2: {  	_ =	swait.ge [sflag:s23], $0x1  }
0xa3: {  	[sflag:s23] =	ssyncset.done $0x0  }
0xa4: {  	s25 =	simm.s32 $0x1B8E;
	s24 =	sld [smem:$0x3FFE];
	[sflag:s23] =	ssyncadd.s32 $0xFFFFFFFF  }
0xa5: {  	s26 =	simm.s32 $execute0_lowered;
	[smem:$0x3FD2] =	sst s25  }
0xa6: {  	s5 =	sshll.u32 s26, $0x1;
	_ =	strace $0x80000046;
	[dreg:$0x1] =	wrdreg $0xFFFFFFFF  }
0xa7: {  	s28 =	simm.s32 $_size_execute0_lowered;
	s3 =	sadd.s32 s3, s5;
	[dreg:$0x0] =	wrdreg $0x0  }
0xa8: {  	s5 =	sshll.u32 s28, $0x1;
	[dreg:$0x2] =	wrdreg s3  }
0xa9: {  	[dreg:$0x3] =	wrdreg s5  }
0xaa: {  	[dreg:$0x4] =	wrdreg $0xC0  }
0xab: {  	_ =	task [dreg:s7], $0x5FFFF  }
0xac: {  	[dreg:$0x1] =	wrdreg $0xFFFFFFFF  }
0xad: {  	[dreg:$0x0] =	wrdreg $0x60  }
0xae: {  	[dreg:$0x2] =	wrdreg s24  }
0xaf: {  	[dreg:$0x3] =	wrdreg s2  }
0xb0: {  	[dreg:$0x4] =	wrdreg $0x62A00  }
0xb1: {  	[dreg:$0x5] =	wrdreg $0x62B00  }
0xb2: {  	[dreg:$0x6] =	wrdreg $0x9  }
0xb3: {  	_ =	task.clear_ibuf [dreg:s7], $0x7FFFF;
	_ =	strace $0x90000046  }
0xb4: {  	s29 =	simm.s32 $0x9;
	_ =	strace $0x80000048  }
0xb5: {  	_ =	swait.ge [sflag:s29], $0x1  }
0xb6: {  	[sflag:s29] =	ssyncadd.s32 $0xFFFFFFFF  }
0xb7: {  	_ =	strace $0x90000048  }
0xb8: {  	_ =	sfence  }
0xb9: {  	s30 =	sld [smem:$0x0];
	_ =	sdelay $0x2  }
0xba: {  	s31 =	sshll.u32 s1, $0xD;
	s1 =	sshrl.u32 s1, $0x2  }
0xbb: {  	s3 =	sand.u32 $0x4000, s31;
	s1 =	sadd.s32 s1, s30  }
0xbc: {  	s0 =	sor.u32 s3, s0;
	s1 =	sshll.u32 s1, $0x11  }
0xbd: {  	s0 =	sor.u32 s1, s0  }
0xbe: {  	s0 =	sadd.s32 $0x8F2B, s0  }
0xbf: {  	[sflag:s0] =	ssyncadd.remote.s32 $0x1  }
0xc0: {  	_ =	sfence.sel $0xFFFF  }
0xc1: {  	[dreg:$0x0] =	wrdreg $0xFFFFFFFF;
	(pc) =	sbr.abs _section_cstart, $3  }
0xc2: {  	[dreg:$0x1] =	wrdreg $0xFFFFFFFF  }
0xc3: {  	_ =	task.clear_ibuf [dreg:s7], $0x2FFFF;
	_ =	strace $0x9FFFFFFF  }
0xc4: {  	(tm) =	ssettm $0x7FFFFFFF  }
0xc5: {  	_ =	shalt  }
tec
execute0_lowered:
.L_overlay_start_1:
0x0: {  	(tag) =	ssettag $0x1  }
0x1: {  	s4 =	rddreg [dreg:$0x0]  }
0x2: {  	s11 =	rddreg [dreg:$0x1]  }
0x3: {  	s0 =	srdreg.scid;
	s9 =	rddreg [dreg:$0x2]  }
0x4: {  	s10 =	rddreg [dreg:$0x3];
	s3 =	sand.u32 $0x1, s0  }
0x5: {  	s0 =	stileid.u32;
	s8 =	sadd.s32 $0xC35A00, s4;
	s4 =	simm.s32 $0x1  }
0x6: {  	s1 =	sshll.u32 s3, $0x4;
	s2 =	sand.u32 $0x3, s0;
	s26 =	ssub.s32 $0x2, s3  }
0x7: {  	s20 =	sshll.u32 s0, $0x4;
	s1 =	sor.u32 s0, s1;
	p1 =	sne.s32 s2, $0x0  }
0x8: {  	s6 =	smul.u32 $0x61B0, s2;
	p0 =	seq.s32 s1, $0x0;
	s5 =	simm.s32 @!p1 $0x0  }
0x9: {  	s2 =	simm.s32 $0x0;
	s5 =	simm.s32 @p1 $0x1;
	p0 =	por !p1, !p0  }
0xa: {  	[smem:$0x7FD] =	sst s5;
	p0 =	por !p0, !p0;
	s5 =	simm.s32 $0x1  }
0xb: {  	s7 =	sshrl.u32 s26, $0x1;
	s1 =	sshrl.u32 s1, $0x2;
	s5 =	simm.s32 @!p0 $0x0  }
0xc: {  	s9 =	sadd.s32 s20, s9;
	s10 =	sadd.s32 s20, s10;
	s12 =	ssub.s32 s1, s5  }
0xd: {  	s20 =	simm.s32 $0x6290;
	[smem:$0x7FF] =	sst s2;
	s13 =	smul.u32 $0x186A0, s12  }
0xe: {  	s14 =	ssub.s32 s26, s7;
	_ =	strace $0x80000047;
	s12 =	sshll.u32 s12, $0x1  }
0xf: {  	s12 =	sand.u32 $0x1FFFFFFE, s12;
	s3 =	sadd.s32 s6, s13;
	s15 =	sadd.s32 $0x6190, s13  }
0x10: {  	s16 =	sadd.s32 $0xC340, s13;
	s19 =	sadd.s32 $0x124F0, s13;
	s31 =	sadd.s32 $0x61A0, s13  }
0x11: {  	s18 =	sadd.s32 $0xC350, s13;
	s21 =	sadd.s32 $0x12500, s13;
	s11 =	sadd.s32 s11, s12  }
0x12: {  	s12 =	smax.u32 s14, $0x1;
	s13 =	simm.s32 $0x6190;
	s14 =	simm.s32 $0x61B0  }
.Ltmp0:
0x13: {  	v0 =	vlaneseq.u32;
	s28 =	sshrl.u32 s3, $0x3;
	s29 =	sshrl.u32 s15, $0x3;
	(pc) =	sbr.rel .LBB2_1-.Ltmp0, $4  }
0x14: {  	s30 =	sshrl.u32 s16, $0x3;
	s17 =	sshrl.u32 s19, $0x3;
	v1 =	vor.u32 s15, v0;
	s15 =	simm.s32 $0x61D0  }
0x15: {  	v3 =	vor.u32 s16, v0;
	v4 =	vor.u32 s18, v0;
	s16 =	simm.s32 $0x61F0;
	s18 =	simm.s32 $0x6210;
	v5 =	vor.u32 s19, v0;
	s19 =	simm.s32 $0x6250  }
0x16: {  	v6 =	vor.u32 s21, v0;
	s21 =	simm.s32 $0x0;
	s5 =	sadd.s32 s8, s28;
	s6 =	sadd.s32 s8, s29  }
0x17: {  	v7 =	vimm.f32 $0.0e+00;
	v2 =	vor.u32 s31, v0;
	s7 =	sadd.s32 s8, s30;
	s8 =	sadd.s32 s8, s17;
	s17 =	simm.s32 $0x6200  }
.LBB2_5:
0x18: {  	s1 =	sld [smem:$0x7FD];
	_ =	sdelay $0x2  }
0x19: {  	p0 =	seq.s32 s1, $0x1  }
.Ltmp1:
0x1a: {  	_ = 	snop;
	(pc) =	sbr.rel @!p0 .LBB2_6-.Ltmp1, $3  }
0x1b: {  	_ =	sdelay $0x1  }
0x1c: {  	[tilespmem:$0x61F0] =	vst v14  }
0x1d: {  	[tilespmem:$0x6200] =	vst v13  }
0x1e: {  	[spmem:s9] =	stream.linear.scatter [tilespmem:s16], [sflag:$0x1], $0x10, $0x38;
	[tilespmem:$0x62C0] =	vst v63  }
0x1f: {  	_ =	swait.ge [sflag:s4], $0x10  }
0x20: {  	[sflag:s4] =	ssyncset.done $0x0  }
0x21: {  	[sflag:s4] =	ssyncadd.s32 $0xFFFFFFF0  }
0x22: {  	[spmem:s10] =	stream.linear.scatter [tilespmem:s17], [sflag:$0x1], $0x10, $0x38;
	[tilespmem:$0x62C0] =	vst v63  }
0x23: {  	_ =	swait.ge [sflag:s4], $0x10  }
0x24: {  	[sflag:s4] =	ssyncset.done $0x0  }
0x25: {  	[sflag:s4] =	ssyncadd.s32 $0xFFFFFFF0  }
0x26: {  	[bflag:$0x0] =	sbarrier.arrive $0xFFFF  }
.LBB2_8:
0x27: {  	s21 =	sadd.s32 $0x1, s21  }
0x28: {  	p0 =	sne.s32 s21, s12  }
.Ltmp2:
0x29: {  	_ = 	snop;
	(pc) =	sbr.rel @!p0 .LBB2_9-.Ltmp2, $1  }
0x2a: {  	_ =	sdelay $0x3  }
.LBB2_1:
.Ltmp3:
0x2b: {  	(pc) =	sbr.rel .LBB2_2-.Ltmp3, $4  }
0x2c: {  	[tilespmem:s2], [sflag:$0x1] =	stream.linear.gather [hbm4b:s5+s2], $0x6190, $0x38;
	[tilespmem:$0x62C0] =	vst v63  }
0x2d: {  	_ =	swait.ge [sflag:s4], $0x6190  }
0x2e: {  	s22 =	simm.f32 $-Inf;
	[sflag:s4] =	ssyncset.done $0x0  }
0x2f: {  	v14 =	vimm.f32 $-Inf;
	v13 =	vimm.s32 $0x0;
	s23 =	simm.s32 $0x30;
	s24 =	simm.s32 $0x0;
	[sflag:s4] =	ssyncadd.s32 $0xFFFF9E70  }
.LBB2_4:
0x30: {  	s24 =	sadd.s32 $0x70, s24  }
0x31: {  	p0 =	sne.s32 s24, $0x6190  }
.Ltmp4:
0x32: {  	_ = 	snop;
	(pc) =	sbr.rel @!p0 .LBB2_5-.Ltmp4, $2  }
0x33: {  	_ =	sdelay $0x2  }
0x34: {  	s23 =	sadd.s32 $0x70, s23  }
.LBB2_2:
0x35: {  	v16 =	vld [tilespmem:s23+$0xFFFFFFD0]  }
0x36: {  	v15 =	vld [tilespmem:s23+$0xFFFFFFE0]  }
0x37: {  	v12 =	vld [tilespmem:s23+$0xFFFFFFF0]  }
0x38: {  	v11 =	vld [tilespmem:s23+$0x0]  }
0x39: {  	v10 =	vld [tilespmem:s23+$0x10]  }
0x3a: {  	v9 =	vld [tilespmem:s23+$0x20]  }
0x3b: {  	v8 =	vld [tilespmem:s23+$0x30];
	v17 =	vmax.f32 v16, v15  }
0x3c: {  	v17 =	vmax.f32 v17, v12  }
0x3d: {  	v17 =	vmax.f32 v17, v11  }
0x3e: {  	v17 =	vmax.f32 v17, v10  }
0x3f: {  	v17 =	vmax.f32 v17, v9  }
0x40: {  	v17 =	vmax.f32 v17, v8  }
0x41: {  	vm0 =	vgt.f32 v17, s22  }
0x42: {  	v17 =	vsel vm0, $0x3F800000, v7  }
0x43: {  	(xrf0) =	vmax.scan.msk.f32 $0xffff, v17;
	_ =	sdelay $0x5  }
0x44: {  	v17, _, _ =	vpop (xrf0)  }
0x45: {  	(v2sf) =	vpush v17, $0xF;
	_ =	sdelay $0xe  }
0x46: {  	s25 =	spop (v2sf)  }
0x47: {  	p0 =	sgt.f32 s25, $0.0e+00  }
.Ltmp5:
0x48: {  	_ = 	snop;
	(pc) =	sbr.rel @!p0 .LBB2_4-.Ltmp5, $1  }
0x49: {  	_ =	sdelay $0x3  }
0x4a: {  	v17 =	vmov s22  }
0x4b: {  	vm0 =	vgt.f32 v16, v17  }
0x4c: {  	v18 =	vsel vm0, $0x3F800000, v7  }
0x4d: {  	(xrf0) =	vmax.scan.msk.f32 $0xffff, v18;
	_ =	sdelay $0x5  }
0x4e: {  	v18, _, _ =	vpop (xrf0)  }
0x4f: {  	(v2sf) =	vpush v18, $0xF;
	_ =	sdelay $0xe  }
0x50: {  	s25 =	spop (v2sf)  }
0x51: {  	p1 =	sgt.f32 s25, $0.0e+00;
	_ =	sdelay $0x1  }
0x52: {  	s25 =	sadd.s32 @p1 s24, s3;
	v18 =	vlaneseq.u32 @p1  }
0x53: {  	v18 =	vor.u32 @p1 s25, v18  }
0x54: {  	(xrf1) =	vsort.dscd.msk.f32 @p1 $0xffff, v16, v18;
	_ =	sdelay $0xd  }
0x55: {  	v16, v18, _ =	vpop @p1 (xrf1)  }
0x56: {  	vm0 =	vgt.f32 @p1 v16, v14  }
0x57: {  	v16 =	vsel @p1 vm0, v16, v14;
	v18 =	vsel @p1 vm0, v18, v13  }
0x58: {  	(xrf1) =	vsort.ascd.msk.f32 @p1 $0xffff, v16, v18;
	_ =	sdelay $0xd  }
0x59: {  	v16, v18, _ =	vpop @p1 (xrf1)  }
0x5a: {  	(xrf0) =	vmin.scan.msk.f32 @p1 $0xffff, v16;
	_ =	sdelay $0x5  }
0x5b: {  	v19, _, _ =	vpop @p1 (xrf0)  }
0x5c: {  	v20 =	vbroadcast @p1 v19, $0xF;
	_ =	sdelay $0x1  }
0x5d: {  	v17 =	vpsel p1, v20, v17  }
0x5e: {  	vm10 =	vgt.f32 v15, v17  }
0x5f: {  	v56 =	vsel vm10, $0x3F800000, v7  }
0x60: {  	(xrf0) =	vmax.scan.msk.f32 $0xffff, v56;
	_ =	sdelay $0x5  }
0x61: {  	(v2sf) =	vpush @p1 v19, $0xF;
	v57, _, _ =	vpop (xrf0)  }
0x62: {  	(v2sf) =	vpush v57, $0xF;
	_ =	sdelay $0xd  }
0x63: {  	s25 =	spop @p1 (v2sf)  }
0x64: {  	s26 =	spop (v2sf)  }
0x65: {  	p2 =	sgt.f32 s26, $0.0e+00;
	_ =	sdelay $0x1  }
0x66: {  	s26 =	sadd.s32 @p2 s24, s3  }
0x67: {  	v19 =	vlaneseq.u32 @p2;
	s26 =	sadd.s32 @p2 $0x10, s26  }
0x68: {  	v19 =	vor.u32 @p2 s26, v19  }
0x69: {  	(xrf1) =	vsort.dscd.msk.f32 @p2 $0xffff, v15, v19;
	_ =	sdelay $0xd  }
0x6a: {  	v14 =	vpsel p1, v16, v14;
	v15, v16, _ =	vpop @p2 (xrf1)  }
0x6b: {  	v13 =	vpsel p1, v18, v13;
	vm0 =	vgt.f32 @p2 v15, v14  }
0x6c: {  	v15 =	vsel @p2 vm0, v15, v14;
	v16 =	vsel @p2 vm0, v16, v13  }
0x6d: {  	(xrf1) =	vsort.ascd.msk.f32 @p2 $0xffff, v15, v16;
	_ =	sdelay $0xd  }
0x6e: {  	v15, v16, _ =	vpop @p2 (xrf1)  }
0x6f: {  	(xrf0) =	vmin.scan.msk.f32 @p2 $0xffff, v15;
	_ =	sdelay $0x5  }
0x70: {  	v18, _, _ =	vpop @p2 (xrf0)  }
0x71: {  	v19 =	vbroadcast @p2 v18, $0xF;
	_ =	sdelay $0x1  }
0x72: {  	v17 =	vpsel p2, v19, v17  }
0x73: {  	vm11 =	vgt.f32 v12, v17  }
0x74: {  	v58 =	vsel vm11, $0x3F800000, v7  }
0x75: {  	(xrf0) =	vmax.scan.msk.f32 $0xffff, v58;
	_ =	sdelay $0x5  }
0x76: {  	(v2sf) =	vpush @p2 v18, $0xF;
	v59, _, _ =	vpop (xrf0)  }
0x77: {  	(v2sf) =	vpush v59, $0xF;
	_ =	sdelay $0xd  }
0x78: {  	s26 =	spop @p2 (v2sf)  }
0x79: {  	s28 =	spop (v2sf)  }
0x7a: {  	p3 =	sgt.f32 s28, $0.0e+00;
	_ =	sdelay $0x1  }
0x7b: {  	s28 =	sadd.s32 @p3 s24, s3  }
0x7c: {  	v18 =	vlaneseq.u32 @p3;
	s28 =	sadd.s32 @p3 $0x20, s28  }
0x7d: {  	v18 =	vor.u32 @p3 s28, v18  }
0x7e: {  	(xrf1) =	vsort.dscd.msk.f32 @p3 $0xffff, v12, v18;
	_ =	sdelay $0xd  }
0x7f: {  	v12 =	vpsel p2, v15, v14;
	v14, v15, _ =	vpop @p3 (xrf1)  }
0x80: {  	v13 =	vpsel p2, v16, v13;
	vm0 =	vgt.f32 @p3 v14, v12  }
0x81: {  	v14 =	vsel @p3 vm0, v14, v12;
	v15 =	vsel @p3 vm0, v15, v13  }
0x82: {  	(xrf1) =	vsort.ascd.msk.f32 @p3 $0xffff, v14, v15;
	_ =	sdelay $0xd  }
0x83: {  	v14, v15, _ =	vpop @p3 (xrf1)  }
0x84: {  	(xrf0) =	vmin.scan.msk.f32 @p3 $0xffff, v14;
	_ =	sdelay $0x5  }
0x85: {  	v16, _, _ =	vpop @p3 (xrf0)  }
0x86: {  	v18 =	vbroadcast @p3 v16, $0xF;
	_ =	sdelay $0x1  }
0x87: {  	v17 =	vpsel p3, v18, v17  }
0x88: {  	vm12 =	vgt.f32 v11, v17  }
0x89: {  	v60 =	vsel vm12, $0x3F800000, v7  }
0x8a: {  	(xrf0) =	vmax.scan.msk.f32 $0xffff, v60;
	_ =	sdelay $0x5  }
0x8b: {  	(v2sf) =	vpush @p3 v16, $0xF;
	v61, _, _ =	vpop (xrf0)  }
0x8c: {  	(v2sf) =	vpush v61, $0xF;
	_ =	sdelay $0xd  }
0x8d: {  	s28 =	spop @p3 (v2sf)  }
0x8e: {  	s29 =	spop (v2sf)  }
0x8f: {  	p4 =	sgt.f32 s29, $0.0e+00;
	_ =	sdelay $0x1  }
0x90: {  	s29 =	sadd.s32 @p4 s24, s3  }
0x91: {  	v16 =	vlaneseq.u32 @p4;
	s29 =	sadd.s32 @p4 $0x30, s29  }
0x92: {  	v16 =	vor.u32 @p4 s29, v16  }
0x93: {  	(xrf1) =	vsort.dscd.msk.f32 @p4 $0xffff, v11, v16;
	_ =	sdelay $0xd  }
0x94: {  	v11 =	vpsel p3, v14, v12;
	v12, v14, _ =	vpop @p4 (xrf1)  }
0x95: {  	v13 =	vpsel p3, v15, v13;
	vm0 =	vgt.f32 @p4 v12, v11  }
0x96: {  	v12 =	vsel @p4 vm0, v12, v11;
	v14 =	vsel @p4 vm0, v14, v13  }
0x97: {  	(xrf1) =	vsort.ascd.msk.f32 @p4 $0xffff, v12, v14;
	_ =	sdelay $0xd  }
0x98: {  	v12, v14, _ =	vpop @p4 (xrf1)  }
0x99: {  	(xrf0) =	vmin.scan.msk.f32 @p4 $0xffff, v12;
	_ =	sdelay $0x5  }
0x9a: {  	v15, _, _ =	vpop @p4 (xrf0)  }
0x9b: {  	v16 =	vbroadcast @p4 v15, $0xF;
	_ =	sdelay $0x1  }
0x9c: {  	v16 =	vpsel p4, v16, v17  }
0x9d: {  	vm13 =	vgt.f32 v10, v16  }
0x9e: {  	v62 =	vsel vm13, $0x3F800000, v7  }
0x9f: {  	(xrf0) =	vmax.scan.msk.f32 $0xffff, v62;
	_ =	sdelay $0x5  }
0xa0: {  	(v2sf) =	vpush @p4 v15, $0xF;
	v15, _, _ =	vpop (xrf0)  }
0xa1: {  	(v2sf) =	vpush v15, $0xF;
	_ =	sdelay $0xd  }
0xa2: {  	s29 =	spop @p4 (v2sf)  }
0xa3: {  	s30 =	spop (v2sf)  }
0xa4: {  	p5 =	sgt.f32 s30, $0.0e+00;
	_ =	sdelay $0x1  }
0xa5: {  	s30 =	sadd.s32 @p5 s24, s3  }
0xa6: {  	v15 =	vlaneseq.u32 @p5;
	s30 =	sadd.s32 @p5 $0x40, s30  }
0xa7: {  	v15 =	vor.u32 @p5 s30, v15  }
0xa8: {  	(xrf1) =	vsort.dscd.msk.f32 @p5 $0xffff, v10, v15;
	_ =	sdelay $0xd  }
0xa9: {  	v10 =	vpsel p4, v12, v11;
	v11, v12, _ =	vpop @p5 (xrf1)  }
0xaa: {  	v13 =	vpsel p4, v14, v13;
	vm0 =	vgt.f32 @p5 v11, v10  }
0xab: {  	v11 =	vsel @p5 vm0, v11, v10;
	v12 =	vsel @p5 vm0, v12, v13  }
0xac: {  	(xrf1) =	vsort.ascd.msk.f32 @p5 $0xffff, v11, v12;
	_ =	sdelay $0xd  }
0xad: {  	v11, v12, _ =	vpop @p5 (xrf1)  }
0xae: {  	(xrf0) =	vmin.scan.msk.f32 @p5 $0xffff, v11;
	_ =	sdelay $0x5  }
0xaf: {  	v14, _, _ =	vpop @p5 (xrf0)  }
0xb0: {  	v15 =	vbroadcast @p5 v14, $0xF;
	_ =	sdelay $0x1  }
0xb1: {  	v15 =	vpsel p5, v15, v16  }
0xb2: {  	vm14 =	vgt.f32 v9, v15  }
0xb3: {  	v63 =	vsel vm14, $0x3F800000, v7  }
0xb4: {  	(xrf0) =	vmax.scan.msk.f32 $0xffff, v63;
	_ =	sdelay $0x5  }
0xb5: {  	(v2sf) =	vpush @p5 v14, $0xF;
	v14, _, _ =	vpop (xrf0)  }
0xb6: {  	(v2sf) =	vpush v14, $0xF;
	_ =	sdelay $0xd  }
0xb7: {  	s30 =	spop @p5 (v2sf)  }
0xb8: {  	s31 =	spop (v2sf)  }
0xb9: {  	p6 =	sgt.f32 s31, $0.0e+00;
	_ =	sdelay $0x1  }
0xba: {  	s31 =	sadd.s32 @p6 s24, s3  }
0xbb: {  	v14 =	vlaneseq.u32 @p6;
	s31 =	sadd.s32 @p6 $0x50, s31  }
0xbc: {  	v14 =	vor.u32 @p6 s31, v14  }
0xbd: {  	(xrf1) =	vsort.dscd.msk.f32 @p6 $0xffff, v9, v14;
	_ =	sdelay $0xd  }
0xbe: {  	v9 =	vpsel p5, v11, v10;
	v10, v11, _ =	vpop @p6 (xrf1)  }
0xbf: {  	v12 =	vpsel p5, v12, v13;
	vm0 =	vgt.f32 @p6 v10, v9  }
0xc0: {  	v10 =	vsel @p6 vm0, v10, v9;
	v11 =	vsel @p6 vm0, v11, v12  }
0xc1: {  	(xrf1) =	vsort.ascd.msk.f32 @p6 $0xffff, v10, v11;
	_ =	sdelay $0xd  }
0xc2: {  	v10, v11, _ =	vpop @p6 (xrf1)  }
0xc3: {  	(xrf0) =	vmin.scan.msk.f32 @p6 $0xffff, v10;
	_ =	sdelay $0x5  }
0xc4: {  	v13, _, _ =	vpop @p6 (xrf0)  }
0xc5: {  	v14 =	vbroadcast @p6 v13, $0xF;
	_ =	sdelay $0x1  }
0xc6: {  	v14 =	vpsel p6, v14, v15  }
0xc7: {  	vm15 =	vgt.f32 v8, v14  }
0xc8: {  	v14 =	vsel vm15, $0x3F800000, v7  }
0xc9: {  	(xrf0) =	vmax.scan.msk.f32 $0xffff, v14;
	_ =	sdelay $0x5  }
0xca: {  	(v2sf) =	vpush @p6 v13, $0xF;
	v13, _, _ =	vpop (xrf0)  }
0xcb: {  	(v2sf) =	vpush v13, $0xF;
	_ =	sdelay $0xd  }
0xcc: {  	s31 =	spop @p6 (v2sf)  }
0xcd: {  	s1 =	spop (v2sf)  }
0xce: {  	p0 =	sgt.f32 s1, $0.0e+00;
	_ =	sdelay $0x1  }
0xcf: {  	s1 =	sadd.s32 @p0 s24, s3  }
0xd0: {  	v13 =	vlaneseq.u32 @p0;
	s1 =	sadd.s32 @p0 $0x60, s1  }
0xd1: {  	v13 =	vor.u32 @p0 s1, v13  }
0xd2: {  	(xrf1) =	vsort.dscd.msk.f32 @p0 $0xffff, v8, v13;
	_ =	sdelay $0xd  }
0xd3: {  	v8 =	vpsel p6, v10, v9;
	v9, v10, _ =	vpop @p0 (xrf1)  }
0xd4: {  	v11 =	vpsel p6, v11, v12;
	vm0 =	vgt.f32 @p0 v9, v8  }
0xd5: {  	v9 =	vsel @p0 vm0, v9, v8;
	v10 =	vsel @p0 vm0, v10, v11  }
0xd6: {  	(xrf1) =	vsort.ascd.msk.f32 @p0 $0xffff, v9, v10;
	_ =	sdelay $0xd  }
0xd7: {  	v9, v10, _ =	vpop @p0 (xrf1)  }
0xd8: {  	(xrf0) =	vmin.scan.msk.f32 @p0 $0xffff, v9;
	_ =	sdelay $0x5  }
0xd9: {  	v12, _, _ =	vpop @p0 (xrf0)  }
0xda: {  	(v2sf) =	vpush @p0 v12, $0xF;
	_ =	sdelay $0x9  }
0xdb: {  	s22 =	smov.u32 @p1 s25  }
0xdc: {  	s22 =	smov.u32 @p2 s26  }
.Ltmp6:
0xdd: {  	s22 =	smov.u32 @p3 s28;
	(pc) =	sbr.rel .LBB2_4-.Ltmp6, $4  }
0xde: {  	s22 =	smov.u32 @p4 s29  }
0xdf: {  	s22 =	smov.u32 @p5 s30  }
0xe0: {  	s22 =	smov.u32 @p6 s31;
	s1 =	spop @p0 (v2sf)  }
0xe1: {  	v14 =	vpsel p0, v9, v8;
	v13 =	vpsel p0, v10, v11;
	s22 =	smov.u32 @p0 s1  }
.LBB2_6:
0xe2: {  	[tilespmem:s13], [sflag:$0x1] =	stream.linear.gather [hbm4b:s6+s2], $0x20, $0x38;
	[tilespmem:$0x62C0] =	vst v63  }
0xe3: {  	_ =	swait.ge [sflag:s4], $0x20  }
0xe4: {  	[sflag:s4] =	ssyncset.done $0x0  }
0xe5: {  	[sflag:s4] =	ssyncadd.s32 $0xFFFFFFE0  }
0xe6: {  	[tilespmem:s14], [sflag:$0x1] =	stream.linear.gather [hbm4b:s7+s2], $0x20, $0x38;
	[tilespmem:$0x62C0] =	vst v63  }
0xe7: {  	_ =	swait.ge [sflag:s4], $0x20  }
0xe8: {  	[sflag:s4] =	ssyncset.done $0x0  }
0xe9: {  	[sflag:s4] =	ssyncadd.s32 $0xFFFFFFE0  }
0xea: {  	[tilespmem:s15], [sflag:$0x1] =	stream.linear.gather [hbm4b:s8+s2], $0x20, $0x38;
	[tilespmem:$0x62C0] =	vst v63  }
0xeb: {  	_ =	swait.ge [sflag:s4], $0x20  }
0xec: {  	[sflag:s4] =	ssyncset.done $0x0  }
0xed: {  	[sflag:s4] =	ssyncadd.s32 $0xFFFFFFE0  }
0xee: {  	v8 =	vld [tilespmem:$0x6190];
	_ =	sdelay $0x4  }
0xef: {  	(xrf1) =	vsort.dscd.msk.f32 $0xffff, v8, v1;
	_ =	sdelay $0x9  }
0xf0: {  	v8 =	vld [tilespmem:$0x61F0]  }
0xf1: {  	v9 =	vld [tilespmem:$0x6200];
	_ =	sdelay $0x1  }
0xf2: {  	v10 =	vld [tilespmem:$0x61A0]  }
0xf3: {  	v11, v12, _ =	vpop (xrf1)  }
0xf4: {  	vm0 =	vgt.f32 v11, v8  }
0xf5: {  	v8 =	vsel vm0, v11, v8;
	v9 =	vsel vm0, v12, v9  }
0xf6: {  	(xrf1) =	vsort.ascd.msk.f32 $0xffff, v8, v9  }
0xf7: {  	(xrf1) =	vsort.dscd.msk.f32 $0xffff, v10, v2;
	_ =	sdelay $0xc  }
0xf8: {  	v41 =	vld [tilespmem:$0x61B0];
	v8, v9, _ =	vpop (xrf1)  }
0xf9: {  	v42, v43, _ =	vpop (xrf1)  }
0xfa: {  	vm8 =	vgt.f32 v42, v8  }
0xfb: {  	v8 =	vsel vm8, v42, v8;
	v9 =	vsel vm8, v43, v9  }
0xfc: {  	(xrf1) =	vsort.ascd.msk.f32 $0xffff, v8, v9  }
0xfd: {  	(xrf1) =	vsort.dscd.msk.f32 $0xffff, v41, v3;
	_ =	sdelay $0xc  }
0xfe: {  	v44 =	vld [tilespmem:$0x61C0];
	v8, v9, _ =	vpop (xrf1)  }
0xff: {  	v45, v46, _ =	vpop (xrf1)  }
0x100: {  	vm9 =	vgt.f32 v45, v8  }
0x101: {  	v8 =	vsel vm9, v45, v8;
	v9 =	vsel vm9, v46, v9  }
0x102: {  	(xrf1) =	vsort.ascd.msk.f32 $0xffff, v8, v9  }
0x103: {  	(xrf1) =	vsort.dscd.msk.f32 $0xffff, v44, v4;
	_ =	sdelay $0xc  }
0x104: {  	v47 =	vld [tilespmem:$0x61D0];
	v8, v9, _ =	vpop (xrf1)  }
0x105: {  	v48, v49, _ =	vpop (xrf1)  }
0x106: {  	vm10 =	vgt.f32 v48, v8  }
0x107: {  	v8 =	vsel vm10, v48, v8;
	v9 =	vsel vm10, v49, v9  }
0x108: {  	(xrf1) =	vsort.ascd.msk.f32 $0xffff, v8, v9  }
0x109: {  	(xrf1) =	vsort.dscd.msk.f32 $0xffff, v47, v5;
	_ =	sdelay $0xc  }
0x10a: {  	v50 =	vld [tilespmem:$0x61E0];
	v8, v9, _ =	vpop (xrf1)  }
0x10b: {  	v51, v52, _ =	vpop (xrf1)  }
0x10c: {  	vm11 =	vgt.f32 v51, v8  }
0x10d: {  	v8 =	vsel vm11, v51, v8;
	v9 =	vsel vm11, v52, v9  }
0x10e: {  	(xrf1) =	vsort.ascd.msk.f32 $0xffff, v8, v9  }
0x10f: {  	(xrf1) =	vsort.dscd.msk.f32 $0xffff, v50, v6;
	_ =	sdelay $0xc  }
0x110: {  	v8, v9, _ =	vpop (xrf1)  }
0x111: {  	v10, v53, _ =	vpop (xrf1)  }
0x112: {  	vm12 =	vgt.f32 v10, v8  }
0x113: {  	v8 =	vsel vm12, v10, v8;
	v9 =	vsel vm12, v53, v9  }
0x114: {  	(xrf1) =	vsort.ascd.msk.f32 $0xffff, v8, v9;
	_ =	sdelay $0xd  }
0x115: {  	v8, v9, _ =	vpop (xrf1)  }
0x116: {  	[tilespmem:$0x61F0] =	vst v8  }
0x117: {  	[tilespmem:$0x6200] =	vst v9  }
0x118: {  	[spmem:s9] =	stream.linear.scatter [tilespmem:s16], [sflag:$0x1], $0x10, $0x38;
	[tilespmem:$0x62C0] =	vst v63  }
0x119: {  	_ =	swait.ge [sflag:s4], $0x10  }
0x11a: {  	[sflag:s4] =	ssyncset.done $0x0  }
0x11b: {  	[sflag:s4] =	ssyncadd.s32 $0xFFFFFFF0  }
0x11c: {  	[spmem:s10] =	stream.linear.scatter [tilespmem:s17], [sflag:$0x1], $0x10, $0x38;
	[tilespmem:$0x62C0] =	vst v63  }
0x11d: {  	_ =	swait.ge [sflag:s4], $0x10  }
0x11e: {  	[sflag:s4] =	ssyncset.done $0x0  }
0x11f: {  	[sflag:s4] =	ssyncadd.s32 $0xFFFFFFF0  }
0x120: {  	[bflag:$0x0] =	sbarrier.arrive $0xFFFF  }
0x121: {  	[tilespmem:s18], [sflag:$0x1] =	stream.linear.gather [spmem:s9], $0x40, $0x38;
	[tilespmem:$0x62C0] =	vst v63  }
0x122: {  	_ =	swait.ge [sflag:s4], $0x40  }
0x123: {  	[sflag:s4] =	ssyncset.done $0x0  }
0x124: {  	[sflag:s4] =	ssyncadd.s32 $0xFFFFFFC0  }
0x125: {  	[tilespmem:s19], [sflag:$0x1] =	stream.linear.gather [spmem:s10], $0x40, $0x38;
	[tilespmem:$0x62C0] =	vst v63  }
0x126: {  	_ =	swait.ge [sflag:s4], $0x40  }
0x127: {  	[sflag:s4] =	ssyncset.done $0x0  }
0x128: {  	[sflag:s4] =	ssyncadd.s32 $0xFFFFFFC0  }
0x129: {  	v8 =	vld [tilespmem:$0x6220]  }
0x12a: {  	v54 =	vld [tilespmem:$0x6260]  }
0x12b: {  	v56 =	vmul.u32 $0xFFFFFFFF, v0;
	v55 =	vld [tilespmem:$0x6210]  }
0x12c: {  	v57 =	vld [tilespmem:$0x6250]  }
0x12d: {  	v11 =	vadd.s32 $0xF, v56  }
0x12e: {  	v8 =	vperm.xlane v8, v11  }
0x12f: {  	v9 =	vperm.xlane v54, v11  }
0x130: {  	vm13 =	vgt.f32 v8, v55  }
0x131: {  	v8 =	vsel vm13, v8, v55;
	v9 =	vsel vm13, v9, v57  }
0x132: {  	(xrf1) =	vsort.ascd.msk.f32 $0xffff, v8, v9;
	_ =	sdelay $0x7  }
0x133: {  	v8 =	vld [tilespmem:$0x6230]  }
0x134: {  	v58 =	vld [tilespmem:$0x6270];
	_ =	sdelay $0x3  }
0x135: {  	v8 =	vperm.xlane v8, v11  }
0x136: {  	v9 =	vperm.xlane v58, v11;
	v59, v60, _ =	vpop (xrf1)  }
0x137: {  	vm14 =	vgt.f32 v8, v59  }
0x138: {  	v8 =	vsel vm14, v8, v59;
	v9 =	vsel vm14, v9, v60  }
0x139: {  	(xrf1) =	vsort.ascd.msk.f32 $0xffff, v8, v9;
	_ =	sdelay $0x7  }
0x13a: {  	v8 =	vld [tilespmem:$0x6240]  }
0x13b: {  	v61 =	vld [tilespmem:$0x6280];
	_ =	sdelay $0x3  }
0x13c: {  	v8 =	vperm.xlane v8, v11  }
0x13d: {  	v9 =	vperm.xlane v61, v11;
	v62, v63, _ =	vpop (xrf1)  }
0x13e: {  	vm15 =	vgt.f32 v8, v62  }
0x13f: {  	v8 =	vsel vm15, v8, v62;
	v9 =	vsel vm15, v9, v63  }
0x140: {  	(xrf1) =	vsort.ascd.msk.f32 $0xffff, v8, v9;
	_ =	sdelay $0xd  }
0x141: {  	_, v8, _ =	vpop (xrf1)  }
0x142: {  	v8 =	vperm.xlane v8, v11;
	_ =	sdelay $0x1  }
.Ltmp7:
0x143: {  	[tilespmem:$0x6290] =	vst v8;
	(pc) =	sbr.rel .LBB2_8-.Ltmp7, $4  }
0x144: {  	[hbm4b:s11+s2] =	stream.linear.scatter [tilespmem:s20], [sflag:$0x1], $0x10, $0x38;
	[tilespmem:$0x62C0] =	vst v63  }
0x145: {  	_ =	swait.ge [sflag:s4], $0x10  }
0x146: {  	[sflag:s4] =	ssyncset.done $0x0  }
0x147: {  	[sflag:s4] =	ssyncadd.s32 $0xFFFFFFF0  }
.LBB2_9:
0x148: {  	_ =	sfence.sel $0x180000  }
0x149: {  	[bflag:$0x0] =	sbarrier.arrive $0xFFFF  }
0x14a: {  	_ =	strace $0x90000047  }
0x14b: {  	[bflag:$0x2] =	sbarrier.arrive $0xFFFF  }
0x14c: {  	p0 =	sne.s32 s0, $0x0;
	s0 =	rddreg [dreg:$0x4]  }
0x14d: {  	s0 =	sadd.s32 @!p0 $0x100000, s0  }
0x14e: {  	[sflag:s0] =	ssyncadd.tile.s32 @!p0 $0x1;
	_ =	shalt  }
.Lfunc_end2:
_tile_overlayer_lowered:
.L_overlay_start_2:
0x14f: {  	(tag) =	ssettag $0x2  }
0x150: {  	s0 =	rddreg [dreg:$0x0];
	s2 =	stileid.u32  }
0x151: {  	s1 =	rddreg [dreg:$0x1];
	p0 =	sne.s32 s2, $0x0  }
0x152: {  	s3 =	rddreg [dreg:$0x2];
	[bflag:$0x3] =	sbarrier.arrive $0xFFFF;
	s2 =	simm.s32 @!p0 $0x1C01  }
0x153: {  	[timem:s3], [sflag:s2] =	dma.local @!p0 [hbm:s0], s1  }
0x154: {  	s0 =	simm.s32 @!p0 $0x1  }
0x155: {  	_ =	swait.ge @!p0 [sflag:s0], s1  }
0x156: {  	s1 =	ssub.s32 @!p0 $0x0, s1;
	[sflag:s0] =	ssyncset.done @!p0 $0x0  }
0x157: {  	[sflag:s0] =	ssyncadd.s32 @!p0 s1  }
0x158: {  	[bflag:$0x3] =	sbarrier.arrive $0xFFFF  }
0x159: {  	_ =	shalt  }

</sc_bundles>
